<compile_context>
chip_gen: v7x
topology: tpu7x:2x2x1
jax: 0.10.2.dev20260603
libtpu: 0.0.44.dev20260713+nightly
codegen_flags: <defaults>
</compile_context>

<pallas_src>
import functools
import math

import jax
import jax.numpy as jnp
from jax import lax
from jax.experimental import pallas as pl
from jax.experimental.pallas import tpu as pltpu
from jax.experimental.pallas import tpu_sc as plsc

D = 64
SEQ = 200
HALF = SEQ // 2
MAX_WAVELENGTH = 10000.0
L = 16
NC, NS = 2, 16
NW = NC * NS
DP = 128
NBUF = 4
JU = 4


def _pe_tc_kernel(o_ref):
    pos = lax.broadcasted_iota(jnp.int32, (SEQ, D), 0).astype(jnp.float32)
    d_idx = lax.broadcasted_iota(jnp.int32, (SEQ, D), 1)
    half = ((d_idx // 2) * 2).astype(jnp.float32)
    ts = jnp.exp(half * jnp.float32(-math.log(MAX_WAVELENGTH) / D))
    angles = pos * ts
    cos_mask = (d_idx % 2).astype(jnp.float32)
    o_ref[...] = jnp.sin(angles) * (1.0 - cos_mask) + jnp.cos(angles) * cos_mask


def _emb_sc(x, pe, table, batch):
    spw = batch // NW
    nround = spw // NBUF
    mesh = plsc.VectorSubcoreMesh(core_axis_name="c", subcore_axis_name="s")

    @functools.partial(
        pl.kernel,
        out_type=jax.ShapeDtypeStruct((batch, SEQ, DP), jnp.float32),
        mesh=mesh,
        compiler_params=pltpu.CompilerParams(use_tc_tiling_on_sc=False),
        scratch_types=[
            pltpu.VMEM((spw, 2, HALF), jnp.int32),
            pltpu.VMEM((NBUF, SEQ, D), jnp.float32),
            pltpu.VMEM((SEQ, D), jnp.float32),
        ]
        + [pltpu.SemaphoreType.DMA] * (2 * NBUF),
    )
    def k(x_hbm, pe_hbm, table_hbm, out_hbm, idx_v, rows_v, pe_v, *sems):
        gsem = sems[:NBUF]
        osem = sems[NBUF:]
        wid = lax.axis_index("s") * NC + lax.axis_index("c")
        base = wid * spw
        pltpu.sync_copy(pe_hbm, pe_v)
        pltpu.sync_copy(x_hbm.at[pl.ds(base, spw)], idx_v)

        def issue_gather(i, b):
            pltpu.async_copy(
                table_hbm.at[idx_v.at[i, 0]],
                rows_v.at[b, pl.ds(0, HALF)],
                gsem[b],
            )
            pltpu.async_copy(
                table_hbm.at[idx_v.at[i, 1]],
                rows_v.at[b, pl.ds(HALF, HALF)],
                gsem[b],
            )

        def wait_gather(i, b):
            pltpu.make_async_copy(
                table_hbm.at[idx_v.at[i, 0]],
                rows_v.at[b, pl.ds(0, HALF)],
                gsem[b],
            ).wait()
            pltpu.make_async_copy(
                table_hbm.at[idx_v.at[i, 1]],
                rows_v.at[b, pl.ds(HALF, HALF)],
                gsem[b],
            ).wait()

        def issue_out(i, b):
            pltpu.async_copy(
                rows_v.at[b], out_hbm.at[base + i, slice(None), pl.ds(0, D)], osem[b]
            )

        def wait_out(i, b):
            pltpu.make_async_copy(
                rows_v.at[b], out_hbm.at[base + i, slice(None), pl.ds(0, D)], osem[b]
            ).wait()

        issue_gather(0, 0)

        def round_body(r, carry):
            for b in range(NBUF):
                i = r * NBUF + b
                nxt = i + 1
                bn = (b + 1) % NBUF

                @pl.when(jnp.logical_and(nxt >= NBUF, nxt < spw))
                def _():
                    wait_out(nxt - NBUF, bn)

                @pl.when(nxt < spw)
                def _():
                    issue_gather(nxt, bn)

                wait_gather(i, b)

                def jbody(j0, acc):
                    for ju in range(JU):
                        j = j0 * JU + ju
                        for dd in range(D // L):
                            sl = pl.ds(dd * L, L)
                            rows_v[b, j, sl] = rows_v[b, j, sl] + pe_v[j, sl]
                    return acc

                lax.fori_loop(0, SEQ // JU, jbody, 0)

                issue_out(i, b)
            return carry

        lax.fori_loop(0, nround, round_body, 0)
        for b in range(NBUF):
            wait_out(spw - NBUF + b, b)

    return k(x, pe, table)[:, :, :D]


def kernel(x, table):
    batch, seq = x.shape
    assert seq == SEQ and batch % NW == 0
    xi = x.astype(jnp.int32).reshape(batch, 2, HALF)
    pe = pl.pallas_call(
        _pe_tc_kernel,
        out_shape=jax.ShapeDtypeStruct((SEQ, D), jnp.float32),
    )()
    return _emb_sc(xi, pe, table, batch)

# --- scband reference (transcript-rebuilt; emitter-appended) ---
"""Pipeline reference for scband-token-and-position-embedding-46222438040141 (READ-ONLY COPY).

The authoritative reference and input builder live on the scoring server;
editing this copy changes nothing except your own understanding.
"""

import jax, jax.numpy as jnp
import numpy as np

VOCAB = 1000000
EMBED_DIM = 64
BATCH = 4096
SEQ = 200
MAX_WAVELENGTH = 10000.0


def setup_inputs(seed: int = 0) -> dict:
    key = jax.random.key(seed)
    k1, k2 = jax.random.split(key)
    x = jax.random.randint(k1, (BATCH, SEQ), 0, VOCAB, dtype=jnp.int64 if jax.config.jax_enable_x64 else jnp.int32)
    # he_uniform initializer for embedding table: limit = sqrt(6 / fan_in), fan_in = vocab? Keras uses fan_in of the weight shape.
    limit = np.sqrt(6.0 / VOCAB)
    table = jax.random.uniform(k2, (VOCAB, EMBED_DIM), dtype=jnp.float32, minval=-limit, maxval=limit)
    return {"x": x, "table": table}


def _sine_position_encoding(seq_length, hidden_dim, dtype=jnp.float32):
    position = jnp.arange(seq_length, dtype=dtype)
    min_freq = jnp.asarray(1.0 / MAX_WAVELENGTH, dtype=dtype)
    timescales = jnp.power(
        min_freq,
        (2 * (jnp.arange(hidden_dim) // 2)).astype(dtype) / jnp.asarray(hidden_dim, dtype=dtype),
    )
    angles = position[:, None] * timescales[None, :]
    cos_mask = (jnp.arange(hidden_dim) % 2).astype(dtype)
    sin_mask = 1.0 - cos_mask
    return jnp.sin(angles) * sin_mask + jnp.cos(angles) * cos_mask


def reference(x, table):
    # token embedding: gather rows from table
    embedding = jnp.take(table, x, axis=0)  # [B, S, D]
    pe = _sine_position_encoding(embedding.shape[-2], embedding.shape[-1], embedding.dtype)
    positions = jnp.broadcast_to(pe, embedding.shape)
    return embedding + positions

if __name__ == "__main__":
    import jax
    _d = setup_inputs()
    print(jax.jit(kernel)(*tuple(_d.values())))

</pallas_src>

<mosaic_0001>
#map = affine_map<(d0, d1) -> (0, 0, 0)>
#map1 = affine_map<(d0, d1) -> (0, 0)>
module attributes {stable_mosaic.version = 14 : i64} {
  func.func @k(%arg0: i32, %arg1: i32, %arg2: memref<4096x2x100xi32, #tpu.memory_space<hbm>>, %arg3: memref<200x64xf32, #tpu.memory_space<hbm>>, %arg4: memref<1000000x64xf32, #tpu.memory_space<hbm>>, %arg5: memref<4096x200x128xf32, #tpu.memory_space<hbm>>, %arg6: memref<128x2x100xi32, #tpu.memory_space<vmem>>, %arg7: memref<4x200x64xf32, #tpu.memory_space<vmem>>, %arg8: memref<200x64xf32, #tpu.memory_space<vmem>>, %arg9: memref<!tpu.dma_semaphore, #tpu.memory_space<semaphore_mem>>, %arg10: memref<!tpu.dma_semaphore, #tpu.memory_space<semaphore_mem>>, %arg11: memref<!tpu.dma_semaphore, #tpu.memory_space<semaphore_mem>>, %arg12: memref<!tpu.dma_semaphore, #tpu.memory_space<semaphore_mem>>, %arg13: memref<!tpu.dma_semaphore, #tpu.memory_space<semaphore_mem>>, %arg14: memref<!tpu.dma_semaphore, #tpu.memory_space<semaphore_mem>>, %arg15: memref<!tpu.dma_semaphore, #tpu.memory_space<semaphore_mem>>, %arg16: memref<!tpu.dma_semaphore, #tpu.memory_space<semaphore_mem>>) attributes {dimension_semantics = [#tpu.dimension_semantics<core_parallel>, #tpu.dimension_semantics<subcore_parallel>], iteration_bounds = array<i64: 2, 16>, scalar_prefetch = 0 : i64, scratch_operands = 11 : i64, tpu.core_type = #tpu.core_type<sc_vector_subcore>, window_params = [{transform_indices = #map}, {transform_indices = #map1}, {transform_indices = #map1}, {transform_indices = #map}]} {
    %mul3A = arith.constant 2 : i32
    %mul3A_0 = arith.muli %arg1, %mul3A : i32
    %add3A = arith.addi %mul3A_0, %arg0 : i32
    %mul3A_1 = arith.constant 128 : i32
    %mul3A_2 = arith.muli %add3A, %mul3A_1 : i32
    "tpu.region"() ({
      %run_scoped3A = tpu.sem_alloc : memref<!tpu.dma_semaphore, #tpu.memory_space<semaphore_mem>>
      tpu.enqueue_dma source(%arg3 : memref<200x64xf32, #tpu.memory_space<hbm>>) target(%arg8 : memref<200x64xf32, #tpu.memory_space<vmem>>) target_semaphore(%run_scoped3A : memref<!tpu.dma_semaphore, #tpu.memory_space<semaphore_mem>>)
      tpu.wait_dma2 semaphore(%run_scoped3A : memref<!tpu.dma_semaphore, #tpu.memory_space<semaphore_mem>>) src(%arg3 : memref<200x64xf32, #tpu.memory_space<hbm>>) dst(%arg8 : memref<200x64xf32, #tpu.memory_space<vmem>>)
      tpu.yield
    }) : () -> ()
    "tpu.region"() ({
      %run_scoped3A = tpu.sem_alloc : memref<!tpu.dma_semaphore, #tpu.memory_space<semaphore_mem>>
      %dma_start3A_108 = arith.constant 0 : i32
      %dma_start3A_109 = arith.constant 0 : i32
      %dma_start3A_110 = tpu.memref_slice %arg2[%mul3A_2, %dma_start3A_108, %dma_start3A_109] : memref<4096x2x100xi32, #tpu.memory_space<hbm>> -> memref<128x2x100xi32, #tpu.memory_space<hbm>>
      %dma_start3A_111 = arith.constant 0 : i32
      %dma_start3A_112 = arith.constant 0 : i32
      %dma_start3A_113 = tpu.memref_slice %arg2[%mul3A_2, %dma_start3A_111, %dma_start3A_112] : memref<4096x2x100xi32, #tpu.memory_space<hbm>> -> memref<128x2x100xi32, #tpu.memory_space<hbm>>
      tpu.enqueue_dma source(%dma_start3A_113 : memref<128x2x100xi32, #tpu.memory_space<hbm>>) target(%arg6 : memref<128x2x100xi32, #tpu.memory_space<vmem>>) target_semaphore(%run_scoped3A : memref<!tpu.dma_semaphore, #tpu.memory_space<semaphore_mem>>)
      %dma_wait3A_114 = arith.constant 0 : i32
      %dma_wait3A_115 = arith.constant 0 : i32
      %dma_wait3A_116 = tpu.memref_slice %arg2[%mul3A_2, %dma_wait3A_114, %dma_wait3A_115] : memref<4096x2x100xi32, #tpu.memory_space<hbm>> -> memref<128x2x100xi32, #tpu.memory_space<hbm>>
      %dma_wait3A_117 = arith.constant 0 : i32
      %dma_wait3A_118 = arith.constant 0 : i32
      %dma_wait3A_119 = tpu.memref_slice %arg2[%mul3A_2, %dma_wait3A_117, %dma_wait3A_118] : memref<4096x2x100xi32, #tpu.memory_space<hbm>> -> memref<128x2x100xi32, #tpu.memory_space<hbm>>
      tpu.wait_dma2 semaphore(%run_scoped3A : memref<!tpu.dma_semaphore, #tpu.memory_space<semaphore_mem>>) src(%dma_wait3A_119 : memref<128x2x100xi32, #tpu.memory_space<hbm>>) dst(%arg6 : memref<128x2x100xi32, #tpu.memory_space<vmem>>)
      tpu.yield
    }) : () -> ()
    %dma_start3A = arith.constant 0 : i32
    %dma_start3A_3 = arith.constant 0 : i32
    %dma_start3A_4 = arith.constant 0 : i32
    %dma_start3A_5 = arith.constant 0 : i32
    %dma_start3A_6 = arith.constant 0 : i32
    %dma_start3A_7 = tpu.memref_slice %arg7[%dma_start3A_4, %dma_start3A_5, %dma_start3A_6] : memref<4x200x64xf32, #tpu.memory_space<vmem>> -> memref<1x100x64xf32, #tpu.memory_space<vmem>>
    %dma_start3A_8 = tpu.memref_squeeze %dma_start3A_7 : memref<1x100x64xf32, #tpu.memory_space<vmem>> -> memref<100x64xf32, #tpu.memory_space<vmem>>
    %dma_start3A_9 = arith.constant 0 : i32
    %dma_start3A_10 = tpu.memref_slice %arg6[%dma_start3A, %dma_start3A_3, %dma_start3A_9] : memref<128x2x100xi32, #tpu.memory_space<vmem>> -> memref<1x1x100xi32, #tpu.memory_space<vmem>>
    %dma_start3A_11 = tpu.memref_squeeze %dma_start3A_10 : memref<1x1x100xi32, #tpu.memory_space<vmem>> -> memref<100xi32, #tpu.memory_space<vmem>>
    %dma_start3A_12 = arith.constant 0 : i32
    %dma_start3A_13 = arith.constant 0 : i32
    %dma_start3A_14 = tpu.memref_slice %arg4[%dma_start3A_12, %dma_start3A_13] : memref<1000000x64xf32, #tpu.memory_space<hbm>> -> memref<1000000x64xf32, #tpu.memory_space<hbm>>
    tpu.enqueue_indirect_dma source(%dma_start3A_14 : memref<1000000x64xf32, #tpu.memory_space<hbm>>) target(%dma_start3A_8 : memref<100x64xf32, #tpu.memory_space<vmem>>) offsets(%dma_start3A_11 : memref<100xi32, #tpu.memory_space<vmem>>) semaphore(%arg9 : memref<!tpu.dma_semaphore, #tpu.memory_space<semaphore_mem>>)
    %dma_start3A_15 = arith.constant 0 : i32
    %dma_start3A_16 = arith.constant 1 : i32
    %dma_start3A_17 = arith.constant 0 : i32
    %dma_start3A_18 = arith.constant 100 : i32
    %dma_start3A_19 = arith.constant 0 : i32
    %dma_start3A_20 = tpu.memref_slice %arg7[%dma_start3A_17, %dma_start3A_18, %dma_start3A_19] : memref<4x200x64xf32, #tpu.memory_space<vmem>> -> memref<1x100x64xf32, #tpu.memory_space<vmem>>
    %dma_start3A_21 = tpu.memref_squeeze %dma_start3A_20 : memref<1x100x64xf32, #tpu.memory_space<vmem>> -> memref<100x64xf32, #tpu.memory_space<vmem>>
    %dma_start3A_22 = arith.constant 0 : i32
    %dma_start3A_23 = tpu.memref_slice %arg6[%dma_start3A_15, %dma_start3A_16, %dma_start3A_22] : memref<128x2x100xi32, #tpu.memory_space<vmem>> -> memref<1x1x100xi32, #tpu.memory_space<vmem>>
    %dma_start3A_24 = tpu.memref_squeeze %dma_start3A_23 : memref<1x1x100xi32, #tpu.memory_space<vmem>> -> memref<100xi32, #tpu.memory_space<vmem>>
    %dma_start3A_25 = arith.constant 0 : i32
    %dma_start3A_26 = arith.constant 0 : i32
    %dma_start3A_27 = tpu.memref_slice %arg4[%dma_start3A_25, %dma_start3A_26] : memref<1000000x64xf32, #tpu.memory_space<hbm>> -> memref<1000000x64xf32, #tpu.memory_space<hbm>>
    tpu.enqueue_indirect_dma source(%dma_start3A_27 : memref<1000000x64xf32, #tpu.memory_space<hbm>>) target(%dma_start3A_21 : memref<100x64xf32, #tpu.memory_space<vmem>>) offsets(%dma_start3A_24 : memref<100xi32, #tpu.memory_space<vmem>>) semaphore(%arg9 : memref<!tpu.dma_semaphore, #tpu.memory_space<semaphore_mem>>)
    %scan3A = arith.constant 0 : i32
    %scan3A_28 = arith.constant 0 : i32
    %scan3A_29 = arith.constant 32 : i32
    %scan3A_30 = arith.addi %scan3A_28, %scan3A_29 : i32
    %scan3A_31 = arith.constant 1 : i32
    scf.for %scan3A_108 = %scan3A_28 to %scan3A_30 step %scan3A_31  : i32 {
      %mul3A_109 = arith.constant 4 : i32
      %mul3A_110 = arith.muli %scan3A_108, %mul3A_109 : i32
      %add3A_111 = arith.constant 0 : i32
      %add3A_112 = arith.addi %mul3A_110, %add3A_111 : i32
      %add3A_113 = arith.constant 1 : i32
      %add3A_114 = arith.addi %add3A_112, %add3A_113 : i32
      %ge3A = arith.constant 4 : i32
      %ge3A_115 = arith.cmpi sge, %add3A_114, %ge3A : i32
      %lt3A = arith.constant 128 : i32
      %lt3A_116 = arith.cmpi slt, %add3A_114, %lt3A : i32
      %and3A = arith.andi %ge3A_115, %lt3A_116 : i1
      %convert_element_type3A = arith.extui %and3A : i1 to i32
      %cond3A = arith.constant 0 : i32
      %cond3A_117 = arith.cmpi ne, %convert_element_type3A, %cond3A : i32
      scf.if %cond3A_117 {
        %sub3A = arith.constant 4 : i32
        %sub3A_372 = arith.subi %add3A_114, %sub3A : i32
        %add3A_373 = arith.addi %mul3A_2, %sub3A_372 : i32
        %dma_wait3A_374 = arith.constant 1 : i32
        %dma_wait3A_375 = arith.constant 0 : i32
        %dma_wait3A_376 = arith.constant 0 : i32
        %dma_wait3A_377 = tpu.memref_slice %arg7[%dma_wait3A_374, %dma_wait3A_375, %dma_wait3A_376] : memref<4x200x64xf32, #tpu.memory_space<vmem>> -> memref<1x200x64xf32, #tpu.memory_space<vmem>>
        %dma_wait3A_378 = tpu.memref_squeeze %dma_wait3A_377 : memref<1x200x64xf32, #tpu.memory_space<vmem>> -> memref<200x64xf32, #tpu.memory_space<vmem>>
        %dma_wait3A_379 = arith.constant 0 : i32
        %dma_wait3A_380 = arith.constant 0 : i32
        %dma_wait3A_381 = tpu.memref_slice %arg5[%add3A_373, %dma_wait3A_379, %dma_wait3A_380] : memref<4096x200x128xf32, #tpu.memory_space<hbm>> -> memref<1x200x64xf32, #tpu.memory_space<hbm>>
        %dma_wait3A_382 = tpu.memref_squeeze %dma_wait3A_381 : memref<1x200x64xf32, #tpu.memory_space<hbm>> -> memref<200x64xf32, #tpu.memory_space<hbm>>
        %dma_wait3A_383 = arith.constant 0 : i32
        %dma_wait3A_384 = arith.constant 0 : i32
        %dma_wait3A_385 = tpu.memref_slice %arg5[%add3A_373, %dma_wait3A_383, %dma_wait3A_384] : memref<4096x200x128xf32, #tpu.memory_space<hbm>> -> memref<1x200x64xf32, #tpu.memory_space<hbm>>
        %dma_wait3A_386 = tpu.memref_squeeze %dma_wait3A_385 : memref<1x200x64xf32, #tpu.memory_space<hbm>> -> memref<200x64xf32, #tpu.memory_space<hbm>>
        %dma_wait3A_387 = arith.constant 0 : i32
        %dma_wait3A_388 = arith.constant 0 : i32
        %dma_wait3A_389 = tpu.memref_slice %arg7[%dma_wait3A_374, %dma_wait3A_387, %dma_wait3A_388] : memref<4x200x64xf32, #tpu.memory_space<vmem>> -> memref<1x200x64xf32, #tpu.memory_space<vmem>>
        %dma_wait3A_390 = tpu.memref_squeeze %dma_wait3A_389 : memref<1x200x64xf32, #tpu.memory_space<vmem>> -> memref<200x64xf32, #tpu.memory_space<vmem>>
        tpu.wait_dma2 semaphore(%arg14 : memref<!tpu.dma_semaphore, #tpu.memory_space<semaphore_mem>>) src(%dma_wait3A_390 : memref<200x64xf32, #tpu.memory_space<vmem>>) dst(%dma_wait3A_386 : memref<200x64xf32, #tpu.memory_space<hbm>>)
      } else {
      }
      %lt3A_118 = arith.constant 128 : i32
      %lt3A_119 = arith.cmpi slt, %add3A_114, %lt3A_118 : i32
      %convert_element_type3A_120 = arith.extui %lt3A_119 : i1 to i32
      %cond3A_121 = arith.constant 0 : i32
      %cond3A_122 = arith.cmpi ne, %convert_element_type3A_120, %cond3A_121 : i32
      scf.if %cond3A_122 {
        %dma_start3A_372 = arith.constant 0 : i32
        %dma_start3A_373 = arith.constant 1 : i32
        %dma_start3A_374 = arith.constant 0 : i32
        %dma_start3A_375 = arith.constant 0 : i32
        %dma_start3A_376 = tpu.memref_slice %arg7[%dma_start3A_373, %dma_start3A_374, %dma_start3A_375] : memref<4x200x64xf32, #tpu.memory_space<vmem>> -> memref<1x100x64xf32, #tpu.memory_space<vmem>>
        %dma_start3A_377 = tpu.memref_squeeze %dma_start3A_376 : memref<1x100x64xf32, #tpu.memory_space<vmem>> -> memref<100x64xf32, #tpu.memory_space<vmem>>
        %dma_start3A_378 = arith.constant 0 : i32
        %dma_start3A_379 = tpu.memref_slice %arg6[%add3A_114, %dma_start3A_372, %dma_start3A_378] : memref<128x2x100xi32, #tpu.memory_space<vmem>> -> memref<1x1x100xi32, #tpu.memory_space<vmem>>
        %dma_start3A_380 = tpu.memref_squeeze %dma_start3A_379 : memref<1x1x100xi32, #tpu.memory_space<vmem>> -> memref<100xi32, #tpu.memory_space<vmem>>
        %dma_start3A_381 = arith.constant 0 : i32
        %dma_start3A_382 = arith.constant 0 : i32
        %dma_start3A_383 = tpu.memref_slice %arg4[%dma_start3A_381, %dma_start3A_382] : memref<1000000x64xf32, #tpu.memory_space<hbm>> -> memref<1000000x64xf32, #tpu.memory_space<hbm>>
        tpu.enqueue_indirect_dma source(%dma_start3A_383 : memref<1000000x64xf32, #tpu.memory_space<hbm>>) target(%dma_start3A_377 : memref<100x64xf32, #tpu.memory_space<vmem>>) offsets(%dma_start3A_380 : memref<100xi32, #tpu.memory_space<vmem>>) semaphore(%arg10 : memref<!tpu.dma_semaphore, #tpu.memory_space<semaphore_mem>>)
        %dma_start3A_384 = arith.constant 1 : i32
        %dma_start3A_385 = arith.constant 1 : i32
        %dma_start3A_386 = arith.constant 100 : i32
        %dma_start3A_387 = arith.constant 0 : i32
        %dma_start3A_388 = tpu.memref_slice %arg7[%dma_start3A_385, %dma_start3A_386, %dma_start3A_387] : memref<4x200x64xf32, #tpu.memory_space<vmem>> -> memref<1x100x64xf32, #tpu.memory_space<vmem>>
        %dma_start3A_389 = tpu.memref_squeeze %dma_start3A_388 : memref<1x100x64xf32, #tpu.memory_space<vmem>> -> memref<100x64xf32, #tpu.memory_space<vmem>>
        %dma_start3A_390 = arith.constant 0 : i32
        %dma_start3A_391 = tpu.memref_slice %arg6[%add3A_114, %dma_start3A_384, %dma_start3A_390] : memref<128x2x100xi32, #tpu.memory_space<vmem>> -> memref<1x1x100xi32, #tpu.memory_space<vmem>>
        %dma_start3A_392 = tpu.memref_squeeze %dma_start3A_391 : memref<1x1x100xi32, #tpu.memory_space<vmem>> -> memref<100xi32, #tpu.memory_space<vmem>>
        %dma_start3A_393 = arith.constant 0 : i32
        %dma_start3A_394 = arith.constant 0 : i32
        %dma_start3A_395 = tpu.memref_slice %arg4[%dma_start3A_393, %dma_start3A_394] : memref<1000000x64xf32, #tpu.memory_space<hbm>> -> memref<1000000x64xf32, #tpu.memory_space<hbm>>
        tpu.enqueue_indirect_dma source(%dma_start3A_395 : memref<1000000x64xf32, #tpu.memory_space<hbm>>) target(%dma_start3A_389 : memref<100x64xf32, #tpu.memory_space<vmem>>) offsets(%dma_start3A_392 : memref<100xi32, #tpu.memory_space<vmem>>) semaphore(%arg10 : memref<!tpu.dma_semaphore, #tpu.memory_space<semaphore_mem>>)
      } else {
      }
      %dma_wait3A_123 = arith.constant 0 : i32
      %dma_wait3A_124 = arith.constant 0 : i32
      %dma_wait3A_125 = arith.constant 0 : i32
      %dma_wait3A_126 = arith.constant 0 : i32
      %dma_wait3A_127 = tpu.memref_slice %arg7[%dma_wait3A_124, %dma_wait3A_125, %dma_wait3A_126] : memref<4x200x64xf32, #tpu.memory_space<vmem>> -> memref<1x100x64xf32, #tpu.memory_space<vmem>>
      %dma_wait3A_128 = tpu.memref_squeeze %dma_wait3A_127 : memref<1x100x64xf32, #tpu.memory_space<vmem>> -> memref<100x64xf32, #tpu.memory_space<vmem>>
      %dma_wait3A_129 = arith.constant 0 : i32
      %dma_wait3A_130 = tpu.memref_slice %arg6[%add3A_112, %dma_wait3A_123, %dma_wait3A_129] : memref<128x2x100xi32, #tpu.memory_space<vmem>> -> memref<1x1x100xi32, #tpu.memory_space<vmem>>
      %dma_wait3A_131 = tpu.memref_squeeze %dma_wait3A_130 : memref<1x1x100xi32, #tpu.memory_space<vmem>> -> memref<100xi32, #tpu.memory_space<vmem>>
      %dma_wait3A_132 = arith.constant 0 : i32
      %dma_wait3A_133 = arith.constant 0 : i32
      %dma_wait3A_134 = tpu.memref_slice %arg4[%dma_wait3A_132, %dma_wait3A_133] : memref<1000000x64xf32, #tpu.memory_space<hbm>> -> memref<1000000x64xf32, #tpu.memory_space<hbm>>
      tpu.wait_indirect_dma semaphore(%arg9 : memref<!tpu.dma_semaphore, #tpu.memory_space<semaphore_mem>>) src(%dma_wait3A_134 : memref<1000000x64xf32, #tpu.memory_space<hbm>>) dst(%dma_wait3A_128 : memref<100x64xf32, #tpu.memory_space<vmem>>)
      %dma_wait3A_135 = arith.constant 1 : i32
      %dma_wait3A_136 = arith.constant 0 : i32
      %dma_wait3A_137 = arith.constant 100 : i32
      %dma_wait3A_138 = arith.constant 0 : i32
      %dma_wait3A_139 = tpu.memref_slice %arg7[%dma_wait3A_136, %dma_wait3A_137, %dma_wait3A_138] : memref<4x200x64xf32, #tpu.memory_space<vmem>> -> memref<1x100x64xf32, #tpu.memory_space<vmem>>
      %dma_wait3A_140 = tpu.memref_squeeze %dma_wait3A_139 : memref<1x100x64xf32, #tpu.memory_space<vmem>> -> memref<100x64xf32, #tpu.memory_space<vmem>>
      %dma_wait3A_141 = arith.constant 0 : i32
      %dma_wait3A_142 = tpu.memref_slice %arg6[%add3A_112, %dma_wait3A_135, %dma_wait3A_141] : memref<128x2x100xi32, #tpu.memory_space<vmem>> -> memref<1x1x100xi32, #tpu.memory_space<vmem>>
      %dma_wait3A_143 = tpu.memref_squeeze %dma_wait3A_142 : memref<1x1x100xi32, #tpu.memory_space<vmem>> -> memref<100xi32, #tpu.memory_space<vmem>>
      %dma_wait3A_144 = arith.constant 0 : i32
      %dma_wait3A_145 = arith.constant 0 : i32
      %dma_wait3A_146 = tpu.memref_slice %arg4[%dma_wait3A_144, %dma_wait3A_145] : memref<1000000x64xf32, #tpu.memory_space<hbm>> -> memref<1000000x64xf32, #tpu.memory_space<hbm>>
      tpu.wait_indirect_dma semaphore(%arg9 : memref<!tpu.dma_semaphore, #tpu.memory_space<semaphore_mem>>) src(%dma_wait3A_146 : memref<1000000x64xf32, #tpu.memory_space<hbm>>) dst(%dma_wait3A_140 : memref<100x64xf32, #tpu.memory_space<vmem>>)
      %scan3A_147 = arith.constant 0 : i32
      %scan3A_148 = arith.constant 0 : i32
      %scan3A_149 = arith.constant 50 : i32
      %scan3A_150 = arith.addi %scan3A_148, %scan3A_149 : i32
      %scan3A_151 = arith.constant 1 : i32
      scf.for %scan3A_372 = %scan3A_148 to %scan3A_150 step %scan3A_151  : i32 {
        %mul3A_373 = arith.constant 4 : i32
        %mul3A_374 = arith.muli %scan3A_372, %mul3A_373 : i32
        %add3A_375 = arith.constant 0 : i32
        %add3A_376 = arith.addi %mul3A_374, %add3A_375 : i32
        %get3A = arith.constant 0 : i32
        %get3A_377 = arith.index_cast %get3A : i32 to index
        %get3A_378 = arith.index_cast %add3A_376 : i32 to index
        %get3A_379 = arith.constant 0 : index
        %get3A_380 = tpu.vector_load %arg7[%get3A_377, %get3A_378, %get3A_379] {strides = array<i32>} : memref<4x200x64xf32, #tpu.memory_space<vmem>>, vector<1x1x16xf32>,
        %get3A_381 = vector.shape_cast %get3A_380 : vector<1x1x16xf32> to vector<16xf32>
        %get3A_382 = arith.index_cast %add3A_376 : i32 to index
        %get3A_383 = arith.constant 0 : index
        %get3A_384 = tpu.vector_load %arg8[%get3A_382, %get3A_383] {strides = array<i32>} : memref<200x64xf32, #tpu.memory_space<vmem>>, vector<1x16xf32>,
        %get3A_385 = vector.shape_cast %get3A_384 : vector<1x16xf32> to vector<16xf32>
        %add3A_386 = arith.addf %get3A_381, %get3A_385 : vector<16xf32>
        %swap3A = arith.constant 0 : i32
        %swap3A_387 = arith.index_cast %swap3A : i32 to index
        %swap3A_388 = arith.index_cast %add3A_376 : i32 to index
        %swap3A_389 = arith.constant 0 : index
        %swap3A_390 = tpu.vector_load %arg7[%swap3A_387, %swap3A_388, %swap3A_389] {strides = array<i32>} : memref<4x200x64xf32, #tpu.memory_space<vmem>>, vector<1x1x16xf32>,
        %swap3A_391 = vector.shape_cast %swap3A_390 : vector<1x1x16xf32> to vector<16xf32>
        %swap3A_392 = vector.shape_cast %add3A_386 : vector<16xf32> to vector<1x1x16xf32>
        tpu.vector_store %arg7[%swap3A_387, %swap3A_388, %swap3A_389], %swap3A_392 {strides = array<i32>} : memref<4x200x64xf32, #tpu.memory_space<vmem>>, vector<1x1x16xf32>,
        %get3A_393 = arith.constant 0 : i32
        %get3A_394 = arith.index_cast %get3A_393 : i32 to index
        %get3A_395 = arith.index_cast %add3A_376 : i32 to index
        %get3A_396 = arith.constant 16 : index
        %get3A_397 = tpu.vector_load %arg7[%get3A_394, %get3A_395, %get3A_396] {strides = array<i32>} : memref<4x200x64xf32, #tpu.memory_space<vmem>>, vector<1x1x16xf32>,
        %get3A_398 = vector.shape_cast %get3A_397 : vector<1x1x16xf32> to vector<16xf32>
        %get3A_399 = arith.index_cast %add3A_376 : i32 to index
        %get3A_400 = arith.constant 16 : index
        %get3A_401 = tpu.vector_load %arg8[%get3A_399, %get3A_400] {strides = array<i32>} : memref<200x64xf32, #tpu.memory_space<vmem>>, vector<1x16xf32>,
        %get3A_402 = vector.shape_cast %get3A_401 : vector<1x16xf32> to vector<16xf32>
        %add3A_403 = arith.addf %get3A_398, %get3A_402 : vector<16xf32>
        %swap3A_404 = arith.constant 0 : i32
        %swap3A_405 = arith.index_cast %swap3A_404 : i32 to index
        %swap3A_406 = arith.index_cast %add3A_376 : i32 to index
        %swap3A_407 = arith.constant 16 : index
        %swap3A_408 = tpu.vector_load %arg7[%swap3A_405, %swap3A_406, %swap3A_407] {strides = array<i32>} : memref<4x200x64xf32, #tpu.memory_space<vmem>>, vector<1x1x16xf32>,
        %swap3A_409 = vector.shape_cast %swap3A_408 : vector<1x1x16xf32> to vector<16xf32>
        %swap3A_410 = vector.shape_cast %add3A_403 : vector<16xf32> to vector<1x1x16xf32>
        tpu.vector_store %arg7[%swap3A_405, %swap3A_406, %swap3A_407], %swap3A_410 {strides = array<i32>} : memref<4x200x64xf32, #tpu.memory_space<vmem>>, vector<1x1x16xf32>,
        %get3A_411 = arith.constant 0 : i32
        %get3A_412 = arith.index_cast %get3A_411 : i32 to index
        %get3A_413 = arith.index_cast %add3A_376 : i32 to index
        %get3A_414 = arith.constant 32 : index
        %get3A_415 = tpu.vector_load %arg7[%get3A_412, %get3A_413, %get3A_414] {strides = array<i32>} : memref<4x200x64xf32, #tpu.memory_space<vmem>>, vector<1x1x16xf32>,
        %get3A_416 = vector.shape_cast %get3A_415 : vector<1x1x16xf32> to vector<16xf32>
        %get3A_417 = arith.index_cast %add3A_376 : i32 to index
        %get3A_418 = arith.constant 32 : index
        %get3A_419 = tpu.vector_load %arg8[%get3A_417, %get3A_418] {strides = array<i32>} : memref<200x64xf32, #tpu.memory_space<vmem>>, vector<1x16xf32>,
        %get3A_420 = vector.shape_cast %get3A_419 : vector<1x16xf32> to vector<16xf32>
        %add3A_421 = arith.addf %get3A_416, %get3A_420 : vector<16xf32>
        %swap3A_422 = arith.constant 0 : i32
        %swap3A_423 = arith.index_cast %swap3A_422 : i32 to index
        %swap3A_424 = arith.index_cast %add3A_376 : i32 to index
        %swap3A_425 = arith.constant 32 : index
        %swap3A_426 = tpu.vector_load %arg7[%swap3A_423, %swap3A_424, %swap3A_425] {strides = array<i32>} : memref<4x200x64xf32, #tpu.memory_space<vmem>>, vector<1x1x16xf32>,
        %swap3A_427 = vector.shape_cast %swap3A_426 : vector<1x1x16xf32> to vector<16xf32>
        %swap3A_428 = vector.shape_cast %add3A_421 : vector<16xf32> to vector<1x1x16xf32>
        tpu.vector_store %arg7[%swap3A_423, %swap3A_424, %swap3A_425], %swap3A_428 {strides = array<i32>} : memref<4x200x64xf32, #tpu.memory_space<vmem>>, vector<1x1x16xf32>,
        %get3A_429 = arith.constant 0 : i32
        %get3A_430 = arith.index_cast %get3A_429 : i32 to index
        %get3A_431 = arith.index_cast %add3A_376 : i32 to index
        %get3A_432 = arith.constant 48 : index
        %get3A_433 = tpu.vector_load %arg7[%get3A_430, %get3A_431, %get3A_432] {strides = array<i32>} : memref<4x200x64xf32, #tpu.memory_space<vmem>>, vector<1x1x16xf32>,
        %get3A_434 = vector.shape_cast %get3A_433 : vector<1x1x16xf32> to vector<16xf32>
        %get3A_435 = arith.index_cast %add3A_376 : i32 to index
        %get3A_436 = arith.constant 48 : index
        %get3A_437 = tpu.vector_load %arg8[%get3A_435, %get3A_436] {strides = array<i32>} : memref<200x64xf32, #tpu.memory_space<vmem>>, vector<1x16xf32>,
        %get3A_438 = vector.shape_cast %get3A_437 : vector<1x16xf32> to vector<16xf32>
        %add3A_439 = arith.addf %get3A_434, %get3A_438 : vector<16xf32>
        %swap3A_440 = arith.constant 0 : i32
        %swap3A_441 = arith.index_cast %swap3A_440 : i32 to index
        %swap3A_442 = arith.index_cast %add3A_376 : i32 to index
        %swap3A_443 = arith.constant 48 : index
        %swap3A_444 = tpu.vector_load %arg7[%swap3A_441, %swap3A_442, %swap3A_443] {strides = array<i32>} : memref<4x200x64xf32, #tpu.memory_space<vmem>>, vector<1x1x16xf32>,
        %swap3A_445 = vector.shape_cast %swap3A_444 : vector<1x1x16xf32> to vector<16xf32>
        %swap3A_446 = vector.shape_cast %add3A_439 : vector<16xf32> to vector<1x1x16xf32>
        tpu.vector_store %arg7[%swap3A_441, %swap3A_442, %swap3A_443], %swap3A_446 {strides = array<i32>} : memref<4x200x64xf32, #tpu.memory_space<vmem>>, vector<1x1x16xf32>,
        %mul3A_447 = arith.constant 4 : i32
        %mul3A_448 = arith.muli %scan3A_372, %mul3A_447 : i32
        %add3A_449 = arith.constant 1 : i32
        %add3A_450 = arith.addi %mul3A_448, %add3A_449 : i32
        %get3A_451 = arith.constant 0 : i32
        %get3A_452 = arith.index_cast %get3A_451 : i32 to index
        %get3A_453 = arith.index_cast %add3A_450 : i32 to index
        %get3A_454 = arith.constant 0 : index
        %get3A_455 = tpu.vector_load %arg7[%get3A_452, %get3A_453, %get3A_454] {strides = array<i32>} : memref<4x200x64xf32, #tpu.memory_space<vmem>>, vector<1x1x16xf32>,
        %get3A_456 = vector.shape_cast %get3A_455 : vector<1x1x16xf32> to vector<16xf32>
        %get3A_457 = arith.index_cast %add3A_450 : i32 to index
        %get3A_458 = arith.constant 0 : index
        %get3A_459 = tpu.vector_load %arg8[%get3A_457, %get3A_458] {strides = array<i32>} : memref<200x64xf32, #tpu.memory_space<vmem>>, vector<1x16xf32>,
        %get3A_460 = vector.shape_cast %get3A_459 : vector<1x16xf32> to vector<16xf32>
        %add3A_461 = arith.addf %get3A_456, %get3A_460 : vector<16xf32>
        %swap3A_462 = arith.constant 0 : i32
        %swap3A_463 = arith.index_cast %swap3A_462 : i32 to index
        %swap3A_464 = arith.index_cast %add3A_450 : i32 to index
        %swap3A_465 = arith.constant 0 : index
        %swap3A_466 = tpu.vector_load %arg7[%swap3A_463, %swap3A_464, %swap3A_465] {strides = array<i32>} : memref<4x200x64xf32, #tpu.memory_space<vmem>>, vector<1x1x16xf32>,
        %swap3A_467 = vector.shape_cast %swap3A_466 : vector<1x1x16xf32> to vector<16xf32>
        %swap3A_468 = vector.shape_cast %add3A_461 : vector<16xf32> to vector<1x1x16xf32>
        tpu.vector_store %arg7[%swap3A_463, %swap3A_464, %swap3A_465], %swap3A_468 {strides = array<i32>} : memref<4x200x64xf32, #tpu.memory_space<vmem>>, vector<1x1x16xf32>,
        %get3A_469 = arith.constant 0 : i32
        %get3A_470 = arith.index_cast %get3A_469 : i32 to index
        %get3A_471 = arith.index_cast %add3A_450 : i32 to index
        %get3A_472 = arith.constant 16 : index
        %get3A_473 = tpu.vector_load %arg7[%get3A_470, %get3A_471, %get3A_472] {strides = array<i32>} : memref<4x200x64xf32, #tpu.memory_space<vmem>>, vector<1x1x16xf32>,
        %get3A_474 = vector.shape_cast %get3A_473 : vector<1x1x16xf32> to vector<16xf32>
        %get3A_475 = arith.index_cast %add3A_450 : i32 to index
        %get3A_476 = arith.constant 16 : index
        %get3A_477 = tpu.vector_load %arg8[%get3A_475, %get3A_476] {strides = array<i32>} : memref<200x64xf32, #tpu.memory_space<vmem>>, vector<1x16xf32>,
        %get3A_478 = vector.shape_cast %get3A_477 : vector<1x16xf32> to vector<16xf32>
        %add3A_479 = arith.addf %get3A_474, %get3A_478 : vector<16xf32>
        %swap3A_480 = arith.constant 0 : i32
        %swap3A_481 = arith.index_cast %swap3A_480 : i32 to index
        %swap3A_482 = arith.index_cast %add3A_450 : i32 to index
        %swap3A_483 = arith.constant 16 : index
        %swap3A_484 = tpu.vector_load %arg7[%swap3A_481, %swap3A_482, %swap3A_483] {strides = array<i32>} : memref<4x200x64xf32, #tpu.memory_space<vmem>>, vector<1x1x16xf32>,
        %swap3A_485 = vector.shape_cast %swap3A_484 : vector<1x1x16xf32> to vector<16xf32>
        %swap3A_486 = vector.shape_cast %add3A_479 : vector<16xf32> to vector<1x1x16xf32>
        tpu.vector_store %arg7[%swap3A_481, %swap3A_482, %swap3A_483], %swap3A_486 {strides = array<i32>} : memref<4x200x64xf32, #tpu.memory_space<vmem>>, vector<1x1x16xf32>,
        %get3A_487 = arith.constant 0 : i32
        %get3A_488 = arith.index_cast %get3A_487 : i32 to index
        %get3A_489 = arith.index_cast %add3A_450 : i32 to index
        %get3A_490 = arith.constant 32 : index
        %get3A_491 = tpu.vector_load %arg7[%get3A_488, %get3A_489, %get3A_490] {strides = array<i32>} : memref<4x200x64xf32, #tpu.memory_space<vmem>>, vector<1x1x16xf32>,
        %get3A_492 = vector.shape_cast %get3A_491 : vector<1x1x16xf32> to vector<16xf32>
        %get3A_493 = arith.index_cast %add3A_450 : i32 to index
        %get3A_494 = arith.constant 32 : index
        %get3A_495 = tpu.vector_load %arg8[%get3A_493, %get3A_494] {strides = array<i32>} : memref<200x64xf32, #tpu.memory_space<vmem>>, vector<1x16xf32>,
        %get3A_496 = vector.shape_cast %get3A_495 : vector<1x16xf32> to vector<16xf32>
        %add3A_497 = arith.addf %get3A_492, %get3A_496 : vector<16xf32>
        %swap3A_498 = arith.constant 0 : i32
        %swap3A_499 = arith.index_cast %swap3A_498 : i32 to index
        %swap3A_500 = arith.index_cast %add3A_450 : i32 to index
        %swap3A_501 = arith.constant 32 : index
        %swap3A_502 = tpu.vector_load %arg7[%swap3A_499, %swap3A_500, %swap3A_501] {strides = array<i32>} : memref<4x200x64xf32, #tpu.memory_space<vmem>>, vector<1x1x16xf32>,
        %swap3A_503 = vector.shape_cast %swap3A_502 : vector<1x1x16xf32> to vector<16xf32>
        %swap3A_504 = vector.shape_cast %add3A_497 : vector<16xf32> to vector<1x1x16xf32>
        tpu.vector_store %arg7[%swap3A_499, %swap3A_500, %swap3A_501], %swap3A_504 {strides = array<i32>} : memref<4x200x64xf32, #tpu.memory_space<vmem>>, vector<1x1x16xf32>,
        %get3A_505 = arith.constant 0 : i32
        %get3A_506 = arith.index_cast %get3A_505 : i32 to index
        %get3A_507 = arith.index_cast %add3A_450 : i32 to index
        %get3A_508 = arith.constant 48 : index
        %get3A_509 = tpu.vector_load %arg7[%get3A_506, %get3A_507, %get3A_508] {strides = array<i32>} : memref<4x200x64xf32, #tpu.memory_space<vmem>>, vector<1x1x16xf32>,
        %get3A_510 = vector.shape_cast %get3A_509 : vector<1x1x16xf32> to vector<16xf32>
        %get3A_511 = arith.index_cast %add3A_450 : i32 to index
        %get3A_512 = arith.constant 48 : index
        %get3A_513 = tpu.vector_load %arg8[%get3A_511, %get3A_512] {strides = array<i32>} : memref<200x64xf32, #tpu.memory_space<vmem>>, vector<1x16xf32>,
        %get3A_514 = vector.shape_cast %get3A_513 : vector<1x16xf32> to vector<16xf32>
        %add3A_515 = arith.addf %get3A_510, %get3A_514 : vector<16xf32>
        %swap3A_516 = arith.constant 0 : i32
        %swap3A_517 = arith.index_cast %swap3A_516 : i32 to index
        %swap3A_518 = arith.index_cast %add3A_450 : i32 to index
        %swap3A_519 = arith.constant 48 : index
        %swap3A_520 = tpu.vector_load %arg7[%swap3A_517, %swap3A_518, %swap3A_519] {strides = array<i32>} : memref<4x200x64xf32, #tpu.memory_space<vmem>>, vector<1x1x16xf32>,
        %swap3A_521 = vector.shape_cast %swap3A_520 : vector<1x1x16xf32> to vector<16xf32>
        %swap3A_522 = vector.shape_cast %add3A_515 : vector<16xf32> to vector<1x1x16xf32>
        tpu.vector_store %arg7[%swap3A_517, %swap3A_518, %swap3A_519], %swap3A_522 {strides = array<i32>} : memref<4x200x64xf32, #tpu.memory_space<vmem>>, vector<1x1x16xf32>,
        %mul3A_523 = arith.constant 4 : i32
        %mul3A_524 = arith.muli %scan3A_372, %mul3A_523 : i32
        %add3A_525 = arith.constant 2 : i32
        %add3A_526 = arith.addi %mul3A_524, %add3A_525 : i32
        %get3A_527 = arith.constant 0 : i32
        %get3A_528 = arith.index_cast %get3A_527 : i32 to index
        %get3A_529 = arith.index_cast %add3A_526 : i32 to index
        %get3A_530 = arith.constant 0 : index
        %get3A_531 = tpu.vector_load %arg7[%get3A_528, %get3A_529, %get3A_530] {strides = array<i32>} : memref<4x200x64xf32, #tpu.memory_space<vmem>>, vector<1x1x16xf32>,
        %get3A_532 = vector.shape_cast %get3A_531 : vector<1x1x16xf32> to vector<16xf32>
        %get3A_533 = arith.index_cast %add3A_526 : i32 to index
        %get3A_534 = arith.constant 0 : index
        %get3A_535 = tpu.vector_load %arg8[%get3A_533, %get3A_534] {strides = array<i32>} : memref<200x64xf32, #tpu.memory_space<vmem>>, vector<1x16xf32>,
        %get3A_536 = vector.shape_cast %get3A_535 : vector<1x16xf32> to vector<16xf32>
        %add3A_537 = arith.addf %get3A_532, %get3A_536 : vector<16xf32>
        %swap3A_538 = arith.constant 0 : i32
        %swap3A_539 = arith.index_cast %swap3A_538 : i32 to index
        %swap3A_540 = arith.index_cast %add3A_526 : i32 to index
        %swap3A_541 = arith.constant 0 : index
        %swap3A_542 = tpu.vector_load %arg7[%swap3A_539, %swap3A_540, %swap3A_541] {strides = array<i32>} : memref<4x200x64xf32, #tpu.memory_space<vmem>>, vector<1x1x16xf32>,
        %swap3A_543 = vector.shape_cast %swap3A_542 : vector<1x1x16xf32> to vector<16xf32>
        %swap3A_544 = vector.shape_cast %add3A_537 : vector<16xf32> to vector<1x1x16xf32>
        tpu.vector_store %arg7[%swap3A_539, %swap3A_540, %swap3A_541], %swap3A_544 {strides = array<i32>} : memref<4x200x64xf32, #tpu.memory_space<vmem>>, vector<1x1x16xf32>,
        %get3A_545 = arith.constant 0 : i32
        %get3A_546 = arith.index_cast %get3A_545 : i32 to index
        %get3A_547 = arith.index_cast %add3A_526 : i32 to index
        %get3A_548 = arith.constant 16 : index
        %get3A_549 = tpu.vector_load %arg7[%get3A_546, %get3A_547, %get3A_548] {strides = array<i32>} : memref<4x200x64xf32, #tpu.memory_space<vmem>>, vector<1x1x16xf32>,
        %get3A_550 = vector.shape_cast %get3A_549 : vector<1x1x16xf32> to vector<16xf32>
        %get3A_551 = arith.index_cast %add3A_526 : i32 to index
        %get3A_552 = arith.constant 16 : index
        %get3A_553 = tpu.vector_load %arg8[%get3A_551, %get3A_552] {strides = array<i32>} : memref<200x64xf32, #tpu.memory_space<vmem>>, vector<1x16xf32>,
        %get3A_554 = vector.shape_cast %get3A_553 : vector<1x16xf32> to vector<16xf32>
        %add3A_555 = arith.addf %get3A_550, %get3A_554 : vector<16xf32>
        %swap3A_556 = arith.constant 0 : i32
        %swap3A_557 = arith.index_cast %swap3A_556 : i32 to index
        %swap3A_558 = arith.index_cast %add3A_526 : i32 to index
        %swap3A_559 = arith.constant 16 : index
        %swap3A_560 = tpu.vector_load %arg7[%swap3A_557, %swap3A_558, %swap3A_559] {strides = array<i32>} : memref<4x200x64xf32, #tpu.memory_space<vmem>>, vector<1x1x16xf32>,
        %swap3A_561 = vector.shape_cast %swap3A_560 : vector<1x1x16xf32> to vector<16xf32>
        %swap3A_562 = vector.shape_cast %add3A_555 : vector<16xf32> to vector<1x1x16xf32>
        tpu.vector_store %arg7[%swap3A_557, %swap3A_558, %swap3A_559], %swap3A_562 {strides = array<i32>} : memref<4x200x64xf32, #tpu.memory_space<vmem>>, vector<1x1x16xf32>,
        %get3A_563 = arith.constant 0 : i32
        %get3A_564 = arith.index_cast %get3A_563 : i32 to index
        %get3A_565 = arith.index_cast %add3A_526 : i32 to index
        %get3A_566 = arith.constant 32 : index
        %get3A_567 = tpu.vector_load %arg7[%get3A_564, %get3A_565, %get3A_566] {strides = array<i32>} : memref<4x200x64xf32, #tpu.memory_space<vmem>>, vector<1x1x16xf32>,
        %get3A_568 = vector.shape_cast %get3A_567 : vector<1x1x16xf32> to vector<16xf32>
        %get3A_569 = arith.index_cast %add3A_526 : i32 to index
        %get3A_570 = arith.constant 32 : index
        %get3A_571 = tpu.vector_load %arg8[%get3A_569, %get3A_570] {strides = array<i32>} : memref<200x64xf32, #tpu.memory_space<vmem>>, vector<1x16xf32>,
        %get3A_572 = vector.shape_cast %get3A_571 : vector<1x16xf32> to vector<16xf32>
        %add3A_573 = arith.addf %get3A_568, %get3A_572 : vector<16xf32>
        %swap3A_574 = arith.constant 0 : i32
        %swap3A_575 = arith.index_cast %swap3A_574 : i32 to index
        %swap3A_576 = arith.index_cast %add3A_526 : i32 to index
        %swap3A_577 = arith.constant 32 : index
        %swap3A_578 = tpu.vector_load %arg7[%swap3A_575, %swap3A_576, %swap3A_577] {strides = array<i32>} : memref<4x200x64xf32, #tpu.memory_space<vmem>>, vector<1x1x16xf32>,
        %swap3A_579 = vector.shape_cast %swap3A_578 : vector<1x1x16xf32> to vector<16xf32>
        %swap3A_580 = vector.shape_cast %add3A_573 : vector<16xf32> to vector<1x1x16xf32>
        tpu.vector_store %arg7[%swap3A_575, %swap3A_576, %swap3A_577], %swap3A_580 {strides = array<i32>} : memref<4x200x64xf32, #tpu.memory_space<vmem>>, vector<1x1x16xf32>,
        %get3A_581 = arith.constant 0 : i32
        %get3A_582 = arith.index_cast %get3A_581 : i32 to index
        %get3A_583 = arith.index_cast %add3A_526 : i32 to index
        %get3A_584 = arith.constant 48 : index
        %get3A_585 = tpu.vector_load %arg7[%get3A_582, %get3A_583, %get3A_584] {strides = array<i32>} : memref<4x200x64xf32, #tpu.memory_space<vmem>>, vector<1x1x16xf32>,
        %get3A_586 = vector.shape_cast %get3A_585 : vector<1x1x16xf32> to vector<16xf32>
        %get3A_587 = arith.index_cast %add3A_526 : i32 to index
        %get3A_588 = arith.constant 48 : index
        %get3A_589 = tpu.vector_load %arg8[%get3A_587, %get3A_588] {strides = array<i32>} : memref<200x64xf32, #tpu.memory_space<vmem>>, vector<1x16xf32>,
        %get3A_590 = vector.shape_cast %get3A_589 : vector<1x16xf32> to vector<16xf32>
        %add3A_591 = arith.addf %get3A_586, %get3A_590 : vector<16xf32>
        %swap3A_592 = arith.constant 0 : i32
        %swap3A_593 = arith.index_cast %swap3A_592 : i32 to index
        %swap3A_594 = arith.index_cast %add3A_526 : i32 to index
        %swap3A_595 = arith.constant 48 : index
        %swap3A_596 = tpu.vector_load %arg7[%swap3A_593, %swap3A_594, %swap3A_595] {strides = array<i32>} : memref<4x200x64xf32, #tpu.memory_space<vmem>>, vector<1x1x16xf32>,
        %swap3A_597 = vector.shape_cast %swap3A_596 : vector<1x1x16xf32> to vector<16xf32>
        %swap3A_598 = vector.shape_cast %add3A_591 : vector<16xf32> to vector<1x1x16xf32>
        tpu.vector_store %arg7[%swap3A_593, %swap3A_594, %swap3A_595], %swap3A_598 {strides = array<i32>} : memref<4x200x64xf32, #tpu.memory_space<vmem>>, vector<1x1x16xf32>,
        %mul3A_599 = arith.constant 4 : i32
        %mul3A_600 = arith.muli %scan3A_372, %mul3A_599 : i32
        %add3A_601 = arith.constant 3 : i32
        %add3A_602 = arith.addi %mul3A_600, %add3A_601 : i32
        %get3A_603 = arith.constant 0 : i32
        %get3A_604 = arith.index_cast %get3A_603 : i32 to index
        %get3A_605 = arith.index_cast %add3A_602 : i32 to index
        %get3A_606 = arith.constant 0 : index
        %get3A_607 = tpu.vector_load %arg7[%get3A_604, %get3A_605, %get3A_606] {strides = array<i32>} : memref<4x200x64xf32, #tpu.memory_space<vmem>>, vector<1x1x16xf32>,
        %get3A_608 = vector.shape_cast %get3A_607 : vector<1x1x16xf32> to vector<16xf32>
        %get3A_609 = arith.index_cast %add3A_602 : i32 to index
        %get3A_610 = arith.constant 0 : index
        %get3A_611 = tpu.vector_load %arg8[%get3A_609, %get3A_610] {strides = array<i32>} : memref<200x64xf32, #tpu.memory_space<vmem>>, vector<1x16xf32>,
        %get3A_612 = vector.shape_cast %get3A_611 : vector<1x16xf32> to vector<16xf32>
        %add3A_613 = arith.addf %get3A_608, %get3A_612 : vector<16xf32>
        %swap3A_614 = arith.constant 0 : i32
        %swap3A_615 = arith.index_cast %swap3A_614 : i32 to index
        %swap3A_616 = arith.index_cast %add3A_602 : i32 to index
        %swap3A_617 = arith.constant 0 : index
        %swap3A_618 = tpu.vector_load %arg7[%swap3A_615, %swap3A_616, %swap3A_617] {strides = array<i32>} : memref<4x200x64xf32, #tpu.memory_space<vmem>>, vector<1x1x16xf32>,
        %swap3A_619 = vector.shape_cast %swap3A_618 : vector<1x1x16xf32> to vector<16xf32>
        %swap3A_620 = vector.shape_cast %add3A_613 : vector<16xf32> to vector<1x1x16xf32>
        tpu.vector_store %arg7[%swap3A_615, %swap3A_616, %swap3A_617], %swap3A_620 {strides = array<i32>} : memref<4x200x64xf32, #tpu.memory_space<vmem>>, vector<1x1x16xf32>,
        %get3A_621 = arith.constant 0 : i32
        %get3A_622 = arith.index_cast %get3A_621 : i32 to index
        %get3A_623 = arith.index_cast %add3A_602 : i32 to index
        %get3A_624 = arith.constant 16 : index
        %get3A_625 = tpu.vector_load %arg7[%get3A_622, %get3A_623, %get3A_624] {strides = array<i32>} : memref<4x200x64xf32, #tpu.memory_space<vmem>>, vector<1x1x16xf32>,
        %get3A_626 = vector.shape_cast %get3A_625 : vector<1x1x16xf32> to vector<16xf32>
        %get3A_627 = arith.index_cast %add3A_602 : i32 to index
        %get3A_628 = arith.constant 16 : index
        %get3A_629 = tpu.vector_load %arg8[%get3A_627, %get3A_628] {strides = array<i32>} : memref<200x64xf32, #tpu.memory_space<vmem>>, vector<1x16xf32>,
        %get3A_630 = vector.shape_cast %get3A_629 : vector<1x16xf32> to vector<16xf32>
        %add3A_631 = arith.addf %get3A_626, %get3A_630 : vector<16xf32>
        %swap3A_632 = arith.constant 0 : i32
        %swap3A_633 = arith.index_cast %swap3A_632 : i32 to index
        %swap3A_634 = arith.index_cast %add3A_602 : i32 to index
        %swap3A_635 = arith.constant 16 : index
        %swap3A_636 = tpu.vector_load %arg7[%swap3A_633, %swap3A_634, %swap3A_635] {strides = array<i32>} : memref<4x200x64xf32, #tpu.memory_space<vmem>>, vector<1x1x16xf32>,
        %swap3A_637 = vector.shape_cast %swap3A_636 : vector<1x1x16xf32> to vector<16xf32>
        %swap3A_638 = vector.shape_cast %add3A_631 : vector<16xf32> to vector<1x1x16xf32>
        tpu.vector_store %arg7[%swap3A_633, %swap3A_634, %swap3A_635], %swap3A_638 {strides = array<i32>} : memref<4x200x64xf32, #tpu.memory_space<vmem>>, vector<1x1x16xf32>,
        %get3A_639 = arith.constant 0 : i32
        %get3A_640 = arith.index_cast %get3A_639 : i32 to index
        %get3A_641 = arith.index_cast %add3A_602 : i32 to index
        %get3A_642 = arith.constant 32 : index
        %get3A_643 = tpu.vector_load %arg7[%get3A_640, %get3A_641, %get3A_642] {strides = array<i32>} : memref<4x200x64xf32, #tpu.memory_space<vmem>>, vector<1x1x16xf32>,
        %get3A_644 = vector.shape_cast %get3A_643 : vector<1x1x16xf32> to vector<16xf32>
        %get3A_645 = arith.index_cast %add3A_602 : i32 to index
        %get3A_646 = arith.constant 32 : index
        %get3A_647 = tpu.vector_load %arg8[%get3A_645, %get3A_646] {strides = array<i32>} : memref<200x64xf32, #tpu.memory_space<vmem>>, vector<1x16xf32>,
        %get3A_648 = vector.shape_cast %get3A_647 : vector<1x16xf32> to vector<16xf32>
        %add3A_649 = arith.addf %get3A_644, %get3A_648 : vector<16xf32>
        %swap3A_650 = arith.constant 0 : i32
        %swap3A_651 = arith.index_cast %swap3A_650 : i32 to index
        %swap3A_652 = arith.index_cast %add3A_602 : i32 to index
        %swap3A_653 = arith.constant 32 : index
        %swap3A_654 = tpu.vector_load %arg7[%swap3A_651, %swap3A_652, %swap3A_653] {strides = array<i32>} : memref<4x200x64xf32, #tpu.memory_space<vmem>>, vector<1x1x16xf32>,
        %swap3A_655 = vector.shape_cast %swap3A_654 : vector<1x1x16xf32> to vector<16xf32>
        %swap3A_656 = vector.shape_cast %add3A_649 : vector<16xf32> to vector<1x1x16xf32>
        tpu.vector_store %arg7[%swap3A_651, %swap3A_652, %swap3A_653], %swap3A_656 {strides = array<i32>} : memref<4x200x64xf32, #tpu.memory_space<vmem>>, vector<1x1x16xf32>,
        %get3A_657 = arith.constant 0 : i32
        %get3A_658 = arith.index_cast %get3A_657 : i32 to index
        %get3A_659 = arith.index_cast %add3A_602 : i32 to index
        %get3A_660 = arith.constant 48 : index
        %get3A_661 = tpu.vector_load %arg7[%get3A_658, %get3A_659, %get3A_660] {strides = array<i32>} : memref<4x200x64xf32, #tpu.memory_space<vmem>>, vector<1x1x16xf32>,
        %get3A_662 = vector.shape_cast %get3A_661 : vector<1x1x16xf32> to vector<16xf32>
        %get3A_663 = arith.index_cast %add3A_602 : i32 to index
        %get3A_664 = arith.constant 48 : index
        %get3A_665 = tpu.vector_load %arg8[%get3A_663, %get3A_664] {strides = array<i32>} : memref<200x64xf32, #tpu.memory_space<vmem>>, vector<1x16xf32>,
        %get3A_666 = vector.shape_cast %get3A_665 : vector<1x16xf32> to vector<16xf32>
        %add3A_667 = arith.addf %get3A_662, %get3A_666 : vector<16xf32>
        %swap3A_668 = arith.constant 0 : i32
        %swap3A_669 = arith.index_cast %swap3A_668 : i32 to index
        %swap3A_670 = arith.index_cast %add3A_602 : i32 to index
        %swap3A_671 = arith.constant 48 : index
        %swap3A_672 = tpu.vector_load %arg7[%swap3A_669, %swap3A_670, %swap3A_671] {strides = array<i32>} : memref<4x200x64xf32, #tpu.memory_space<vmem>>, vector<1x1x16xf32>,
        %swap3A_673 = vector.shape_cast %swap3A_672 : vector<1x1x16xf32> to vector<16xf32>
        %swap3A_674 = vector.shape_cast %add3A_667 : vector<16xf32> to vector<1x1x16xf32>
        tpu.vector_store %arg7[%swap3A_669, %swap3A_670, %swap3A_671], %swap3A_674 {strides = array<i32>} : memref<4x200x64xf32, #tpu.memory_space<vmem>>, vector<1x1x16xf32>,
      }
      %scan3A_152 = arith.constant 50 : i32
      %add3A_153 = arith.addi %mul3A_2, %add3A_112 : i32
      %dma_start3A_154 = arith.constant 0 : i32
      %dma_start3A_155 = arith.constant 0 : i32
      %dma_start3A_156 = arith.constant 0 : i32
      %dma_start3A_157 = tpu.memref_slice %arg7[%dma_start3A_154, %dma_start3A_155, %dma_start3A_156] : memref<4x200x64xf32, #tpu.memory_space<vmem>> -> memref<1x200x64xf32, #tpu.memory_space<vmem>>
      %dma_start3A_158 = tpu.memref_squeeze %dma_start3A_157 : memref<1x200x64xf32, #tpu.memory_space<vmem>> -> memref<200x64xf32, #tpu.memory_space<vmem>>
      %dma_start3A_159 = arith.constant 0 : i32
      %dma_start3A_160 = arith.constant 0 : i32
      %dma_start3A_161 = tpu.memref_slice %arg5[%add3A_153, %dma_start3A_159, %dma_start3A_160] : memref<4096x200x128xf32, #tpu.memory_space<hbm>> -> memref<1x200x64xf32, #tpu.memory_space<hbm>>
      %dma_start3A_162 = tpu.memref_squeeze %dma_start3A_161 : memref<1x200x64xf32, #tpu.memory_space<hbm>> -> memref<200x64xf32, #tpu.memory_space<hbm>>
      %dma_start3A_163 = arith.constant 0 : i32
      %dma_start3A_164 = arith.constant 0 : i32
      %dma_start3A_165 = tpu.memref_slice %arg5[%add3A_153, %dma_start3A_163, %dma_start3A_164] : memref<4096x200x128xf32, #tpu.memory_space<hbm>> -> memref<1x200x64xf32, #tpu.memory_space<hbm>>
      %dma_start3A_166 = tpu.memref_squeeze %dma_start3A_165 : memref<1x200x64xf32, #tpu.memory_space<hbm>> -> memref<200x64xf32, #tpu.memory_space<hbm>>
      %dma_start3A_167 = arith.constant 0 : i32
      %dma_start3A_168 = arith.constant 0 : i32
      %dma_start3A_169 = tpu.memref_slice %arg7[%dma_start3A_154, %dma_start3A_167, %dma_start3A_168] : memref<4x200x64xf32, #tpu.memory_space<vmem>> -> memref<1x200x64xf32, #tpu.memory_space<vmem>>
      %dma_start3A_170 = tpu.memref_squeeze %dma_start3A_169 : memref<1x200x64xf32, #tpu.memory_space<vmem>> -> memref<200x64xf32, #tpu.memory_space<vmem>>
      tpu.enqueue_dma source(%dma_start3A_170 : memref<200x64xf32, #tpu.memory_space<vmem>>) target(%dma_start3A_166 : memref<200x64xf32, #tpu.memory_space<hbm>>) target_semaphore(%arg13 : memref<!tpu.dma_semaphore, #tpu.memory_space<semaphore_mem>>)
      %mul3A_171 = arith.constant 4 : i32
      %mul3A_172 = arith.muli %scan3A_108, %mul3A_171 : i32
      %add3A_173 = arith.constant 1 : i32
      %add3A_174 = arith.addi %mul3A_172, %add3A_173 : i32
      %add3A_175 = arith.constant 1 : i32
      %add3A_176 = arith.addi %add3A_174, %add3A_175 : i32
      %ge3A_177 = arith.constant 4 : i32
      %ge3A_178 = arith.cmpi sge, %add3A_176, %ge3A_177 : i32
      %lt3A_179 = arith.constant 128 : i32
      %lt3A_180 = arith.cmpi slt, %add3A_176, %lt3A_179 : i32
      %and3A_181 = arith.andi %ge3A_178, %lt3A_180 : i1
      %convert_element_type3A_182 = arith.extui %and3A_181 : i1 to i32
      %cond3A_183 = arith.constant 0 : i32
      %cond3A_184 = arith.cmpi ne, %convert_element_type3A_182, %cond3A_183 : i32
      scf.if %cond3A_184 {
        %sub3A = arith.constant 4 : i32
        %sub3A_372 = arith.subi %add3A_176, %sub3A : i32
        %add3A_373 = arith.addi %mul3A_2, %sub3A_372 : i32
        %dma_wait3A_374 = arith.constant 2 : i32
        %dma_wait3A_375 = arith.constant 0 : i32
        %dma_wait3A_376 = arith.constant 0 : i32
        %dma_wait3A_377 = tpu.memref_slice %arg7[%dma_wait3A_374, %dma_wait3A_375, %dma_wait3A_376] : memref<4x200x64xf32, #tpu.memory_space<vmem>> -> memref<1x200x64xf32, #tpu.memory_space<vmem>>
        %dma_wait3A_378 = tpu.memref_squeeze %dma_wait3A_377 : memref<1x200x64xf32, #tpu.memory_space<vmem>> -> memref<200x64xf32, #tpu.memory_space<vmem>>
        %dma_wait3A_379 = arith.constant 0 : i32
        %dma_wait3A_380 = arith.constant 0 : i32
        %dma_wait3A_381 = tpu.memref_slice %arg5[%add3A_373, %dma_wait3A_379, %dma_wait3A_380] : memref<4096x200x128xf32, #tpu.memory_space<hbm>> -> memref<1x200x64xf32, #tpu.memory_space<hbm>>
        %dma_wait3A_382 = tpu.memref_squeeze %dma_wait3A_381 : memref<1x200x64xf32, #tpu.memory_space<hbm>> -> memref<200x64xf32, #tpu.memory_space<hbm>>
        %dma_wait3A_383 = arith.constant 0 : i32
        %dma_wait3A_384 = arith.constant 0 : i32
        %dma_wait3A_385 = tpu.memref_slice %arg5[%add3A_373, %dma_wait3A_383, %dma_wait3A_384] : memref<4096x200x128xf32, #tpu.memory_space<hbm>> -> memref<1x200x64xf32, #tpu.memory_space<hbm>>
        %dma_wait3A_386 = tpu.memref_squeeze %dma_wait3A_385 : memref<1x200x64xf32, #tpu.memory_space<hbm>> -> memref<200x64xf32, #tpu.memory_space<hbm>>
        %dma_wait3A_387 = arith.constant 0 : i32
        %dma_wait3A_388 = arith.constant 0 : i32
        %dma_wait3A_389 = tpu.memref_slice %arg7[%dma_wait3A_374, %dma_wait3A_387, %dma_wait3A_388] : memref<4x200x64xf32, #tpu.memory_space<vmem>> -> memref<1x200x64xf32, #tpu.memory_space<vmem>>
        %dma_wait3A_390 = tpu.memref_squeeze %dma_wait3A_389 : memref<1x200x64xf32, #tpu.memory_space<vmem>> -> memref<200x64xf32, #tpu.memory_space<vmem>>
        tpu.wait_dma2 semaphore(%arg15 : memref<!tpu.dma_semaphore, #tpu.memory_space<semaphore_mem>>) src(%dma_wait3A_390 : memref<200x64xf32, #tpu.memory_space<vmem>>) dst(%dma_wait3A_386 : memref<200x64xf32, #tpu.memory_space<hbm>>)
      } else {
      }
      %lt3A_185 = arith.constant 128 : i32
      %lt3A_186 = arith.cmpi slt, %add3A_176, %lt3A_185 : i32
      %convert_element_type3A_187 = arith.extui %lt3A_186 : i1 to i32
      %cond3A_188 = arith.constant 0 : i32
      %cond3A_189 = arith.cmpi ne, %convert_element_type3A_187, %cond3A_188 : i32
      scf.if %cond3A_189 {
        %dma_start3A_372 = arith.constant 0 : i32
        %dma_start3A_373 = arith.constant 2 : i32
        %dma_start3A_374 = arith.constant 0 : i32
        %dma_start3A_375 = arith.constant 0 : i32
        %dma_start3A_376 = tpu.memref_slice %arg7[%dma_start3A_373, %dma_start3A_374, %dma_start3A_375] : memref<4x200x64xf32, #tpu.memory_space<vmem>> -> memref<1x100x64xf32, #tpu.memory_space<vmem>>
        %dma_start3A_377 = tpu.memref_squeeze %dma_start3A_376 : memref<1x100x64xf32, #tpu.memory_space<vmem>> -> memref<100x64xf32, #tpu.memory_space<vmem>>
        %dma_start3A_378 = arith.constant 0 : i32
        %dma_start3A_379 = tpu.memref_slice %arg6[%add3A_176, %dma_start3A_372, %dma_start3A_378] : memref<128x2x100xi32, #tpu.memory_space<vmem>> -> memref<1x1x100xi32, #tpu.memory_space<vmem>>
        %dma_start3A_380 = tpu.memref_squeeze %dma_start3A_379 : memref<1x1x100xi32, #tpu.memory_space<vmem>> -> memref<100xi32, #tpu.memory_space<vmem>>
        %dma_start3A_381 = arith.constant 0 : i32
        %dma_start3A_382 = arith.constant 0 : i32
        %dma_start3A_383 = tpu.memref_slice %arg4[%dma_start3A_381, %dma_start3A_382] : memref<1000000x64xf32, #tpu.memory_space<hbm>> -> memref<1000000x64xf32, #tpu.memory_space<hbm>>
        tpu.enqueue_indirect_dma source(%dma_start3A_383 : memref<1000000x64xf32, #tpu.memory_space<hbm>>) target(%dma_start3A_377 : memref<100x64xf32, #tpu.memory_space<vmem>>) offsets(%dma_start3A_380 : memref<100xi32, #tpu.memory_space<vmem>>) semaphore(%arg11 : memref<!tpu.dma_semaphore, #tpu.memory_space<semaphore_mem>>)
        %dma_start3A_384 = arith.constant 1 : i32
        %dma_start3A_385 = arith.constant 2 : i32
        %dma_start3A_386 = arith.constant 100 : i32
        %dma_start3A_387 = arith.constant 0 : i32
        %dma_start3A_388 = tpu.memref_slice %arg7[%dma_start3A_385, %dma_start3A_386, %dma_start3A_387] : memref<4x200x64xf32, #tpu.memory_space<vmem>> -> memref<1x100x64xf32, #tpu.memory_space<vmem>>
        %dma_start3A_389 = tpu.memref_squeeze %dma_start3A_388 : memref<1x100x64xf32, #tpu.memory_space<vmem>> -> memref<100x64xf32, #tpu.memory_space<vmem>>
        %dma_start3A_390 = arith.constant 0 : i32
        %dma_start3A_391 = tpu.memref_slice %arg6[%add3A_176, %dma_start3A_384, %dma_start3A_390] : memref<128x2x100xi32, #tpu.memory_space<vmem>> -> memref<1x1x100xi32, #tpu.memory_space<vmem>>
        %dma_start3A_392 = tpu.memref_squeeze %dma_start3A_391 : memref<1x1x100xi32, #tpu.memory_space<vmem>> -> memref<100xi32, #tpu.memory_space<vmem>>
        %dma_start3A_393 = arith.constant 0 : i32
        %dma_start3A_394 = arith.constant 0 : i32
        %dma_start3A_395 = tpu.memref_slice %arg4[%dma_start3A_393, %dma_start3A_394] : memref<1000000x64xf32, #tpu.memory_space<hbm>> -> memref<1000000x64xf32, #tpu.memory_space<hbm>>
        tpu.enqueue_indirect_dma source(%dma_start3A_395 : memref<1000000x64xf32, #tpu.memory_space<hbm>>) target(%dma_start3A_389 : memref<100x64xf32, #tpu.memory_space<vmem>>) offsets(%dma_start3A_392 : memref<100xi32, #tpu.memory_space<vmem>>) semaphore(%arg11 : memref<!tpu.dma_semaphore, #tpu.memory_space<semaphore_mem>>)
      } else {
      }
      %dma_wait3A_190 = arith.constant 0 : i32
      %dma_wait3A_191 = arith.constant 1 : i32
      %dma_wait3A_192 = arith.constant 0 : i32
      %dma_wait3A_193 = arith.constant 0 : i32
      %dma_wait3A_194 = tpu.memref_slice %arg7[%dma_wait3A_191, %dma_wait3A_192, %dma_wait3A_193] : memref<4x200x64xf32, #tpu.memory_space<vmem>> -> memref<1x100x64xf32, #tpu.memory_space<vmem>>
      %dma_wait3A_195 = tpu.memref_squeeze %dma_wait3A_194 : memref<1x100x64xf32, #tpu.memory_space<vmem>> -> memref<100x64xf32, #tpu.memory_space<vmem>>
      %dma_wait3A_196 = arith.constant 0 : i32
      %dma_wait3A_197 = tpu.memref_slice %arg6[%add3A_174, %dma_wait3A_190, %dma_wait3A_196] : memref<128x2x100xi32, #tpu.memory_space<vmem>> -> memref<1x1x100xi32, #tpu.memory_space<vmem>>
      %dma_wait3A_198 = tpu.memref_squeeze %dma_wait3A_197 : memref<1x1x100xi32, #tpu.memory_space<vmem>> -> memref<100xi32, #tpu.memory_space<vmem>>
      %dma_wait3A_199 = arith.constant 0 : i32
      %dma_wait3A_200 = arith.constant 0 : i32
      %dma_wait3A_201 = tpu.memref_slice %arg4[%dma_wait3A_199, %dma_wait3A_200] : memref<1000000x64xf32, #tpu.memory_space<hbm>> -> memref<1000000x64xf32, #tpu.memory_space<hbm>>
      tpu.wait_indirect_dma semaphore(%arg10 : memref<!tpu.dma_semaphore, #tpu.memory_space<semaphore_mem>>) src(%dma_wait3A_201 : memref<1000000x64xf32, #tpu.memory_space<hbm>>) dst(%dma_wait3A_195 : memref<100x64xf32, #tpu.memory_space<vmem>>)
      %dma_wait3A_202 = arith.constant 1 : i32
      %dma_wait3A_203 = arith.constant 1 : i32
      %dma_wait3A_204 = arith.constant 100 : i32
      %dma_wait3A_205 = arith.constant 0 : i32
      %dma_wait3A_206 = tpu.memref_slice %arg7[%dma_wait3A_203, %dma_wait3A_204, %dma_wait3A_205] : memref<4x200x64xf32, #tpu.memory_space<vmem>> -> memref<1x100x64xf32, #tpu.memory_space<vmem>>
      %dma_wait3A_207 = tpu.memref_squeeze %dma_wait3A_206 : memref<1x100x64xf32, #tpu.memory_space<vmem>> -> memref<100x64xf32, #tpu.memory_space<vmem>>
      %dma_wait3A_208 = arith.constant 0 : i32
      %dma_wait3A_209 = tpu.memref_slice %arg6[%add3A_174, %dma_wait3A_202, %dma_wait3A_208] : memref<128x2x100xi32, #tpu.memory_space<vmem>> -> memref<1x1x100xi32, #tpu.memory_space<vmem>>
      %dma_wait3A_210 = tpu.memref_squeeze %dma_wait3A_209 : memref<1x1x100xi32, #tpu.memory_space<vmem>> -> memref<100xi32, #tpu.memory_space<vmem>>
      %dma_wait3A_211 = arith.constant 0 : i32
      %dma_wait3A_212 = arith.constant 0 : i32
      %dma_wait3A_213 = tpu.memref_slice %arg4[%dma_wait3A_211, %dma_wait3A_212] : memref<1000000x64xf32, #tpu.memory_space<hbm>> -> memref<1000000x64xf32, #tpu.memory_space<hbm>>
      tpu.wait_indirect_dma semaphore(%arg10 : memref<!tpu.dma_semaphore, #tpu.memory_space<semaphore_mem>>) src(%dma_wait3A_213 : memref<1000000x64xf32, #tpu.memory_space<hbm>>) dst(%dma_wait3A_207 : memref<100x64xf32, #tpu.memory_space<vmem>>)
      %scan3A_214 = arith.constant 0 : i32
      %scan3A_215 = arith.constant 0 : i32
      %scan3A_216 = arith.constant 50 : i32
      %scan3A_217 = arith.addi %scan3A_215, %scan3A_216 : i32
      %scan3A_218 = arith.constant 1 : i32
      scf.for %scan3A_372 = %scan3A_215 to %scan3A_217 step %scan3A_218  : i32 {
        %mul3A_373 = arith.constant 4 : i32
        %mul3A_374 = arith.muli %scan3A_372, %mul3A_373 : i32
        %add3A_375 = arith.constant 0 : i32
        %add3A_376 = arith.addi %mul3A_374, %add3A_375 : i32
        %get3A = arith.constant 1 : i32
        %get3A_377 = arith.index_cast %get3A : i32 to index
        %get3A_378 = arith.index_cast %add3A_376 : i32 to index
        %get3A_379 = arith.constant 0 : index
        %get3A_380 = tpu.vector_load %arg7[%get3A_377, %get3A_378, %get3A_379] {strides = array<i32>} : memref<4x200x64xf32, #tpu.memory_space<vmem>>, vector<1x1x16xf32>,
        %get3A_381 = vector.shape_cast %get3A_380 : vector<1x1x16xf32> to vector<16xf32>
        %get3A_382 = arith.index_cast %add3A_376 : i32 to index
        %get3A_383 = arith.constant 0 : index
        %get3A_384 = tpu.vector_load %arg8[%get3A_382, %get3A_383] {strides = array<i32>} : memref<200x64xf32, #tpu.memory_space<vmem>>, vector<1x16xf32>,
        %get3A_385 = vector.shape_cast %get3A_384 : vector<1x16xf32> to vector<16xf32>
        %add3A_386 = arith.addf %get3A_381, %get3A_385 : vector<16xf32>
        %swap3A = arith.constant 1 : i32
        %swap3A_387 = arith.index_cast %swap3A : i32 to index
        %swap3A_388 = arith.index_cast %add3A_376 : i32 to index
        %swap3A_389 = arith.constant 0 : index
        %swap3A_390 = tpu.vector_load %arg7[%swap3A_387, %swap3A_388, %swap3A_389] {strides = array<i32>} : memref<4x200x64xf32, #tpu.memory_space<vmem>>, vector<1x1x16xf32>,
        %swap3A_391 = vector.shape_cast %swap3A_390 : vector<1x1x16xf32> to vector<16xf32>
        %swap3A_392 = vector.shape_cast %add3A_386 : vector<16xf32> to vector<1x1x16xf32>
        tpu.vector_store %arg7[%swap3A_387, %swap3A_388, %swap3A_389], %swap3A_392 {strides = array<i32>} : memref<4x200x64xf32, #tpu.memory_space<vmem>>, vector<1x1x16xf32>,
        %get3A_393 = arith.constant 1 : i32
        %get3A_394 = arith.index_cast %get3A_393 : i32 to index
        %get3A_395 = arith.index_cast %add3A_376 : i32 to index
        %get3A_396 = arith.constant 16 : index
        %get3A_397 = tpu.vector_load %arg7[%get3A_394, %get3A_395, %get3A_396] {strides = array<i32>} : memref<4x200x64xf32, #tpu.memory_space<vmem>>, vector<1x1x16xf32>,
        %get3A_398 = vector.shape_cast %get3A_397 : vector<1x1x16xf32> to vector<16xf32>
        %get3A_399 = arith.index_cast %add3A_376 : i32 to index
        %get3A_400 = arith.constant 16 : index
        %get3A_401 = tpu.vector_load %arg8[%get3A_399, %get3A_400] {strides = array<i32>} : memref<200x64xf32, #tpu.memory_space<vmem>>, vector<1x16xf32>,
        %get3A_402 = vector.shape_cast %get3A_401 : vector<1x16xf32> to vector<16xf32>
        %add3A_403 = arith.addf %get3A_398, %get3A_402 : vector<16xf32>
        %swap3A_404 = arith.constant 1 : i32
        %swap3A_405 = arith.index_cast %swap3A_404 : i32 to index
        %swap3A_406 = arith.index_cast %add3A_376 : i32 to index
        %swap3A_407 = arith.constant 16 : index
        %swap3A_408 = tpu.vector_load %arg7[%swap3A_405, %swap3A_406, %swap3A_407] {strides = array<i32>} : memref<4x200x64xf32, #tpu.memory_space<vmem>>, vector<1x1x16xf32>,
        %swap3A_409 = vector.shape_cast %swap3A_408 : vector<1x1x16xf32> to vector<16xf32>
        %swap3A_410 = vector.shape_cast %add3A_403 : vector<16xf32> to vector<1x1x16xf32>
        tpu.vector_store %arg7[%swap3A_405, %swap3A_406, %swap3A_407], %swap3A_410 {strides = array<i32>} : memref<4x200x64xf32, #tpu.memory_space<vmem>>, vector<1x1x16xf32>,
        %get3A_411 = arith.constant 1 : i32
        %get3A_412 = arith.index_cast %get3A_411 : i32 to index
        %get3A_413 = arith.index_cast %add3A_376 : i32 to index
        %get3A_414 = arith.constant 32 : index
        %get3A_415 = tpu.vector_load %arg7[%get3A_412, %get3A_413, %get3A_414] {strides = array<i32>} : memref<4x200x64xf32, #tpu.memory_space<vmem>>, vector<1x1x16xf32>,
        %get3A_416 = vector.shape_cast %get3A_415 : vector<1x1x16xf32> to vector<16xf32>
        %get3A_417 = arith.index_cast %add3A_376 : i32 to index
        %get3A_418 = arith.constant 32 : index
        %get3A_419 = tpu.vector_load %arg8[%get3A_417, %get3A_418] {strides = array<i32>} : memref<200x64xf32, #tpu.memory_space<vmem>>, vector<1x16xf32>,
        %get3A_420 = vector.shape_cast %get3A_419 : vector<1x16xf32> to vector<16xf32>
        %add3A_421 = arith.addf %get3A_416, %get3A_420 : vector<16xf32>
        %swap3A_422 = arith.constant 1 : i32
        %swap3A_423 = arith.index_cast %swap3A_422 : i32 to index
        %swap3A_424 = arith.index_cast %add3A_376 : i32 to index
        %swap3A_425 = arith.constant 32 : index
        %swap3A_426 = tpu.vector_load %arg7[%swap3A_423, %swap3A_424, %swap3A_425] {strides = array<i32>} : memref<4x200x64xf32, #tpu.memory_space<vmem>>, vector<1x1x16xf32>,
        %swap3A_427 = vector.shape_cast %swap3A_426 : vector<1x1x16xf32> to vector<16xf32>
        %swap3A_428 = vector.shape_cast %add3A_421 : vector<16xf32> to vector<1x1x16xf32>
        tpu.vector_store %arg7[%swap3A_423, %swap3A_424, %swap3A_425], %swap3A_428 {strides = array<i32>} : memref<4x200x64xf32, #tpu.memory_space<vmem>>, vector<1x1x16xf32>,
        %get3A_429 = arith.constant 1 : i32
        %get3A_430 = arith.index_cast %get3A_429 : i32 to index
        %get3A_431 = arith.index_cast %add3A_376 : i32 to index
        %get3A_432 = arith.constant 48 : index
        %get3A_433 = tpu.vector_load %arg7[%get3A_430, %get3A_431, %get3A_432] {strides = array<i32>} : memref<4x200x64xf32, #tpu.memory_space<vmem>>, vector<1x1x16xf32>,
        %get3A_434 = vector.shape_cast %get3A_433 : vector<1x1x16xf32> to vector<16xf32>
        %get3A_435 = arith.index_cast %add3A_376 : i32 to index
        %get3A_436 = arith.constant 48 : index
        %get3A_437 = tpu.vector_load %arg8[%get3A_435, %get3A_436] {strides = array<i32>} : memref<200x64xf32, #tpu.memory_space<vmem>>, vector<1x16xf32>,
        %get3A_438 = vector.shape_cast %get3A_437 : vector<1x16xf32> to vector<16xf32>
        %add3A_439 = arith.addf %get3A_434, %get3A_438 : vector<16xf32>
        %swap3A_440 = arith.constant 1 : i32
        %swap3A_441 = arith.index_cast %swap3A_440 : i32 to index
        %swap3A_442 = arith.index_cast %add3A_376 : i32 to index
        %swap3A_443 = arith.constant 48 : index
        %swap3A_444 = tpu.vector_load %arg7[%swap3A_441, %swap3A_442, %swap3A_443] {strides = array<i32>} : memref<4x200x64xf32, #tpu.memory_space<vmem>>, vector<1x1x16xf32>,
        %swap3A_445 = vector.shape_cast %swap3A_444 : vector<1x1x16xf32> to vector<16xf32>
        %swap3A_446 = vector.shape_cast %add3A_439 : vector<16xf32> to vector<1x1x16xf32>
        tpu.vector_store %arg7[%swap3A_441, %swap3A_442, %swap3A_443], %swap3A_446 {strides = array<i32>} : memref<4x200x64xf32, #tpu.memory_space<vmem>>, vector<1x1x16xf32>,
        %mul3A_447 = arith.constant 4 : i32
        %mul3A_448 = arith.muli %scan3A_372, %mul3A_447 : i32
        %add3A_449 = arith.constant 1 : i32
        %add3A_450 = arith.addi %mul3A_448, %add3A_449 : i32
        %get3A_451 = arith.constant 1 : i32
        %get3A_452 = arith.index_cast %get3A_451 : i32 to index
        %get3A_453 = arith.index_cast %add3A_450 : i32 to index
        %get3A_454 = arith.constant 0 : index
        %get3A_455 = tpu.vector_load %arg7[%get3A_452, %get3A_453, %get3A_454] {strides = array<i32>} : memref<4x200x64xf32, #tpu.memory_space<vmem>>, vector<1x1x16xf32>,
        %get3A_456 = vector.shape_cast %get3A_455 : vector<1x1x16xf32> to vector<16xf32>
        %get3A_457 = arith.index_cast %add3A_450 : i32 to index
        %get3A_458 = arith.constant 0 : index
        %get3A_459 = tpu.vector_load %arg8[%get3A_457, %get3A_458] {strides = array<i32>} : memref<200x64xf32, #tpu.memory_space<vmem>>, vector<1x16xf32>,
        %get3A_460 = vector.shape_cast %get3A_459 : vector<1x16xf32> to vector<16xf32>
        %add3A_461 = arith.addf %get3A_456, %get3A_460 : vector<16xf32>
        %swap3A_462 = arith.constant 1 : i32
        %swap3A_463 = arith.index_cast %swap3A_462 : i32 to index
        %swap3A_464 = arith.index_cast %add3A_450 : i32 to index
        %swap3A_465 = arith.constant 0 : index
        %swap3A_466 = tpu.vector_load %arg7[%swap3A_463, %swap3A_464, %swap3A_465] {strides = array<i32>} : memref<4x200x64xf32, #tpu.memory_space<vmem>>, vector<1x1x16xf32>,
        %swap3A_467 = vector.shape_cast %swap3A_466 : vector<1x1x16xf32> to vector<16xf32>
        %swap3A_468 = vector.shape_cast %add3A_461 : vector<16xf32> to vector<1x1x16xf32>
        tpu.vector_store %arg7[%swap3A_463, %swap3A_464, %swap3A_465], %swap3A_468 {strides = array<i32>} : memref<4x200x64xf32, #tpu.memory_space<vmem>>, vector<1x1x16xf32>,
        %get3A_469 = arith.constant 1 : i32
        %get3A_470 = arith.index_cast %get3A_469 : i32 to index
        %get3A_471 = arith.index_cast %add3A_450 : i32 to index
        %get3A_472 = arith.constant 16 : index
        %get3A_473 = tpu.vector_load %arg7[%get3A_470, %get3A_471, %get3A_472] {strides = array<i32>} : memref<4x200x64xf32, #tpu.memory_space<vmem>>, vector<1x1x16xf32>,
        %get3A_474 = vector.shape_cast %get3A_473 : vector<1x1x16xf32> to vector<16xf32>
        %get3A_475 = arith.index_cast %add3A_450 : i32 to index
        %get3A_476 = arith.constant 16 : index
        %get3A_477 = tpu.vector_load %arg8[%get3A_475, %get3A_476] {strides = array<i32>} : memref<200x64xf32, #tpu.memory_space<vmem>>, vector<1x16xf32>,
        %get3A_478 = vector.shape_cast %get3A_477 : vector<1x16xf32> to vector<16xf32>
        %add3A_479 = arith.addf %get3A_474, %get3A_478 : vector<16xf32>
        %swap3A_480 = arith.constant 1 : i32
        %swap3A_481 = arith.index_cast %swap3A_480 : i32 to index
        %swap3A_482 = arith.index_cast %add3A_450 : i32 to index
        %swap3A_483 = arith.constant 16 : index
        %swap3A_484 = tpu.vector_load %arg7[%swap3A_481, %swap3A_482, %swap3A_483] {strides = array<i32>} : memref<4x200x64xf32, #tpu.memory_space<vmem>>, vector<1x1x16xf32>,
        %swap3A_485 = vector.shape_cast %swap3A_484 : vector<1x1x16xf32> to vector<16xf32>
        %swap3A_486 = vector.shape_cast %add3A_479 : vector<16xf32> to vector<1x1x16xf32>
        tpu.vector_store %arg7[%swap3A_481, %swap3A_482, %swap3A_483], %swap3A_486 {strides = array<i32>} : memref<4x200x64xf32, #tpu.memory_space<vmem>>, vector<1x1x16xf32>,
        %get3A_487 = arith.constant 1 : i32
        %get3A_488 = arith.index_cast %get3A_487 : i32 to index
        %get3A_489 = arith.index_cast %add3A_450 : i32 to index
        %get3A_490 = arith.constant 32 : index
        %get3A_491 = tpu.vector_load %arg7[%get3A_488, %get3A_489, %get3A_490] {strides = array<i32>} : memref<4x200x64xf32, #tpu.memory_space<vmem>>, vector<1x1x16xf32>,
        %get3A_492 = vector.shape_cast %get3A_491 : vector<1x1x16xf32> to vector<16xf32>
        %get3A_493 = arith.index_cast %add3A_450 : i32 to index
        %get3A_494 = arith.constant 32 : index
        %get3A_495 = tpu.vector_load %arg8[%get3A_493, %get3A_494] {strides = array<i32>} : memref<200x64xf32, #tpu.memory_space<vmem>>, vector<1x16xf32>,
        %get3A_496 = vector.shape_cast %get3A_495 : vector<1x16xf32> to vector<16xf32>
        %add3A_497 = arith.addf %get3A_492, %get3A_496 : vector<16xf32>
        %swap3A_498 = arith.constant 1 : i32
        %swap3A_499 = arith.index_cast %swap3A_498 : i32 to index
        %swap3A_500 = arith.index_cast %add3A_450 : i32 to index
        %swap3A_501 = arith.constant 32 : index
        %swap3A_502 = tpu.vector_load %arg7[%swap3A_499, %swap3A_500, %swap3A_501] {strides = array<i32>} : memref<4x200x64xf32, #tpu.memory_space<vmem>>, vector<1x1x16xf32>,
        %swap3A_503 = vector.shape_cast %swap3A_502 : vector<1x1x16xf32> to vector<16xf32>
        %swap3A_504 = vector.shape_cast %add3A_497 : vector<16xf32> to vector<1x1x16xf32>
        tpu.vector_store %arg7[%swap3A_499, %swap3A_500, %swap3A_501], %swap3A_504 {strides = array<i32>} : memref<4x200x64xf32, #tpu.memory_space<vmem>>, vector<1x1x16xf32>,
        %get3A_505 = arith.constant 1 : i32
        %get3A_506 = arith.index_cast %get3A_505 : i32 to index
        %get3A_507 = arith.index_cast %add3A_450 : i32 to index
        %get3A_508 = arith.constant 48 : index
        %get3A_509 = tpu.vector_load %arg7[%get3A_506, %get3A_507, %get3A_508] {strides = array<i32>} : memref<4x200x64xf32, #tpu.memory_space<vmem>>, vector<1x1x16xf32>,
        %get3A_510 = vector.shape_cast %get3A_509 : vector<1x1x16xf32> to vector<16xf32>
        %get3A_511 = arith.index_cast %add3A_450 : i32 to index
        %get3A_512 = arith.constant 48 : index
        %get3A_513 = tpu.vector_load %arg8[%get3A_511, %get3A_512] {strides = array<i32>} : memref<200x64xf32, #tpu.memory_space<vmem>>, vector<1x16xf32>,
        %get3A_514 = vector.shape_cast %get3A_513 : vector<1x16xf32> to vector<16xf32>
        %add3A_515 = arith.addf %get3A_510, %get3A_514 : vector<16xf32>
        %swap3A_516 = arith.constant 1 : i32
        %swap3A_517 = arith.index_cast %swap3A_516 : i32 to index
        %swap3A_518 = arith.index_cast %add3A_450 : i32 to index
        %swap3A_519 = arith.constant 48 : index
        %swap3A_520 = tpu.vector_load %arg7[%swap3A_517, %swap3A_518, %swap3A_519] {strides = array<i32>} : memref<4x200x64xf32, #tpu.memory_space<vmem>>, vector<1x1x16xf32>,
        %swap3A_521 = vector.shape_cast %swap3A_520 : vector<1x1x16xf32> to vector<16xf32>
        %swap3A_522 = vector.shape_cast %add3A_515 : vector<16xf32> to vector<1x1x16xf32>
        tpu.vector_store %arg7[%swap3A_517, %swap3A_518, %swap3A_519], %swap3A_522 {strides = array<i32>} : memref<4x200x64xf32, #tpu.memory_space<vmem>>, vector<1x1x16xf32>,
        %mul3A_523 = arith.constant 4 : i32
        %mul3A_524 = arith.muli %scan3A_372, %mul3A_523 : i32
        %add3A_525 = arith.constant 2 : i32
        %add3A_526 = arith.addi %mul3A_524, %add3A_525 : i32
        %get3A_527 = arith.constant 1 : i32
        %get3A_528 = arith.index_cast %get3A_527 : i32 to index
        %get3A_529 = arith.index_cast %add3A_526 : i32 to index
        %get3A_530 = arith.constant 0 : index
        %get3A_531 = tpu.vector_load %arg7[%get3A_528, %get3A_529, %get3A_530] {strides = array<i32>} : memref<4x200x64xf32, #tpu.memory_space<vmem>>, vector<1x1x16xf32>,
        %get3A_532 = vector.shape_cast %get3A_531 : vector<1x1x16xf32> to vector<16xf32>
        %get3A_533 = arith.index_cast %add3A_526 : i32 to index
        %get3A_534 = arith.constant 0 : index
        %get3A_535 = tpu.vector_load %arg8[%get3A_533, %get3A_534] {strides = array<i32>} : memref<200x64xf32, #tpu.memory_space<vmem>>, vector<1x16xf32>,
        %get3A_536 = vector.shape_cast %get3A_535 : vector<1x16xf32> to vector<16xf32>
        %add3A_537 = arith.addf %get3A_532, %get3A_536 : vector<16xf32>
        %swap3A_538 = arith.constant 1 : i32
        %swap3A_539 = arith.index_cast %swap3A_538 : i32 to index
        %swap3A_540 = arith.index_cast %add3A_526 : i32 to index
        %swap3A_541 = arith.constant 0 : index
        %swap3A_542 = tpu.vector_load %arg7[%swap3A_539, %swap3A_540, %swap3A_541] {strides = array<i32>} : memref<4x200x64xf32, #tpu.memory_space<vmem>>, vector<1x1x16xf32>,
        %swap3A_543 = vector.shape_cast %swap3A_542 : vector<1x1x16xf32> to vector<16xf32>
        %swap3A_544 = vector.shape_cast %add3A_537 : vector<16xf32> to vector<1x1x16xf32>
        tpu.vector_store %arg7[%swap3A_539, %swap3A_540, %swap3A_541], %swap3A_544 {strides = array<i32>} : memref<4x200x64xf32, #tpu.memory_space<vmem>>, vector<1x1x16xf32>,
        %get3A_545 = arith.constant 1 : i32
        %get3A_546 = arith.index_cast %get3A_545 : i32 to index
        %get3A_547 = arith.index_cast %add3A_526 : i32 to index
        %get3A_548 = arith.constant 16 : index
        %get3A_549 = tpu.vector_load %arg7[%get3A_546, %get3A_547, %get3A_548] {strides = array<i32>} : memref<4x200x64xf32, #tpu.memory_space<vmem>>, vector<1x1x16xf32>,
        %get3A_550 = vector.shape_cast %get3A_549 : vector<1x1x16xf32> to vector<16xf32>
        %get3A_551 = arith.index_cast %add3A_526 : i32 to index
        %get3A_552 = arith.constant 16 : index
        %get3A_553 = tpu.vector_load %arg8[%get3A_551, %get3A_552] {strides = array<i32>} : memref<200x64xf32, #tpu.memory_space<vmem>>, vector<1x16xf32>,
        %get3A_554 = vector.shape_cast %get3A_553 : vector<1x16xf32> to vector<16xf32>
        %add3A_555 = arith.addf %get3A_550, %get3A_554 : vector<16xf32>
        %swap3A_556 = arith.constant 1 : i32
        %swap3A_557 = arith.index_cast %swap3A_556 : i32 to index
        %swap3A_558 = arith.index_cast %add3A_526 : i32 to index
        %swap3A_559 = arith.constant 16 : index
        %swap3A_560 = tpu.vector_load %arg7[%swap3A_557, %swap3A_558, %swap3A_559] {strides = array<i32>} : memref<4x200x64xf32, #tpu.memory_space<vmem>>, vector<1x1x16xf32>,
        %swap3A_561 = vector.shape_cast %swap3A_560 : vector<1x1x16xf32> to vector<16xf32>
        %swap3A_562 = vector.shape_cast %add3A_555 : vector<16xf32> to vector<1x1x16xf32>
        tpu.vector_store %arg7[%swap3A_557, %swap3A_558, %swap3A_559], %swap3A_562 {strides = array<i32>} : memref<4x200x64xf32, #tpu.memory_space<vmem>>, vector<1x1x16xf32>,
        %get3A_563 = arith.constant 1 : i32
        %get3A_564 = arith.index_cast %get3A_563 : i32 to index
        %get3A_565 = arith.index_cast %add3A_526 : i32 to index
        %get3A_566 = arith.constant 32 : index
        %get3A_567 = tpu.vector_load %arg7[%get3A_564, %get3A_565, %get3A_566] {strides = array<i32>} : memref<4x200x64xf32, #tpu.memory_space<vmem>>, vector<1x1x16xf32>,
        %get3A_568 = vector.shape_cast %get3A_567 : vector<1x1x16xf32> to vector<16xf32>
        %get3A_569 = arith.index_cast %add3A_526 : i32 to index
        %get3A_570 = arith.constant 32 : index
        %get3A_571 = tpu.vector_load %arg8[%get3A_569, %get3A_570] {strides = array<i32>} : memref<200x64xf32, #tpu.memory_space<vmem>>, vector<1x16xf32>,
        %get3A_572 = vector.shape_cast %get3A_571 : vector<1x16xf32> to vector<16xf32>
        %add3A_573 = arith.addf %get3A_568, %get3A_572 : vector<16xf32>
        %swap3A_574 = arith.constant 1 : i32
        %swap3A_575 = arith.index_cast %swap3A_574 : i32 to index
        %swap3A_576 = arith.index_cast %add3A_526 : i32 to index
        %swap3A_577 = arith.constant 32 : index
        %swap3A_578 = tpu.vector_load %arg7[%swap3A_575, %swap3A_576, %swap3A_577] {strides = array<i32>} : memref<4x200x64xf32, #tpu.memory_space<vmem>>, vector<1x1x16xf32>,
        %swap3A_579 = vector.shape_cast %swap3A_578 : vector<1x1x16xf32> to vector<16xf32>
        %swap3A_580 = vector.shape_cast %add3A_573 : vector<16xf32> to vector<1x1x16xf32>
        tpu.vector_store %arg7[%swap3A_575, %swap3A_576, %swap3A_577], %swap3A_580 {strides = array<i32>} : memref<4x200x64xf32, #tpu.memory_space<vmem>>, vector<1x1x16xf32>,
        %get3A_581 = arith.constant 1 : i32
        %get3A_582 = arith.index_cast %get3A_581 : i32 to index
        %get3A_583 = arith.index_cast %add3A_526 : i32 to index
        %get3A_584 = arith.constant 48 : index
        %get3A_585 = tpu.vector_load %arg7[%get3A_582, %get3A_583, %get3A_584] {strides = array<i32>} : memref<4x200x64xf32, #tpu.memory_space<vmem>>, vector<1x1x16xf32>,
        %get3A_586 = vector.shape_cast %get3A_585 : vector<1x1x16xf32> to vector<16xf32>
        %get3A_587 = arith.index_cast %add3A_526 : i32 to index
        %get3A_588 = arith.constant 48 : index
        %get3A_589 = tpu.vector_load %arg8[%get3A_587, %get3A_588] {strides = array<i32>} : memref<200x64xf32, #tpu.memory_space<vmem>>, vector<1x16xf32>,
        %get3A_590 = vector.shape_cast %get3A_589 : vector<1x16xf32> to vector<16xf32>
        %add3A_591 = arith.addf %get3A_586, %get3A_590 : vector<16xf32>
        %swap3A_592 = arith.constant 1 : i32
        %swap3A_593 = arith.index_cast %swap3A_592 : i32 to index
        %swap3A_594 = arith.index_cast %add3A_526 : i32 to index
        %swap3A_595 = arith.constant 48 : index
        %swap3A_596 = tpu.vector_load %arg7[%swap3A_593, %swap3A_594, %swap3A_595] {strides = array<i32>} : memref<4x200x64xf32, #tpu.memory_space<vmem>>, vector<1x1x16xf32>,
        %swap3A_597 = vector.shape_cast %swap3A_596 : vector<1x1x16xf32> to vector<16xf32>
        %swap3A_598 = vector.shape_cast %add3A_591 : vector<16xf32> to vector<1x1x16xf32>
        tpu.vector_store %arg7[%swap3A_593, %swap3A_594, %swap3A_595], %swap3A_598 {strides = array<i32>} : memref<4x200x64xf32, #tpu.memory_space<vmem>>, vector<1x1x16xf32>,
        %mul3A_599 = arith.constant 4 : i32
        %mul3A_600 = arith.muli %scan3A_372, %mul3A_599 : i32
        %add3A_601 = arith.constant 3 : i32
        %add3A_602 = arith.addi %mul3A_600, %add3A_601 : i32
        %get3A_603 = arith.constant 1 : i32
        %get3A_604 = arith.index_cast %get3A_603 : i32 to index
        %get3A_605 = arith.index_cast %add3A_602 : i32 to index
        %get3A_606 = arith.constant 0 : index
        %get3A_607 = tpu.vector_load %arg7[%get3A_604, %get3A_605, %get3A_606] {strides = array<i32>} : memref<4x200x64xf32, #tpu.memory_space<vmem>>, vector<1x1x16xf32>,
        %get3A_608 = vector.shape_cast %get3A_607 : vector<1x1x16xf32> to vector<16xf32>
        %get3A_609 = arith.index_cast %add3A_602 : i32 to index
        %get3A_610 = arith.constant 0 : index
        %get3A_611 = tpu.vector_load %arg8[%get3A_609, %get3A_610] {strides = array<i32>} : memref<200x64xf32, #tpu.memory_space<vmem>>, vector<1x16xf32>,
        %get3A_612 = vector.shape_cast %get3A_611 : vector<1x16xf32> to vector<16xf32>
        %add3A_613 = arith.addf %get3A_608, %get3A_612 : vector<16xf32>
        %swap3A_614 = arith.constant 1 : i32
        %swap3A_615 = arith.index_cast %swap3A_614 : i32 to index
        %swap3A_616 = arith.index_cast %add3A_602 : i32 to index
        %swap3A_617 = arith.constant 0 : index
        %swap3A_618 = tpu.vector_load %arg7[%swap3A_615, %swap3A_616, %swap3A_617] {strides = array<i32>} : memref<4x200x64xf32, #tpu.memory_space<vmem>>, vector<1x1x16xf32>,
        %swap3A_619 = vector.shape_cast %swap3A_618 : vector<1x1x16xf32> to vector<16xf32>
        %swap3A_620 = vector.shape_cast %add3A_613 : vector<16xf32> to vector<1x1x16xf32>
        tpu.vector_store %arg7[%swap3A_615, %swap3A_616, %swap3A_617], %swap3A_620 {strides = array<i32>} : memref<4x200x64xf32, #tpu.memory_space<vmem>>, vector<1x1x16xf32>,
        %get3A_621 = arith.constant 1 : i32
        %get3A_622 = arith.index_cast %get3A_621 : i32 to index
        %get3A_623 = arith.index_cast %add3A_602 : i32 to index
        %get3A_624 = arith.constant 16 : index
        %get3A_625 = tpu.vector_load %arg7[%get3A_622, %get3A_623, %get3A_624] {strides = array<i32>} : memref<4x200x64xf32, #tpu.memory_space<vmem>>, vector<1x1x16xf32>,
        %get3A_626 = vector.shape_cast %get3A_625 : vector<1x1x16xf32> to vector<16xf32>
        %get3A_627 = arith.index_cast %add3A_602 : i32 to index
        %get3A_628 = arith.constant 16 : index
        %get3A_629 = tpu.vector_load %arg8[%get3A_627, %get3A_628] {strides = array<i32>} : memref<200x64xf32, #tpu.memory_space<vmem>>, vector<1x16xf32>,
        %get3A_630 = vector.shape_cast %get3A_629 : vector<1x16xf32> to vector<16xf32>
        %add3A_631 = arith.addf %get3A_626, %get3A_630 : vector<16xf32>
        %swap3A_632 = arith.constant 1 : i32
        %swap3A_633 = arith.index_cast %swap3A_632 : i32 to index
        %swap3A_634 = arith.index_cast %add3A_602 : i32 to index
        %swap3A_635 = arith.constant 16 : index
        %swap3A_636 = tpu.vector_load %arg7[%swap3A_633, %swap3A_634, %swap3A_635] {strides = array<i32>} : memref<4x200x64xf32, #tpu.memory_space<vmem>>, vector<1x1x16xf32>,
        %swap3A_637 = vector.shape_cast %swap3A_636 : vector<1x1x16xf32> to vector<16xf32>
        %swap3A_638 = vector.shape_cast %add3A_631 : vector<16xf32> to vector<1x1x16xf32>
        tpu.vector_store %arg7[%swap3A_633, %swap3A_634, %swap3A_635], %swap3A_638 {strides = array<i32>} : memref<4x200x64xf32, #tpu.memory_space<vmem>>, vector<1x1x16xf32>,
        %get3A_639 = arith.constant 1 : i32
        %get3A_640 = arith.index_cast %get3A_639 : i32 to index
        %get3A_641 = arith.index_cast %add3A_602 : i32 to index
        %get3A_642 = arith.constant 32 : index
        %get3A_643 = tpu.vector_load %arg7[%get3A_640, %get3A_641, %get3A_642] {strides = array<i32>} : memref<4x200x64xf32, #tpu.memory_space<vmem>>, vector<1x1x16xf32>,
        %get3A_644 = vector.shape_cast %get3A_643 : vector<1x1x16xf32> to vector<16xf32>
        %get3A_645 = arith.index_cast %add3A_602 : i32 to index
        %get3A_646 = arith.constant 32 : index
        %get3A_647 = tpu.vector_load %arg8[%get3A_645, %get3A_646] {strides = array<i32>} : memref<200x64xf32, #tpu.memory_space<vmem>>, vector<1x16xf32>,
        %get3A_648 = vector.shape_cast %get3A_647 : vector<1x16xf32> to vector<16xf32>
        %add3A_649 = arith.addf %get3A_644, %get3A_648 : vector<16xf32>
        %swap3A_650 = arith.constant 1 : i32
        %swap3A_651 = arith.index_cast %swap3A_650 : i32 to index
        %swap3A_652 = arith.index_cast %add3A_602 : i32 to index
        %swap3A_653 = arith.constant 32 : index
        %swap3A_654 = tpu.vector_load %arg7[%swap3A_651, %swap3A_652, %swap3A_653] {strides = array<i32>} : memref<4x200x64xf32, #tpu.memory_space<vmem>>, vector<1x1x16xf32>,
        %swap3A_655 = vector.shape_cast %swap3A_654 : vector<1x1x16xf32> to vector<16xf32>
        %swap3A_656 = vector.shape_cast %add3A_649 : vector<16xf32> to vector<1x1x16xf32>
        tpu.vector_store %arg7[%swap3A_651, %swap3A_652, %swap3A_653], %swap3A_656 {strides = array<i32>} : memref<4x200x64xf32, #tpu.memory_space<vmem>>, vector<1x1x16xf32>,
        %get3A_657 = arith.constant 1 : i32
        %get3A_658 = arith.index_cast %get3A_657 : i32 to index
        %get3A_659 = arith.index_cast %add3A_602 : i32 to index
        %get3A_660 = arith.constant 48 : index
        %get3A_661 = tpu.vector_load %arg7[%get3A_658, %get3A_659, %get3A_660] {strides = array<i32>} : memref<4x200x64xf32, #tpu.memory_space<vmem>>, vector<1x1x16xf32>,
        %get3A_662 = vector.shape_cast %get3A_661 : vector<1x1x16xf32> to vector<16xf32>
        %get3A_663 = arith.index_cast %add3A_602 : i32 to index
        %get3A_664 = arith.constant 48 : index
        %get3A_665 = tpu.vector_load %arg8[%get3A_663, %get3A_664] {strides = array<i32>} : memref<200x64xf32, #tpu.memory_space<vmem>>, vector<1x16xf32>,
        %get3A_666 = vector.shape_cast %get3A_665 : vector<1x16xf32> to vector<16xf32>
        %add3A_667 = arith.addf %get3A_662, %get3A_666 : vector<16xf32>
        %swap3A_668 = arith.constant 1 : i32
        %swap3A_669 = arith.index_cast %swap3A_668 : i32 to index
        %swap3A_670 = arith.index_cast %add3A_602 : i32 to index
        %swap3A_671 = arith.constant 48 : index
        %swap3A_672 = tpu.vector_load %arg7[%swap3A_669, %swap3A_670, %swap3A_671] {strides = array<i32>} : memref<4x200x64xf32, #tpu.memory_space<vmem>>, vector<1x1x16xf32>,
        %swap3A_673 = vector.shape_cast %swap3A_672 : vector<1x1x16xf32> to vector<16xf32>
        %swap3A_674 = vector.shape_cast %add3A_667 : vector<16xf32> to vector<1x1x16xf32>
        tpu.vector_store %arg7[%swap3A_669, %swap3A_670, %swap3A_671], %swap3A_674 {strides = array<i32>} : memref<4x200x64xf32, #tpu.memory_space<vmem>>, vector<1x1x16xf32>,
      }
      %scan3A_219 = arith.constant 50 : i32
      %add3A_220 = arith.addi %mul3A_2, %add3A_174 : i32
      %dma_start3A_221 = arith.constant 1 : i32
      %dma_start3A_222 = arith.constant 0 : i32
      %dma_start3A_223 = arith.constant 0 : i32
      %dma_start3A_224 = tpu.memref_slice %arg7[%dma_start3A_221, %dma_start3A_222, %dma_start3A_223] : memref<4x200x64xf32, #tpu.memory_space<vmem>> -> memref<1x200x64xf32, #tpu.memory_space<vmem>>
      %dma_start3A_225 = tpu.memref_squeeze %dma_start3A_224 : memref<1x200x64xf32, #tpu.memory_space<vmem>> -> memref<200x64xf32, #tpu.memory_space<vmem>>
      %dma_start3A_226 = arith.constant 0 : i32
      %dma_start3A_227 = arith.constant 0 : i32
      %dma_start3A_228 = tpu.memref_slice %arg5[%add3A_220, %dma_start3A_226, %dma_start3A_227] : memref<4096x200x128xf32, #tpu.memory_space<hbm>> -> memref<1x200x64xf32, #tpu.memory_space<hbm>>
      %dma_start3A_229 = tpu.memref_squeeze %dma_start3A_228 : memref<1x200x64xf32, #tpu.memory_space<hbm>> -> memref<200x64xf32, #tpu.memory_space<hbm>>
      %dma_start3A_230 = arith.constant 0 : i32
      %dma_start3A_231 = arith.constant 0 : i32
      %dma_start3A_232 = tpu.memref_slice %arg5[%add3A_220, %dma_start3A_230, %dma_start3A_231] : memref<4096x200x128xf32, #tpu.memory_space<hbm>> -> memref<1x200x64xf32, #tpu.memory_space<hbm>>
      %dma_start3A_233 = tpu.memref_squeeze %dma_start3A_232 : memref<1x200x64xf32, #tpu.memory_space<hbm>> -> memref<200x64xf32, #tpu.memory_space<hbm>>
      %dma_start3A_234 = arith.constant 0 : i32
      %dma_start3A_235 = arith.constant 0 : i32
      %dma_start3A_236 = tpu.memref_slice %arg7[%dma_start3A_221, %dma_start3A_234, %dma_start3A_235] : memref<4x200x64xf32, #tpu.memory_space<vmem>> -> memref<1x200x64xf32, #tpu.memory_space<vmem>>
      %dma_start3A_237 = tpu.memref_squeeze %dma_start3A_236 : memref<1x200x64xf32, #tpu.memory_space<vmem>> -> memref<200x64xf32, #tpu.memory_space<vmem>>
      tpu.enqueue_dma source(%dma_start3A_237 : memref<200x64xf32, #tpu.memory_space<vmem>>) target(%dma_start3A_233 : memref<200x64xf32, #tpu.memory_space<hbm>>) target_semaphore(%arg14 : memref<!tpu.dma_semaphore, #tpu.memory_space<semaphore_mem>>)
      %mul3A_238 = arith.constant 4 : i32
      %mul3A_239 = arith.muli %scan3A_108, %mul3A_238 : i32
      %add3A_240 = arith.constant 2 : i32
      %add3A_241 = arith.addi %mul3A_239, %add3A_240 : i32
      %add3A_242 = arith.constant 1 : i32
      %add3A_243 = arith.addi %add3A_241, %add3A_242 : i32
      %ge3A_244 = arith.constant 4 : i32
      %ge3A_245 = arith.cmpi sge, %add3A_243, %ge3A_244 : i32
      %lt3A_246 = arith.constant 128 : i32
      %lt3A_247 = arith.cmpi slt, %add3A_243, %lt3A_246 : i32
      %and3A_248 = arith.andi %ge3A_245, %lt3A_247 : i1
      %convert_element_type3A_249 = arith.extui %and3A_248 : i1 to i32
      %cond3A_250 = arith.constant 0 : i32
      %cond3A_251 = arith.cmpi ne, %convert_element_type3A_249, %cond3A_250 : i32
      scf.if %cond3A_251 {
        %sub3A = arith.constant 4 : i32
        %sub3A_372 = arith.subi %add3A_243, %sub3A : i32
        %add3A_373 = arith.addi %mul3A_2, %sub3A_372 : i32
        %dma_wait3A_374 = arith.constant 3 : i32
        %dma_wait3A_375 = arith.constant 0 : i32
        %dma_wait3A_376 = arith.constant 0 : i32
        %dma_wait3A_377 = tpu.memref_slice %arg7[%dma_wait3A_374, %dma_wait3A_375, %dma_wait3A_376] : memref<4x200x64xf32, #tpu.memory_space<vmem>> -> memref<1x200x64xf32, #tpu.memory_space<vmem>>
        %dma_wait3A_378 = tpu.memref_squeeze %dma_wait3A_377 : memref<1x200x64xf32, #tpu.memory_space<vmem>> -> memref<200x64xf32, #tpu.memory_space<vmem>>
        %dma_wait3A_379 = arith.constant 0 : i32
        %dma_wait3A_380 = arith.constant 0 : i32
        %dma_wait3A_381 = tpu.memref_slice %arg5[%add3A_373, %dma_wait3A_379, %dma_wait3A_380] : memref<4096x200x128xf32, #tpu.memory_space<hbm>> -> memref<1x200x64xf32, #tpu.memory_space<hbm>>
        %dma_wait3A_382 = tpu.memref_squeeze %dma_wait3A_381 : memref<1x200x64xf32, #tpu.memory_space<hbm>> -> memref<200x64xf32, #tpu.memory_space<hbm>>
        %dma_wait3A_383 = arith.constant 0 : i32
        %dma_wait3A_384 = arith.constant 0 : i32
        %dma_wait3A_385 = tpu.memref_slice %arg5[%add3A_373, %dma_wait3A_383, %dma_wait3A_384] : memref<4096x200x128xf32, #tpu.memory_space<hbm>> -> memref<1x200x64xf32, #tpu.memory_space<hbm>>
        %dma_wait3A_386 = tpu.memref_squeeze %dma_wait3A_385 : memref<1x200x64xf32, #tpu.memory_space<hbm>> -> memref<200x64xf32, #tpu.memory_space<hbm>>
        %dma_wait3A_387 = arith.constant 0 : i32
        %dma_wait3A_388 = arith.constant 0 : i32
        %dma_wait3A_389 = tpu.memref_slice %arg7[%dma_wait3A_374, %dma_wait3A_387, %dma_wait3A_388] : memref<4x200x64xf32, #tpu.memory_space<vmem>> -> memref<1x200x64xf32, #tpu.memory_space<vmem>>
        %dma_wait3A_390 = tpu.memref_squeeze %dma_wait3A_389 : memref<1x200x64xf32, #tpu.memory_space<vmem>> -> memref<200x64xf32, #tpu.memory_space<vmem>>
        tpu.wait_dma2 semaphore(%arg16 : memref<!tpu.dma_semaphore, #tpu.memory_space<semaphore_mem>>) src(%dma_wait3A_390 : memref<200x64xf32, #tpu.memory_space<vmem>>) dst(%dma_wait3A_386 : memref<200x64xf32, #tpu.memory_space<hbm>>)
      } else {
      }
      %lt3A_252 = arith.constant 128 : i32
      %lt3A_253 = arith.cmpi slt, %add3A_243, %lt3A_252 : i32
      %convert_element_type3A_254 = arith.extui %lt3A_253 : i1 to i32
      %cond3A_255 = arith.constant 0 : i32
      %cond3A_256 = arith.cmpi ne, %convert_element_type3A_254, %cond3A_255 : i32
      scf.if %cond3A_256 {
        %dma_start3A_372 = arith.constant 0 : i32
        %dma_start3A_373 = arith.constant 3 : i32
        %dma_start3A_374 = arith.constant 0 : i32
        %dma_start3A_375 = arith.constant 0 : i32
        %dma_start3A_376 = tpu.memref_slice %arg7[%dma_start3A_373, %dma_start3A_374, %dma_start3A_375] : memref<4x200x64xf32, #tpu.memory_space<vmem>> -> memref<1x100x64xf32, #tpu.memory_space<vmem>>
        %dma_start3A_377 = tpu.memref_squeeze %dma_start3A_376 : memref<1x100x64xf32, #tpu.memory_space<vmem>> -> memref<100x64xf32, #tpu.memory_space<vmem>>
        %dma_start3A_378 = arith.constant 0 : i32
        %dma_start3A_379 = tpu.memref_slice %arg6[%add3A_243, %dma_start3A_372, %dma_start3A_378] : memref<128x2x100xi32, #tpu.memory_space<vmem>> -> memref<1x1x100xi32, #tpu.memory_space<vmem>>
        %dma_start3A_380 = tpu.memref_squeeze %dma_start3A_379 : memref<1x1x100xi32, #tpu.memory_space<vmem>> -> memref<100xi32, #tpu.memory_space<vmem>>
        %dma_start3A_381 = arith.constant 0 : i32
        %dma_start3A_382 = arith.constant 0 : i32
        %dma_start3A_383 = tpu.memref_slice %arg4[%dma_start3A_381, %dma_start3A_382] : memref<1000000x64xf32, #tpu.memory_space<hbm>> -> memref<1000000x64xf32, #tpu.memory_space<hbm>>
        tpu.enqueue_indirect_dma source(%dma_start3A_383 : memref<1000000x64xf32, #tpu.memory_space<hbm>>) target(%dma_start3A_377 : memref<100x64xf32, #tpu.memory_space<vmem>>) offsets(%dma_start3A_380 : memref<100xi32, #tpu.memory_space<vmem>>) semaphore(%arg12 : memref<!tpu.dma_semaphore, #tpu.memory_space<semaphore_mem>>)
        %dma_start3A_384 = arith.constant 1 : i32
        %dma_start3A_385 = arith.constant 3 : i32
        %dma_start3A_386 = arith.constant 100 : i32
        %dma_start3A_387 = arith.constant 0 : i32
        %dma_start3A_388 = tpu.memref_slice %arg7[%dma_start3A_385, %dma_start3A_386, %dma_start3A_387] : memref<4x200x64xf32, #tpu.memory_space<vmem>> -> memref<1x100x64xf32, #tpu.memory_space<vmem>>
        %dma_start3A_389 = tpu.memref_squeeze %dma_start3A_388 : memref<1x100x64xf32, #tpu.memory_space<vmem>> -> memref<100x64xf32, #tpu.memory_space<vmem>>
        %dma_start3A_390 = arith.constant 0 : i32
        %dma_start3A_391 = tpu.memref_slice %arg6[%add3A_243, %dma_start3A_384, %dma_start3A_390] : memref<128x2x100xi32, #tpu.memory_space<vmem>> -> memref<1x1x100xi32, #tpu.memory_space<vmem>>
        %dma_start3A_392 = tpu.memref_squeeze %dma_start3A_391 : memref<1x1x100xi32, #tpu.memory_space<vmem>> -> memref<100xi32, #tpu.memory_space<vmem>>
        %dma_start3A_393 = arith.constant 0 : i32
        %dma_start3A_394 = arith.constant 0 : i32
        %dma_start3A_395 = tpu.memref_slice %arg4[%dma_start3A_393, %dma_start3A_394] : memref<1000000x64xf32, #tpu.memory_space<hbm>> -> memref<1000000x64xf32, #tpu.memory_space<hbm>>
        tpu.enqueue_indirect_dma source(%dma_start3A_395 : memref<1000000x64xf32, #tpu.memory_space<hbm>>) target(%dma_start3A_389 : memref<100x64xf32, #tpu.memory_space<vmem>>) offsets(%dma_start3A_392 : memref<100xi32, #tpu.memory_space<vmem>>) semaphore(%arg12 : memref<!tpu.dma_semaphore, #tpu.memory_space<semaphore_mem>>)
      } else {
      }
      %dma_wait3A_257 = arith.constant 0 : i32
      %dma_wait3A_258 = arith.constant 2 : i32
      %dma_wait3A_259 = arith.constant 0 : i32
      %dma_wait3A_260 = arith.constant 0 : i32
      %dma_wait3A_261 = tpu.memref_slice %arg7[%dma_wait3A_258, %dma_wait3A_259, %dma_wait3A_260] : memref<4x200x64xf32, #tpu.memory_space<vmem>> -> memref<1x100x64xf32, #tpu.memory_space<vmem>>
      %dma_wait3A_262 = tpu.memref_squeeze %dma_wait3A_261 : memref<1x100x64xf32, #tpu.memory_space<vmem>> -> memref<100x64xf32, #tpu.memory_space<vmem>>
      %dma_wait3A_263 = arith.constant 0 : i32
      %dma_wait3A_264 = tpu.memref_slice %arg6[%add3A_241, %dma_wait3A_257, %dma_wait3A_263] : memref<128x2x100xi32, #tpu.memory_space<vmem>> -> memref<1x1x100xi32, #tpu.memory_space<vmem>>
      %dma_wait3A_265 = tpu.memref_squeeze %dma_wait3A_264 : memref<1x1x100xi32, #tpu.memory_space<vmem>> -> memref<100xi32, #tpu.memory_space<vmem>>
      %dma_wait3A_266 = arith.constant 0 : i32
      %dma_wait3A_267 = arith.constant 0 : i32
      %dma_wait3A_268 = tpu.memref_slice %arg4[%dma_wait3A_266, %dma_wait3A_267] : memref<1000000x64xf32, #tpu.memory_space<hbm>> -> memref<1000000x64xf32, #tpu.memory_space<hbm>>
      tpu.wait_indirect_dma semaphore(%arg11 : memref<!tpu.dma_semaphore, #tpu.memory_space<semaphore_mem>>) src(%dma_wait3A_268 : memref<1000000x64xf32, #tpu.memory_space<hbm>>) dst(%dma_wait3A_262 : memref<100x64xf32, #tpu.memory_space<vmem>>)
      %dma_wait3A_269 = arith.constant 1 : i32
      %dma_wait3A_270 = arith.constant 2 : i32
      %dma_wait3A_271 = arith.constant 100 : i32
      %dma_wait3A_272 = arith.constant 0 : i32
      %dma_wait3A_273 = tpu.memref_slice %arg7[%dma_wait3A_270, %dma_wait3A_271, %dma_wait3A_272] : memref<4x200x64xf32, #tpu.memory_space<vmem>> -> memref<1x100x64xf32, #tpu.memory_space<vmem>>
      %dma_wait3A_274 = tpu.memref_squeeze %dma_wait3A_273 : memref<1x100x64xf32, #tpu.memory_space<vmem>> -> memref<100x64xf32, #tpu.memory_space<vmem>>
      %dma_wait3A_275 = arith.constant 0 : i32
      %dma_wait3A_276 = tpu.memref_slice %arg6[%add3A_241, %dma_wait3A_269, %dma_wait3A_275] : memref<128x2x100xi32, #tpu.memory_space<vmem>> -> memref<1x1x100xi32, #tpu.memory_space<vmem>>
      %dma_wait3A_277 = tpu.memref_squeeze %dma_wait3A_276 : memref<1x1x100xi32, #tpu.memory_space<vmem>> -> memref<100xi32, #tpu.memory_space<vmem>>
      %dma_wait3A_278 = arith.constant 0 : i32
      %dma_wait3A_279 = arith.constant 0 : i32
      %dma_wait3A_280 = tpu.memref_slice %arg4[%dma_wait3A_278, %dma_wait3A_279] : memref<1000000x64xf32, #tpu.memory_space<hbm>> -> memref<1000000x64xf32, #tpu.memory_space<hbm>>
      tpu.wait_indirect_dma semaphore(%arg11 : memref<!tpu.dma_semaphore, #tpu.memory_space<semaphore_mem>>) src(%dma_wait3A_280 : memref<1000000x64xf32, #tpu.memory_space<hbm>>) dst(%dma_wait3A_274 : memref<100x64xf32, #tpu.memory_space<vmem>>)
      %scan3A_281 = arith.constant 0 : i32
      %scan3A_282 = arith.constant 0 : i32
      %scan3A_283 = arith.constant 50 : i32
      %scan3A_284 = arith.addi %scan3A_282, %scan3A_283 : i32
      %scan3A_285 = arith.constant 1 : i32
      scf.for %scan3A_372 = %scan3A_282 to %scan3A_284 step %scan3A_285  : i32 {
        %mul3A_373 = arith.constant 4 : i32
        %mul3A_374 = arith.muli %scan3A_372, %mul3A_373 : i32
        %add3A_375 = arith.constant 0 : i32
        %add3A_376 = arith.addi %mul3A_374, %add3A_375 : i32
        %get3A = arith.constant 2 : i32
        %get3A_377 = arith.index_cast %get3A : i32 to index
        %get3A_378 = arith.index_cast %add3A_376 : i32 to index
        %get3A_379 = arith.constant 0 : index
        %get3A_380 = tpu.vector_load %arg7[%get3A_377, %get3A_378, %get3A_379] {strides = array<i32>} : memref<4x200x64xf32, #tpu.memory_space<vmem>>, vector<1x1x16xf32>,
        %get3A_381 = vector.shape_cast %get3A_380 : vector<1x1x16xf32> to vector<16xf32>
        %get3A_382 = arith.index_cast %add3A_376 : i32 to index
        %get3A_383 = arith.constant 0 : index
        %get3A_384 = tpu.vector_load %arg8[%get3A_382, %get3A_383] {strides = array<i32>} : memref<200x64xf32, #tpu.memory_space<vmem>>, vector<1x16xf32>,
        %get3A_385 = vector.shape_cast %get3A_384 : vector<1x16xf32> to vector<16xf32>
        %add3A_386 = arith.addf %get3A_381, %get3A_385 : vector<16xf32>
        %swap3A = arith.constant 2 : i32
        %swap3A_387 = arith.index_cast %swap3A : i32 to index
        %swap3A_388 = arith.index_cast %add3A_376 : i32 to index
        %swap3A_389 = arith.constant 0 : index
        %swap3A_390 = tpu.vector_load %arg7[%swap3A_387, %swap3A_388, %swap3A_389] {strides = array<i32>} : memref<4x200x64xf32, #tpu.memory_space<vmem>>, vector<1x1x16xf32>,
        %swap3A_391 = vector.shape_cast %swap3A_390 : vector<1x1x16xf32> to vector<16xf32>
        %swap3A_392 = vector.shape_cast %add3A_386 : vector<16xf32> to vector<1x1x16xf32>
        tpu.vector_store %arg7[%swap3A_387, %swap3A_388, %swap3A_389], %swap3A_392 {strides = array<i32>} : memref<4x200x64xf32, #tpu.memory_space<vmem>>, vector<1x1x16xf32>,
        %get3A_393 = arith.constant 2 : i32
        %get3A_394 = arith.index_cast %get3A_393 : i32 to index
        %get3A_395 = arith.index_cast %add3A_376 : i32 to index
        %get3A_396 = arith.constant 16 : index
        %get3A_397 = tpu.vector_load %arg7[%get3A_394, %get3A_395, %get3A_396] {strides = array<i32>} : memref<4x200x64xf32, #tpu.memory_space<vmem>>, vector<1x1x16xf32>,
        %get3A_398 = vector.shape_cast %get3A_397 : vector<1x1x16xf32> to vector<16xf32>
        %get3A_399 = arith.index_cast %add3A_376 : i32 to index
        %get3A_400 = arith.constant 16 : index
        %get3A_401 = tpu.vector_load %arg8[%get3A_399, %get3A_400] {strides = array<i32>} : memref<200x64xf32, #tpu.memory_space<vmem>>, vector<1x16xf32>,
        %get3A_402 = vector.shape_cast %get3A_401 : vector<1x16xf32> to vector<16xf32>
        %add3A_403 = arith.addf %get3A_398, %get3A_402 : vector<16xf32>
        %swap3A_404 = arith.constant 2 : i32
        %swap3A_405 = arith.index_cast %swap3A_404 : i32 to index
        %swap3A_406 = arith.index_cast %add3A_376 : i32 to index
        %swap3A_407 = arith.constant 16 : index
        %swap3A_408 = tpu.vector_load %arg7[%swap3A_405, %swap3A_406, %swap3A_407] {strides = array<i32>} : memref<4x200x64xf32, #tpu.memory_space<vmem>>, vector<1x1x16xf32>,
        %swap3A_409 = vector.shape_cast %swap3A_408 : vector<1x1x16xf32> to vector<16xf32>
        %swap3A_410 = vector.shape_cast %add3A_403 : vector<16xf32> to vector<1x1x16xf32>
        tpu.vector_store %arg7[%swap3A_405, %swap3A_406, %swap3A_407], %swap3A_410 {strides = array<i32>} : memref<4x200x64xf32, #tpu.memory_space<vmem>>, vector<1x1x16xf32>,
        %get3A_411 = arith.constant 2 : i32
        %get3A_412 = arith.index_cast %get3A_411 : i32 to index
        %get3A_413 = arith.index_cast %add3A_376 : i32 to index
        %get3A_414 = arith.constant 32 : index
        %get3A_415 = tpu.vector_load %arg7[%get3A_412, %get3A_413, %get3A_414] {strides = array<i32>} : memref<4x200x64xf32, #tpu.memory_space<vmem>>, vector<1x1x16xf32>,
        %get3A_416 = vector.shape_cast %get3A_415 : vector<1x1x16xf32> to vector<16xf32>
        %get3A_417 = arith.index_cast %add3A_376 : i32 to index
        %get3A_418 = arith.constant 32 : index
        %get3A_419 = tpu.vector_load %arg8[%get3A_417, %get3A_418] {strides = array<i32>} : memref<200x64xf32, #tpu.memory_space<vmem>>, vector<1x16xf32>,
        %get3A_420 = vector.shape_cast %get3A_419 : vector<1x16xf32> to vector<16xf32>
        %add3A_421 = arith.addf %get3A_416, %get3A_420 : vector<16xf32>
        %swap3A_422 = arith.constant 2 : i32
        %swap3A_423 = arith.index_cast %swap3A_422 : i32 to index
        %swap3A_424 = arith.index_cast %add3A_376 : i32 to index
        %swap3A_425 = arith.constant 32 : index
        %swap3A_426 = tpu.vector_load %arg7[%swap3A_423, %swap3A_424, %swap3A_425] {strides = array<i32>} : memref<4x200x64xf32, #tpu.memory_space<vmem>>, vector<1x1x16xf32>,
        %swap3A_427 = vector.shape_cast %swap3A_426 : vector<1x1x16xf32> to vector<16xf32>
        %swap3A_428 = vector.shape_cast %add3A_421 : vector<16xf32> to vector<1x1x16xf32>
        tpu.vector_store %arg7[%swap3A_423, %swap3A_424, %swap3A_425], %swap3A_428 {strides = array<i32>} : memref<4x200x64xf32, #tpu.memory_space<vmem>>, vector<1x1x16xf32>,
        %get3A_429 = arith.constant 2 : i32
        %get3A_430 = arith.index_cast %get3A_429 : i32 to index
        %get3A_431 = arith.index_cast %add3A_376 : i32 to index
        %get3A_432 = arith.constant 48 : index
        %get3A_433 = tpu.vector_load %arg7[%get3A_430, %get3A_431, %get3A_432] {strides = array<i32>} : memref<4x200x64xf32, #tpu.memory_space<vmem>>, vector<1x1x16xf32>,
        %get3A_434 = vector.shape_cast %get3A_433 : vector<1x1x16xf32> to vector<16xf32>
        %get3A_435 = arith.index_cast %add3A_376 : i32 to index
        %get3A_436 = arith.constant 48 : index
        %get3A_437 = tpu.vector_load %arg8[%get3A_435, %get3A_436] {strides = array<i32>} : memref<200x64xf32, #tpu.memory_space<vmem>>, vector<1x16xf32>,
        %get3A_438 = vector.shape_cast %get3A_437 : vector<1x16xf32> to vector<16xf32>
        %add3A_439 = arith.addf %get3A_434, %get3A_438 : vector<16xf32>
        %swap3A_440 = arith.constant 2 : i32
        %swap3A_441 = arith.index_cast %swap3A_440 : i32 to index
        %swap3A_442 = arith.index_cast %add3A_376 : i32 to index
        %swap3A_443 = arith.constant 48 : index
        %swap3A_444 = tpu.vector_load %arg7[%swap3A_441, %swap3A_442, %swap3A_443] {strides = array<i32>} : memref<4x200x64xf32, #tpu.memory_space<vmem>>, vector<1x1x16xf32>,
        %swap3A_445 = vector.shape_cast %swap3A_444 : vector<1x1x16xf32> to vector<16xf32>
        %swap3A_446 = vector.shape_cast %add3A_439 : vector<16xf32> to vector<1x1x16xf32>
        tpu.vector_store %arg7[%swap3A_441, %swap3A_442, %swap3A_443], %swap3A_446 {strides = array<i32>} : memref<4x200x64xf32, #tpu.memory_space<vmem>>, vector<1x1x16xf32>,
        %mul3A_447 = arith.constant 4 : i32
        %mul3A_448 = arith.muli %scan3A_372, %mul3A_447 : i32
        %add3A_449 = arith.constant 1 : i32
        %add3A_450 = arith.addi %mul3A_448, %add3A_449 : i32
        %get3A_451 = arith.constant 2 : i32
        %get3A_452 = arith.index_cast %get3A_451 : i32 to index
        %get3A_453 = arith.index_cast %add3A_450 : i32 to index
        %get3A_454 = arith.constant 0 : index
        %get3A_455 = tpu.vector_load %arg7[%get3A_452, %get3A_453, %get3A_454] {strides = array<i32>} : memref<4x200x64xf32, #tpu.memory_space<vmem>>, vector<1x1x16xf32>,
        %get3A_456 = vector.shape_cast %get3A_455 : vector<1x1x16xf32> to vector<16xf32>
        %get3A_457 = arith.index_cast %add3A_450 : i32 to index
        %get3A_458 = arith.constant 0 : index
        %get3A_459 = tpu.vector_load %arg8[%get3A_457, %get3A_458] {strides = array<i32>} : memref<200x64xf32, #tpu.memory_space<vmem>>, vector<1x16xf32>,
        %get3A_460 = vector.shape_cast %get3A_459 : vector<1x16xf32> to vector<16xf32>
        %add3A_461 = arith.addf %get3A_456, %get3A_460 : vector<16xf32>
        %swap3A_462 = arith.constant 2 : i32
        %swap3A_463 = arith.index_cast %swap3A_462 : i32 to index
        %swap3A_464 = arith.index_cast %add3A_450 : i32 to index
        %swap3A_465 = arith.constant 0 : index
        %swap3A_466 = tpu.vector_load %arg7[%swap3A_463, %swap3A_464, %swap3A_465] {strides = array<i32>} : memref<4x200x64xf32, #tpu.memory_space<vmem>>, vector<1x1x16xf32>,
        %swap3A_467 = vector.shape_cast %swap3A_466 : vector<1x1x16xf32> to vector<16xf32>
        %swap3A_468 = vector.shape_cast %add3A_461 : vector<16xf32> to vector<1x1x16xf32>
        tpu.vector_store %arg7[%swap3A_463, %swap3A_464, %swap3A_465], %swap3A_468 {strides = array<i32>} : memref<4x200x64xf32, #tpu.memory_space<vmem>>, vector<1x1x16xf32>,
        %get3A_469 = arith.constant 2 : i32
        %get3A_470 = arith.index_cast %get3A_469 : i32 to index
        %get3A_471 = arith.index_cast %add3A_450 : i32 to index
        %get3A_472 = arith.constant 16 : index
        %get3A_473 = tpu.vector_load %arg7[%get3A_470, %get3A_471, %get3A_472] {strides = array<i32>} : memref<4x200x64xf32, #tpu.memory_space<vmem>>, vector<1x1x16xf32>,
        %get3A_474 = vector.shape_cast %get3A_473 : vector<1x1x16xf32> to vector<16xf32>
        %get3A_475 = arith.index_cast %add3A_450 : i32 to index
        %get3A_476 = arith.constant 16 : index
        %get3A_477 = tpu.vector_load %arg8[%get3A_475, %get3A_476] {strides = array<i32>} : memref<200x64xf32, #tpu.memory_space<vmem>>, vector<1x16xf32>,
        %get3A_478 = vector.shape_cast %get3A_477 : vector<1x16xf32> to vector<16xf32>
        %add3A_479 = arith.addf %get3A_474, %get3A_478 : vector<16xf32>
        %swap3A_480 = arith.constant 2 : i32
        %swap3A_481 = arith.index_cast %swap3A_480 : i32 to index
        %swap3A_482 = arith.index_cast %add3A_450 : i32 to index
        %swap3A_483 = arith.constant 16 : index
        %swap3A_484 = tpu.vector_load %arg7[%swap3A_481, %swap3A_482, %swap3A_483] {strides = array<i32>} : memref<4x200x64xf32, #tpu.memory_space<vmem>>, vector<1x1x16xf32>,
        %swap3A_485 = vector.shape_cast %swap3A_484 : vector<1x1x16xf32> to vector<16xf32>
        %swap3A_486 = vector.shape_cast %add3A_479 : vector<16xf32> to vector<1x1x16xf32>
        tpu.vector_store %arg7[%swap3A_481, %swap3A_482, %swap3A_483], %swap3A_486 {strides = array<i32>} : memref<4x200x64xf32, #tpu.memory_space<vmem>>, vector<1x1x16xf32>,
        %get3A_487 = arith.constant 2 : i32
        %get3A_488 = arith.index_cast %get3A_487 : i32 to index
        %get3A_489 = arith.index_cast %add3A_450 : i32 to index
        %get3A_490 = arith.constant 32 : index
        %get3A_491 = tpu.vector_load %arg7[%get3A_488, %get3A_489, %get3A_490] {strides = array<i32>} : memref<4x200x64xf32, #tpu.memory_space<vmem>>, vector<1x1x16xf32>,
        %get3A_492 = vector.shape_cast %get3A_491 : vector<1x1x16xf32> to vector<16xf32>
        %get3A_493 = arith.index_cast %add3A_450 : i32 to index
        %get3A_494 = arith.constant 32 : index
        %get3A_495 = tpu.vector_load %arg8[%get3A_493, %get3A_494] {strides = array<i32>} : memref<200x64xf32, #tpu.memory_space<vmem>>, vector<1x16xf32>,
        %get3A_496 = vector.shape_cast %get3A_495 : vector<1x16xf32> to vector<16xf32>
        %add3A_497 = arith.addf %get3A_492, %get3A_496 : vector<16xf32>
        %swap3A_498 = arith.constant 2 : i32
        %swap3A_499 = arith.index_cast %swap3A_498 : i32 to index
        %swap3A_500 = arith.index_cast %add3A_450 : i32 to index
        %swap3A_501 = arith.constant 32 : index
        %swap3A_502 = tpu.vector_load %arg7[%swap3A_499, %swap3A_500, %swap3A_501] {strides = array<i32>} : memref<4x200x64xf32, #tpu.memory_space<vmem>>, vector<1x1x16xf32>,
        %swap3A_503 = vector.shape_cast %swap3A_502 : vector<1x1x16xf32> to vector<16xf32>
        %swap3A_504 = vector.shape_cast %add3A_497 : vector<16xf32> to vector<1x1x16xf32>
        tpu.vector_store %arg7[%swap3A_499, %swap3A_500, %swap3A_501], %swap3A_504 {strides = array<i32>} : memref<4x200x64xf32, #tpu.memory_space<vmem>>, vector<1x1x16xf32>,
        %get3A_505 = arith.constant 2 : i32
        %get3A_506 = arith.index_cast %get3A_505 : i32 to index
        %get3A_507 = arith.index_cast %add3A_450 : i32 to index
        %get3A_508 = arith.constant 48 : index
        %get3A_509 = tpu.vector_load %arg7[%get3A_506, %get3A_507, %get3A_508] {strides = array<i32>} : memref<4x200x64xf32, #tpu.memory_space<vmem>>, vector<1x1x16xf32>,
        %get3A_510 = vector.shape_cast %get3A_509 : vector<1x1x16xf32> to vector<16xf32>
        %get3A_511 = arith.index_cast %add3A_450 : i32 to index
        %get3A_512 = arith.constant 48 : index
        %get3A_513 = tpu.vector_load %arg8[%get3A_511, %get3A_512] {strides = array<i32>} : memref<200x64xf32, #tpu.memory_space<vmem>>, vector<1x16xf32>,
        %get3A_514 = vector.shape_cast %get3A_513 : vector<1x16xf32> to vector<16xf32>
        %add3A_515 = arith.addf %get3A_510, %get3A_514 : vector<16xf32>
        %swap3A_516 = arith.constant 2 : i32
        %swap3A_517 = arith.index_cast %swap3A_516 : i32 to index
        %swap3A_518 = arith.index_cast %add3A_450 : i32 to index
        %swap3A_519 = arith.constant 48 : index
        %swap3A_520 = tpu.vector_load %arg7[%swap3A_517, %swap3A_518, %swap3A_519] {strides = array<i32>} : memref<4x200x64xf32, #tpu.memory_space<vmem>>, vector<1x1x16xf32>,
        %swap3A_521 = vector.shape_cast %swap3A_520 : vector<1x1x16xf32> to vector<16xf32>
        %swap3A_522 = vector.shape_cast %add3A_515 : vector<16xf32> to vector<1x1x16xf32>
        tpu.vector_store %arg7[%swap3A_517, %swap3A_518, %swap3A_519], %swap3A_522 {strides = array<i32>} : memref<4x200x64xf32, #tpu.memory_space<vmem>>, vector<1x1x16xf32>,
        %mul3A_523 = arith.constant 4 : i32
        %mul3A_524 = arith.muli %scan3A_372, %mul3A_523 : i32
        %add3A_525 = arith.constant 2 : i32
        %add3A_526 = arith.addi %mul3A_524, %add3A_525 : i32
        %get3A_527 = arith.constant 2 : i32
        %get3A_528 = arith.index_cast %get3A_527 : i32 to index
        %get3A_529 = arith.index_cast %add3A_526 : i32 to index
        %get3A_530 = arith.constant 0 : index
        %get3A_531 = tpu.vector_load %arg7[%get3A_528, %get3A_529, %get3A_530] {strides = array<i32>} : memref<4x200x64xf32, #tpu.memory_space<vmem>>, vector<1x1x16xf32>,
        %get3A_532 = vector.shape_cast %get3A_531 : vector<1x1x16xf32> to vector<16xf32>
        %get3A_533 = arith.index_cast %add3A_526 : i32 to index
        %get3A_534 = arith.constant 0 : index
        %get3A_535 = tpu.vector_load %arg8[%get3A_533, %get3A_534] {strides = array<i32>} : memref<200x64xf32, #tpu.memory_space<vmem>>, vector<1x16xf32>,
        %get3A_536 = vector.shape_cast %get3A_535 : vector<1x16xf32> to vector<16xf32>
        %add3A_537 = arith.addf %get3A_532, %get3A_536 : vector<16xf32>
        %swap3A_538 = arith.constant 2 : i32
        %swap3A_539 = arith.index_cast %swap3A_538 : i32 to index
        %swap3A_540 = arith.index_cast %add3A_526 : i32 to index
        %swap3A_541 = arith.constant 0 : index
        %swap3A_542 = tpu.vector_load %arg7[%swap3A_539, %swap3A_540, %swap3A_541] {strides = array<i32>} : memref<4x200x64xf32, #tpu.memory_space<vmem>>, vector<1x1x16xf32>,
        %swap3A_543 = vector.shape_cast %swap3A_542 : vector<1x1x16xf32> to vector<16xf32>
        %swap3A_544 = vector.shape_cast %add3A_537 : vector<16xf32> to vector<1x1x16xf32>
        tpu.vector_store %arg7[%swap3A_539, %swap3A_540, %swap3A_541], %swap3A_544 {strides = array<i32>} : memref<4x200x64xf32, #tpu.memory_space<vmem>>, vector<1x1x16xf32>,
        %get3A_545 = arith.constant 2 : i32
        %get3A_546 = arith.index_cast %get3A_545 : i32 to index
        %get3A_547 = arith.index_cast %add3A_526 : i32 to index
        %get3A_548 = arith.constant 16 : index
        %get3A_549 = tpu.vector_load %arg7[%get3A_546, %get3A_547, %get3A_548] {strides = array<i32>} : memref<4x200x64xf32, #tpu.memory_space<vmem>>, vector<1x1x16xf32>,
        %get3A_550 = vector.shape_cast %get3A_549 : vector<1x1x16xf32> to vector<16xf32>
        %get3A_551 = arith.index_cast %add3A_526 : i32 to index
        %get3A_552 = arith.constant 16 : index
        %get3A_553 = tpu.vector_load %arg8[%get3A_551, %get3A_552] {strides = array<i32>} : memref<200x64xf32, #tpu.memory_space<vmem>>, vector<1x16xf32>,
        %get3A_554 = vector.shape_cast %get3A_553 : vector<1x16xf32> to vector<16xf32>
        %add3A_555 = arith.addf %get3A_550, %get3A_554 : vector<16xf32>
        %swap3A_556 = arith.constant 2 : i32
        %swap3A_557 = arith.index_cast %swap3A_556 : i32 to index
        %swap3A_558 = arith.index_cast %add3A_526 : i32 to index
        %swap3A_559 = arith.constant 16 : index
        %swap3A_560 = tpu.vector_load %arg7[%swap3A_557, %swap3A_558, %swap3A_559] {strides = array<i32>} : memref<4x200x64xf32, #tpu.memory_space<vmem>>, vector<1x1x16xf32>,
        %swap3A_561 = vector.shape_cast %swap3A_560 : vector<1x1x16xf32> to vector<16xf32>
        %swap3A_562 = vector.shape_cast %add3A_555 : vector<16xf32> to vector<1x1x16xf32>
        tpu.vector_store %arg7[%swap3A_557, %swap3A_558, %swap3A_559], %swap3A_562 {strides = array<i32>} : memref<4x200x64xf32, #tpu.memory_space<vmem>>, vector<1x1x16xf32>,
        %get3A_563 = arith.constant 2 : i32
        %get3A_564 = arith.index_cast %get3A_563 : i32 to index
        %get3A_565 = arith.index_cast %add3A_526 : i32 to index
        %get3A_566 = arith.constant 32 : index
        %get3A_567 = tpu.vector_load %arg7[%get3A_564, %get3A_565, %get3A_566] {strides = array<i32>} : memref<4x200x64xf32, #tpu.memory_space<vmem>>, vector<1x1x16xf32>,
        %get3A_568 = vector.shape_cast %get3A_567 : vector<1x1x16xf32> to vector<16xf32>
        %get3A_569 = arith.index_cast %add3A_526 : i32 to index
        %get3A_570 = arith.constant 32 : index
        %get3A_571 = tpu.vector_load %arg8[%get3A_569, %get3A_570] {strides = array<i32>} : memref<200x64xf32, #tpu.memory_space<vmem>>, vector<1x16xf32>,
        %get3A_572 = vector.shape_cast %get3A_571 : vector<1x16xf32> to vector<16xf32>
        %add3A_573 = arith.addf %get3A_568, %get3A_572 : vector<16xf32>
        %swap3A_574 = arith.constant 2 : i32
        %swap3A_575 = arith.index_cast %swap3A_574 : i32 to index
        %swap3A_576 = arith.index_cast %add3A_526 : i32 to index
        %swap3A_577 = arith.constant 32 : index
        %swap3A_578 = tpu.vector_load %arg7[%swap3A_575, %swap3A_576, %swap3A_577] {strides = array<i32>} : memref<4x200x64xf32, #tpu.memory_space<vmem>>, vector<1x1x16xf32>,
        %swap3A_579 = vector.shape_cast %swap3A_578 : vector<1x1x16xf32> to vector<16xf32>
        %swap3A_580 = vector.shape_cast %add3A_573 : vector<16xf32> to vector<1x1x16xf32>
        tpu.vector_store %arg7[%swap3A_575, %swap3A_576, %swap3A_577], %swap3A_580 {strides = array<i32>} : memref<4x200x64xf32, #tpu.memory_space<vmem>>, vector<1x1x16xf32>,
        %get3A_581 = arith.constant 2 : i32
        %get3A_582 = arith.index_cast %get3A_581 : i32 to index
        %get3A_583 = arith.index_cast %add3A_526 : i32 to index
        %get3A_584 = arith.constant 48 : index
        %get3A_585 = tpu.vector_load %arg7[%get3A_582, %get3A_583, %get3A_584] {strides = array<i32>} : memref<4x200x64xf32, #tpu.memory_space<vmem>>, vector<1x1x16xf32>,
        %get3A_586 = vector.shape_cast %get3A_585 : vector<1x1x16xf32> to vector<16xf32>
        %get3A_587 = arith.index_cast %add3A_526 : i32 to index
        %get3A_588 = arith.constant 48 : index
        %get3A_589 = tpu.vector_load %arg8[%get3A_587, %get3A_588] {strides = array<i32>} : memref<200x64xf32, #tpu.memory_space<vmem>>, vector<1x16xf32>,
        %get3A_590 = vector.shape_cast %get3A_589 : vector<1x16xf32> to vector<16xf32>
        %add3A_591 = arith.addf %get3A_586, %get3A_590 : vector<16xf32>
        %swap3A_592 = arith.constant 2 : i32
        %swap3A_593 = arith.index_cast %swap3A_592 : i32 to index
        %swap3A_594 = arith.index_cast %add3A_526 : i32 to index
        %swap3A_595 = arith.constant 48 : index
        %swap3A_596 = tpu.vector_load %arg7[%swap3A_593, %swap3A_594, %swap3A_595] {strides = array<i32>} : memref<4x200x64xf32, #tpu.memory_space<vmem>>, vector<1x1x16xf32>,
        %swap3A_597 = vector.shape_cast %swap3A_596 : vector<1x1x16xf32> to vector<16xf32>
        %swap3A_598 = vector.shape_cast %add3A_591 : vector<16xf32> to vector<1x1x16xf32>
        tpu.vector_store %arg7[%swap3A_593, %swap3A_594, %swap3A_595], %swap3A_598 {strides = array<i32>} : memref<4x200x64xf32, #tpu.memory_space<vmem>>, vector<1x1x16xf32>,
        %mul3A_599 = arith.constant 4 : i32
        %mul3A_600 = arith.muli %scan3A_372, %mul3A_599 : i32
        %add3A_601 = arith.constant 3 : i32
        %add3A_602 = arith.addi %mul3A_600, %add3A_601 : i32
        %get3A_603 = arith.constant 2 : i32
        %get3A_604 = arith.index_cast %get3A_603 : i32 to index
        %get3A_605 = arith.index_cast %add3A_602 : i32 to index
        %get3A_606 = arith.constant 0 : index
        %get3A_607 = tpu.vector_load %arg7[%get3A_604, %get3A_605, %get3A_606] {strides = array<i32>} : memref<4x200x64xf32, #tpu.memory_space<vmem>>, vector<1x1x16xf32>,
        %get3A_608 = vector.shape_cast %get3A_607 : vector<1x1x16xf32> to vector<16xf32>
        %get3A_609 = arith.index_cast %add3A_602 : i32 to index
        %get3A_610 = arith.constant 0 : index
        %get3A_611 = tpu.vector_load %arg8[%get3A_609, %get3A_610] {strides = array<i32>} : memref<200x64xf32, #tpu.memory_space<vmem>>, vector<1x16xf32>,
        %get3A_612 = vector.shape_cast %get3A_611 : vector<1x16xf32> to vector<16xf32>
        %add3A_613 = arith.addf %get3A_608, %get3A_612 : vector<16xf32>
        %swap3A_614 = arith.constant 2 : i32
        %swap3A_615 = arith.index_cast %swap3A_614 : i32 to index
        %swap3A_616 = arith.index_cast %add3A_602 : i32 to index
        %swap3A_617 = arith.constant 0 : index
        %swap3A_618 = tpu.vector_load %arg7[%swap3A_615, %swap3A_616, %swap3A_617] {strides = array<i32>} : memref<4x200x64xf32, #tpu.memory_space<vmem>>, vector<1x1x16xf32>,
        %swap3A_619 = vector.shape_cast %swap3A_618 : vector<1x1x16xf32> to vector<16xf32>
        %swap3A_620 = vector.shape_cast %add3A_613 : vector<16xf32> to vector<1x1x16xf32>
        tpu.vector_store %arg7[%swap3A_615, %swap3A_616, %swap3A_617], %swap3A_620 {strides = array<i32>} : memref<4x200x64xf32, #tpu.memory_space<vmem>>, vector<1x1x16xf32>,
        %get3A_621 = arith.constant 2 : i32
        %get3A_622 = arith.index_cast %get3A_621 : i32 to index
        %get3A_623 = arith.index_cast %add3A_602 : i32 to index
        %get3A_624 = arith.constant 16 : index
        %get3A_625 = tpu.vector_load %arg7[%get3A_622, %get3A_623, %get3A_624] {strides = array<i32>} : memref<4x200x64xf32, #tpu.memory_space<vmem>>, vector<1x1x16xf32>,
        %get3A_626 = vector.shape_cast %get3A_625 : vector<1x1x16xf32> to vector<16xf32>
        %get3A_627 = arith.index_cast %add3A_602 : i32 to index
        %get3A_628 = arith.constant 16 : index
        %get3A_629 = tpu.vector_load %arg8[%get3A_627, %get3A_628] {strides = array<i32>} : memref<200x64xf32, #tpu.memory_space<vmem>>, vector<1x16xf32>,
        %get3A_630 = vector.shape_cast %get3A_629 : vector<1x16xf32> to vector<16xf32>
        %add3A_631 = arith.addf %get3A_626, %get3A_630 : vector<16xf32>
        %swap3A_632 = arith.constant 2 : i32
        %swap3A_633 = arith.index_cast %swap3A_632 : i32 to index
        %swap3A_634 = arith.index_cast %add3A_602 : i32 to index
        %swap3A_635 = arith.constant 16 : index
        %swap3A_636 = tpu.vector_load %arg7[%swap3A_633, %swap3A_634, %swap3A_635] {strides = array<i32>} : memref<4x200x64xf32, #tpu.memory_space<vmem>>, vector<1x1x16xf32>,
        %swap3A_637 = vector.shape_cast %swap3A_636 : vector<1x1x16xf32> to vector<16xf32>
        %swap3A_638 = vector.shape_cast %add3A_631 : vector<16xf32> to vector<1x1x16xf32>
        tpu.vector_store %arg7[%swap3A_633, %swap3A_634, %swap3A_635], %swap3A_638 {strides = array<i32>} : memref<4x200x64xf32, #tpu.memory_space<vmem>>, vector<1x1x16xf32>,
        %get3A_639 = arith.constant 2 : i32
        %get3A_640 = arith.index_cast %get3A_639 : i32 to index
        %get3A_641 = arith.index_cast %add3A_602 : i32 to index
        %get3A_642 = arith.constant 32 : index
        %get3A_643 = tpu.vector_load %arg7[%get3A_640, %get3A_641, %get3A_642] {strides = array<i32>} : memref<4x200x64xf32, #tpu.memory_space<vmem>>, vector<1x1x16xf32>,
        %get3A_644 = vector.shape_cast %get3A_643 : vector<1x1x16xf32> to vector<16xf32>
        %get3A_645 = arith.index_cast %add3A_602 : i32 to index
        %get3A_646 = arith.constant 32 : index
        %get3A_647 = tpu.vector_load %arg8[%get3A_645, %get3A_646] {strides = array<i32>} : memref<200x64xf32, #tpu.memory_space<vmem>>, vector<1x16xf32>,
        %get3A_648 = vector.shape_cast %get3A_647 : vector<1x16xf32> to vector<16xf32>
        %add3A_649 = arith.addf %get3A_644, %get3A_648 : vector<16xf32>
        %swap3A_650 = arith.constant 2 : i32
        %swap3A_651 = arith.index_cast %swap3A_650 : i32 to index
        %swap3A_652 = arith.index_cast %add3A_602 : i32 to index
        %swap3A_653 = arith.constant 32 : index
        %swap3A_654 = tpu.vector_load %arg7[%swap3A_651, %swap3A_652, %swap3A_653] {strides = array<i32>} : memref<4x200x64xf32, #tpu.memory_space<vmem>>, vector<1x1x16xf32>,
        %swap3A_655 = vector.shape_cast %swap3A_654 : vector<1x1x16xf32> to vector<16xf32>
        %swap3A_656 = vector.shape_cast %add3A_649 : vector<16xf32> to vector<1x1x16xf32>
        tpu.vector_store %arg7[%swap3A_651, %swap3A_652, %swap3A_653], %swap3A_656 {strides = array<i32>} : memref<4x200x64xf32, #tpu.memory_space<vmem>>, vector<1x1x16xf32>,
        %get3A_657 = arith.constant 2 : i32
        %get3A_658 = arith.index_cast %get3A_657 : i32 to index
        %get3A_659 = arith.index_cast %add3A_602 : i32 to index
        %get3A_660 = arith.constant 48 : index
        %get3A_661 = tpu.vector_load %arg7[%get3A_658, %get3A_659, %get3A_660] {strides = array<i32>} : memref<4x200x64xf32, #tpu.memory_space<vmem>>, vector<1x1x16xf32>,
        %get3A_662 = vector.shape_cast %get3A_661 : vector<1x1x16xf32> to vector<16xf32>
        %get3A_663 = arith.index_cast %add3A_602 : i32 to index
        %get3A_664 = arith.constant 48 : index
        %get3A_665 = tpu.vector_load %arg8[%get3A_663, %get3A_664] {strides = array<i32>} : memref<200x64xf32, #tpu.memory_space<vmem>>, vector<1x16xf32>,
        %get3A_666 = vector.shape_cast %get3A_665 : vector<1x16xf32> to vector<16xf32>
        %add3A_667 = arith.addf %get3A_662, %get3A_666 : vector<16xf32>
        %swap3A_668 = arith.constant 2 : i32
        %swap3A_669 = arith.index_cast %swap3A_668 : i32 to index
        %swap3A_670 = arith.index_cast %add3A_602 : i32 to index
        %swap3A_671 = arith.constant 48 : index
        %swap3A_672 = tpu.vector_load %arg7[%swap3A_669, %swap3A_670, %swap3A_671] {strides = array<i32>} : memref<4x200x64xf32, #tpu.memory_space<vmem>>, vector<1x1x16xf32>,
        %swap3A_673 = vector.shape_cast %swap3A_672 : vector<1x1x16xf32> to vector<16xf32>
        %swap3A_674 = vector.shape_cast %add3A_667 : vector<16xf32> to vector<1x1x16xf32>
        tpu.vector_store %arg7[%swap3A_669, %swap3A_670, %swap3A_671], %swap3A_674 {strides = array<i32>} : memref<4x200x64xf32, #tpu.memory_space<vmem>>, vector<1x1x16xf32>,
      }
      %scan3A_286 = arith.constant 50 : i32
      %add3A_287 = arith.addi %mul3A_2, %add3A_241 : i32
      %dma_start3A_288 = arith.constant 2 : i32
      %dma_start3A_289 = arith.constant 0 : i32
      %dma_start3A_290 = arith.constant 0 : i32
      %dma_start3A_291 = tpu.memref_slice %arg7[%dma_start3A_288, %dma_start3A_289, %dma_start3A_290] : memref<4x200x64xf32, #tpu.memory_space<vmem>> -> memref<1x200x64xf32, #tpu.memory_space<vmem>>
      %dma_start3A_292 = tpu.memref_squeeze %dma_start3A_291 : memref<1x200x64xf32, #tpu.memory_space<vmem>> -> memref<200x64xf32, #tpu.memory_space<vmem>>
      %dma_start3A_293 = arith.constant 0 : i32
      %dma_start3A_294 = arith.constant 0 : i32
      %dma_start3A_295 = tpu.memref_slice %arg5[%add3A_287, %dma_start3A_293, %dma_start3A_294] : memref<4096x200x128xf32, #tpu.memory_space<hbm>> -> memref<1x200x64xf32, #tpu.memory_space<hbm>>
      %dma_start3A_296 = tpu.memref_squeeze %dma_start3A_295 : memref<1x200x64xf32, #tpu.memory_space<hbm>> -> memref<200x64xf32, #tpu.memory_space<hbm>>
      %dma_start3A_297 = arith.constant 0 : i32
      %dma_start3A_298 = arith.constant 0 : i32
      %dma_start3A_299 = tpu.memref_slice %arg5[%add3A_287, %dma_start3A_297, %dma_start3A_298] : memref<4096x200x128xf32, #tpu.memory_space<hbm>> -> memref<1x200x64xf32, #tpu.memory_space<hbm>>
      %dma_start3A_300 = tpu.memref_squeeze %dma_start3A_299 : memref<1x200x64xf32, #tpu.memory_space<hbm>> -> memref<200x64xf32, #tpu.memory_space<hbm>>
      %dma_start3A_301 = arith.constant 0 : i32
      %dma_start3A_302 = arith.constant 0 : i32
      %dma_start3A_303 = tpu.memref_slice %arg7[%dma_start3A_288, %dma_start3A_301, %dma_start3A_302] : memref<4x200x64xf32, #tpu.memory_space<vmem>> -> memref<1x200x64xf32, #tpu.memory_space<vmem>>
      %dma_start3A_304 = tpu.memref_squeeze %dma_start3A_303 : memref<1x200x64xf32, #tpu.memory_space<vmem>> -> memref<200x64xf32, #tpu.memory_space<vmem>>
      tpu.enqueue_dma source(%dma_start3A_304 : memref<200x64xf32, #tpu.memory_space<vmem>>) target(%dma_start3A_300 : memref<200x64xf32, #tpu.memory_space<hbm>>) target_semaphore(%arg15 : memref<!tpu.dma_semaphore, #tpu.memory_space<semaphore_mem>>)
      %mul3A_305 = arith.constant 4 : i32
      %mul3A_306 = arith.muli %scan3A_108, %mul3A_305 : i32
      %add3A_307 = arith.constant 3 : i32
      %add3A_308 = arith.addi %mul3A_306, %add3A_307 : i32
      %add3A_309 = arith.constant 1 : i32
      %add3A_310 = arith.addi %add3A_308, %add3A_309 : i32
      %ge3A_311 = arith.constant 4 : i32
      %ge3A_312 = arith.cmpi sge, %add3A_310, %ge3A_311 : i32
      %lt3A_313 = arith.constant 128 : i32
      %lt3A_314 = arith.cmpi slt, %add3A_310, %lt3A_313 : i32
      %and3A_315 = arith.andi %ge3A_312, %lt3A_314 : i1
      %convert_element_type3A_316 = arith.extui %and3A_315 : i1 to i32
      %cond3A_317 = arith.constant 0 : i32
      %cond3A_318 = arith.cmpi ne, %convert_element_type3A_316, %cond3A_317 : i32
      scf.if %cond3A_318 {
        %sub3A = arith.constant 4 : i32
        %sub3A_372 = arith.subi %add3A_310, %sub3A : i32
        %add3A_373 = arith.addi %mul3A_2, %sub3A_372 : i32
        %dma_wait3A_374 = arith.constant 0 : i32
        %dma_wait3A_375 = arith.constant 0 : i32
        %dma_wait3A_376 = arith.constant 0 : i32
        %dma_wait3A_377 = tpu.memref_slice %arg7[%dma_wait3A_374, %dma_wait3A_375, %dma_wait3A_376] : memref<4x200x64xf32, #tpu.memory_space<vmem>> -> memref<1x200x64xf32, #tpu.memory_space<vmem>>
        %dma_wait3A_378 = tpu.memref_squeeze %dma_wait3A_377 : memref<1x200x64xf32, #tpu.memory_space<vmem>> -> memref<200x64xf32, #tpu.memory_space<vmem>>
        %dma_wait3A_379 = arith.constant 0 : i32
        %dma_wait3A_380 = arith.constant 0 : i32
        %dma_wait3A_381 = tpu.memref_slice %arg5[%add3A_373, %dma_wait3A_379, %dma_wait3A_380] : memref<4096x200x128xf32, #tpu.memory_space<hbm>> -> memref<1x200x64xf32, #tpu.memory_space<hbm>>
        %dma_wait3A_382 = tpu.memref_squeeze %dma_wait3A_381 : memref<1x200x64xf32, #tpu.memory_space<hbm>> -> memref<200x64xf32, #tpu.memory_space<hbm>>
        %dma_wait3A_383 = arith.constant 0 : i32
        %dma_wait3A_384 = arith.constant 0 : i32
        %dma_wait3A_385 = tpu.memref_slice %arg5[%add3A_373, %dma_wait3A_383, %dma_wait3A_384] : memref<4096x200x128xf32, #tpu.memory_space<hbm>> -> memref<1x200x64xf32, #tpu.memory_space<hbm>>
        %dma_wait3A_386 = tpu.memref_squeeze %dma_wait3A_385 : memref<1x200x64xf32, #tpu.memory_space<hbm>> -> memref<200x64xf32, #tpu.memory_space<hbm>>
        %dma_wait3A_387 = arith.constant 0 : i32
        %dma_wait3A_388 = arith.constant 0 : i32
        %dma_wait3A_389 = tpu.memref_slice %arg7[%dma_wait3A_374, %dma_wait3A_387, %dma_wait3A_388] : memref<4x200x64xf32, #tpu.memory_space<vmem>> -> memref<1x200x64xf32, #tpu.memory_space<vmem>>
        %dma_wait3A_390 = tpu.memref_squeeze %dma_wait3A_389 : memref<1x200x64xf32, #tpu.memory_space<vmem>> -> memref<200x64xf32, #tpu.memory_space<vmem>>
        tpu.wait_dma2 semaphore(%arg13 : memref<!tpu.dma_semaphore, #tpu.memory_space<semaphore_mem>>) src(%dma_wait3A_390 : memref<200x64xf32, #tpu.memory_space<vmem>>) dst(%dma_wait3A_386 : memref<200x64xf32, #tpu.memory_space<hbm>>)
      } else {
      }
      %lt3A_319 = arith.constant 128 : i32
      %lt3A_320 = arith.cmpi slt, %add3A_310, %lt3A_319 : i32
      %convert_element_type3A_321 = arith.extui %lt3A_320 : i1 to i32
      %cond3A_322 = arith.constant 0 : i32
      %cond3A_323 = arith.cmpi ne, %convert_element_type3A_321, %cond3A_322 : i32
      scf.if %cond3A_323 {
        %dma_start3A_372 = arith.constant 0 : i32
        %dma_start3A_373 = arith.constant 0 : i32
        %dma_start3A_374 = arith.constant 0 : i32
        %dma_start3A_375 = arith.constant 0 : i32
        %dma_start3A_376 = tpu.memref_slice %arg7[%dma_start3A_373, %dma_start3A_374, %dma_start3A_375] : memref<4x200x64xf32, #tpu.memory_space<vmem>> -> memref<1x100x64xf32, #tpu.memory_space<vmem>>
        %dma_start3A_377 = tpu.memref_squeeze %dma_start3A_376 : memref<1x100x64xf32, #tpu.memory_space<vmem>> -> memref<100x64xf32, #tpu.memory_space<vmem>>
        %dma_start3A_378 = arith.constant 0 : i32
        %dma_start3A_379 = tpu.memref_slice %arg6[%add3A_310, %dma_start3A_372, %dma_start3A_378] : memref<128x2x100xi32, #tpu.memory_space<vmem>> -> memref<1x1x100xi32, #tpu.memory_space<vmem>>
        %dma_start3A_380 = tpu.memref_squeeze %dma_start3A_379 : memref<1x1x100xi32, #tpu.memory_space<vmem>> -> memref<100xi32, #tpu.memory_space<vmem>>
        %dma_start3A_381 = arith.constant 0 : i32
        %dma_start3A_382 = arith.constant 0 : i32
        %dma_start3A_383 = tpu.memref_slice %arg4[%dma_start3A_381, %dma_start3A_382] : memref<1000000x64xf32, #tpu.memory_space<hbm>> -> memref<1000000x64xf32, #tpu.memory_space<hbm>>
        tpu.enqueue_indirect_dma source(%dma_start3A_383 : memref<1000000x64xf32, #tpu.memory_space<hbm>>) target(%dma_start3A_377 : memref<100x64xf32, #tpu.memory_space<vmem>>) offsets(%dma_start3A_380 : memref<100xi32, #tpu.memory_space<vmem>>) semaphore(%arg9 : memref<!tpu.dma_semaphore, #tpu.memory_space<semaphore_mem>>)
        %dma_start3A_384 = arith.constant 1 : i32
        %dma_start3A_385 = arith.constant 0 : i32
        %dma_start3A_386 = arith.constant 100 : i32
        %dma_start3A_387 = arith.constant 0 : i32
        %dma_start3A_388 = tpu.memref_slice %arg7[%dma_start3A_385, %dma_start3A_386, %dma_start3A_387] : memref<4x200x64xf32, #tpu.memory_space<vmem>> -> memref<1x100x64xf32, #tpu.memory_space<vmem>>
        %dma_start3A_389 = tpu.memref_squeeze %dma_start3A_388 : memref<1x100x64xf32, #tpu.memory_space<vmem>> -> memref<100x64xf32, #tpu.memory_space<vmem>>
        %dma_start3A_390 = arith.constant 0 : i32
        %dma_start3A_391 = tpu.memref_slice %arg6[%add3A_310, %dma_start3A_384, %dma_start3A_390] : memref<128x2x100xi32, #tpu.memory_space<vmem>> -> memref<1x1x100xi32, #tpu.memory_space<vmem>>
        %dma_start3A_392 = tpu.memref_squeeze %dma_start3A_391 : memref<1x1x100xi32, #tpu.memory_space<vmem>> -> memref<100xi32, #tpu.memory_space<vmem>>
        %dma_start3A_393 = arith.constant 0 : i32
        %dma_start3A_394 = arith.constant 0 : i32
        %dma_start3A_395 = tpu.memref_slice %arg4[%dma_start3A_393, %dma_start3A_394] : memref<1000000x64xf32, #tpu.memory_space<hbm>> -> memref<1000000x64xf32, #tpu.memory_space<hbm>>
        tpu.enqueue_indirect_dma source(%dma_start3A_395 : memref<1000000x64xf32, #tpu.memory_space<hbm>>) target(%dma_start3A_389 : memref<100x64xf32, #tpu.memory_space<vmem>>) offsets(%dma_start3A_392 : memref<100xi32, #tpu.memory_space<vmem>>) semaphore(%arg9 : memref<!tpu.dma_semaphore, #tpu.memory_space<semaphore_mem>>)
      } else {
      }
      %dma_wait3A_324 = arith.constant 0 : i32
      %dma_wait3A_325 = arith.constant 3 : i32
      %dma_wait3A_326 = arith.constant 0 : i32
      %dma_wait3A_327 = arith.constant 0 : i32
      %dma_wait3A_328 = tpu.memref_slice %arg7[%dma_wait3A_325, %dma_wait3A_326, %dma_wait3A_327] : memref<4x200x64xf32, #tpu.memory_space<vmem>> -> memref<1x100x64xf32, #tpu.memory_space<vmem>>
      %dma_wait3A_329 = tpu.memref_squeeze %dma_wait3A_328 : memref<1x100x64xf32, #tpu.memory_space<vmem>> -> memref<100x64xf32, #tpu.memory_space<vmem>>
      %dma_wait3A_330 = arith.constant 0 : i32
      %dma_wait3A_331 = tpu.memref_slice %arg6[%add3A_308, %dma_wait3A_324, %dma_wait3A_330] : memref<128x2x100xi32, #tpu.memory_space<vmem>> -> memref<1x1x100xi32, #tpu.memory_space<vmem>>
      %dma_wait3A_332 = tpu.memref_squeeze %dma_wait3A_331 : memref<1x1x100xi32, #tpu.memory_space<vmem>> -> memref<100xi32, #tpu.memory_space<vmem>>
      %dma_wait3A_333 = arith.constant 0 : i32
      %dma_wait3A_334 = arith.constant 0 : i32
      %dma_wait3A_335 = tpu.memref_slice %arg4[%dma_wait3A_333, %dma_wait3A_334] : memref<1000000x64xf32, #tpu.memory_space<hbm>> -> memref<1000000x64xf32, #tpu.memory_space<hbm>>
      tpu.wait_indirect_dma semaphore(%arg12 : memref<!tpu.dma_semaphore, #tpu.memory_space<semaphore_mem>>) src(%dma_wait3A_335 : memref<1000000x64xf32, #tpu.memory_space<hbm>>) dst(%dma_wait3A_329 : memref<100x64xf32, #tpu.memory_space<vmem>>)
      %dma_wait3A_336 = arith.constant 1 : i32
      %dma_wait3A_337 = arith.constant 3 : i32
      %dma_wait3A_338 = arith.constant 100 : i32
      %dma_wait3A_339 = arith.constant 0 : i32
      %dma_wait3A_340 = tpu.memref_slice %arg7[%dma_wait3A_337, %dma_wait3A_338, %dma_wait3A_339] : memref<4x200x64xf32, #tpu.memory_space<vmem>> -> memref<1x100x64xf32, #tpu.memory_space<vmem>>
      %dma_wait3A_341 = tpu.memref_squeeze %dma_wait3A_340 : memref<1x100x64xf32, #tpu.memory_space<vmem>> -> memref<100x64xf32, #tpu.memory_space<vmem>>
      %dma_wait3A_342 = arith.constant 0 : i32
      %dma_wait3A_343 = tpu.memref_slice %arg6[%add3A_308, %dma_wait3A_336, %dma_wait3A_342] : memref<128x2x100xi32, #tpu.memory_space<vmem>> -> memref<1x1x100xi32, #tpu.memory_space<vmem>>
      %dma_wait3A_344 = tpu.memref_squeeze %dma_wait3A_343 : memref<1x1x100xi32, #tpu.memory_space<vmem>> -> memref<100xi32, #tpu.memory_space<vmem>>
      %dma_wait3A_345 = arith.constant 0 : i32
      %dma_wait3A_346 = arith.constant 0 : i32
      %dma_wait3A_347 = tpu.memref_slice %arg4[%dma_wait3A_345, %dma_wait3A_346] : memref<1000000x64xf32, #tpu.memory_space<hbm>> -> memref<1000000x64xf32, #tpu.memory_space<hbm>>
      tpu.wait_indirect_dma semaphore(%arg12 : memref<!tpu.dma_semaphore, #tpu.memory_space<semaphore_mem>>) src(%dma_wait3A_347 : memref<1000000x64xf32, #tpu.memory_space<hbm>>) dst(%dma_wait3A_341 : memref<100x64xf32, #tpu.memory_space<vmem>>)
      %scan3A_348 = arith.constant 0 : i32
      %scan3A_349 = arith.constant 0 : i32
      %scan3A_350 = arith.constant 50 : i32
      %scan3A_351 = arith.addi %scan3A_349, %scan3A_350 : i32
      %scan3A_352 = arith.constant 1 : i32
      scf.for %scan3A_372 = %scan3A_349 to %scan3A_351 step %scan3A_352  : i32 {
        %mul3A_373 = arith.constant 4 : i32
        %mul3A_374 = arith.muli %scan3A_372, %mul3A_373 : i32
        %add3A_375 = arith.constant 0 : i32
        %add3A_376 = arith.addi %mul3A_374, %add3A_375 : i32
        %get3A = arith.constant 3 : i32
        %get3A_377 = arith.index_cast %get3A : i32 to index
        %get3A_378 = arith.index_cast %add3A_376 : i32 to index
        %get3A_379 = arith.constant 0 : index
        %get3A_380 = tpu.vector_load %arg7[%get3A_377, %get3A_378, %get3A_379] {strides = array<i32>} : memref<4x200x64xf32, #tpu.memory_space<vmem>>, vector<1x1x16xf32>,
        %get3A_381 = vector.shape_cast %get3A_380 : vector<1x1x16xf32> to vector<16xf32>
        %get3A_382 = arith.index_cast %add3A_376 : i32 to index
        %get3A_383 = arith.constant 0 : index
        %get3A_384 = tpu.vector_load %arg8[%get3A_382, %get3A_383] {strides = array<i32>} : memref<200x64xf32, #tpu.memory_space<vmem>>, vector<1x16xf32>,
        %get3A_385 = vector.shape_cast %get3A_384 : vector<1x16xf32> to vector<16xf32>
        %add3A_386 = arith.addf %get3A_381, %get3A_385 : vector<16xf32>
        %swap3A = arith.constant 3 : i32
        %swap3A_387 = arith.index_cast %swap3A : i32 to index
        %swap3A_388 = arith.index_cast %add3A_376 : i32 to index
        %swap3A_389 = arith.constant 0 : index
        %swap3A_390 = tpu.vector_load %arg7[%swap3A_387, %swap3A_388, %swap3A_389] {strides = array<i32>} : memref<4x200x64xf32, #tpu.memory_space<vmem>>, vector<1x1x16xf32>,
        %swap3A_391 = vector.shape_cast %swap3A_390 : vector<1x1x16xf32> to vector<16xf32>
        %swap3A_392 = vector.shape_cast %add3A_386 : vector<16xf32> to vector<1x1x16xf32>
        tpu.vector_store %arg7[%swap3A_387, %swap3A_388, %swap3A_389], %swap3A_392 {strides = array<i32>} : memref<4x200x64xf32, #tpu.memory_space<vmem>>, vector<1x1x16xf32>,
        %get3A_393 = arith.constant 3 : i32
        %get3A_394 = arith.index_cast %get3A_393 : i32 to index
        %get3A_395 = arith.index_cast %add3A_376 : i32 to index
        %get3A_396 = arith.constant 16 : index
        %get3A_397 = tpu.vector_load %arg7[%get3A_394, %get3A_395, %get3A_396] {strides = array<i32>} : memref<4x200x64xf32, #tpu.memory_space<vmem>>, vector<1x1x16xf32>,
        %get3A_398 = vector.shape_cast %get3A_397 : vector<1x1x16xf32> to vector<16xf32>
        %get3A_399 = arith.index_cast %add3A_376 : i32 to index
        %get3A_400 = arith.constant 16 : index
        %get3A_401 = tpu.vector_load %arg8[%get3A_399, %get3A_400] {strides = array<i32>} : memref<200x64xf32, #tpu.memory_space<vmem>>, vector<1x16xf32>,
        %get3A_402 = vector.shape_cast %get3A_401 : vector<1x16xf32> to vector<16xf32>
        %add3A_403 = arith.addf %get3A_398, %get3A_402 : vector<16xf32>
        %swap3A_404 = arith.constant 3 : i32
        %swap3A_405 = arith.index_cast %swap3A_404 : i32 to index
        %swap3A_406 = arith.index_cast %add3A_376 : i32 to index
        %swap3A_407 = arith.constant 16 : index
        %swap3A_408 = tpu.vector_load %arg7[%swap3A_405, %swap3A_406, %swap3A_407] {strides = array<i32>} : memref<4x200x64xf32, #tpu.memory_space<vmem>>, vector<1x1x16xf32>,
        %swap3A_409 = vector.shape_cast %swap3A_408 : vector<1x1x16xf32> to vector<16xf32>
        %swap3A_410 = vector.shape_cast %add3A_403 : vector<16xf32> to vector<1x1x16xf32>
        tpu.vector_store %arg7[%swap3A_405, %swap3A_406, %swap3A_407], %swap3A_410 {strides = array<i32>} : memref<4x200x64xf32, #tpu.memory_space<vmem>>, vector<1x1x16xf32>,
        %get3A_411 = arith.constant 3 : i32
        %get3A_412 = arith.index_cast %get3A_411 : i32 to index
        %get3A_413 = arith.index_cast %add3A_376 : i32 to index
        %get3A_414 = arith.constant 32 : index
        %get3A_415 = tpu.vector_load %arg7[%get3A_412, %get3A_413, %get3A_414] {strides = array<i32>} : memref<4x200x64xf32, #tpu.memory_space<vmem>>, vector<1x1x16xf32>,
        %get3A_416 = vector.shape_cast %get3A_415 : vector<1x1x16xf32> to vector<16xf32>
        %get3A_417 = arith.index_cast %add3A_376 : i32 to index
        %get3A_418 = arith.constant 32 : index
        %get3A_419 = tpu.vector_load %arg8[%get3A_417, %get3A_418] {strides = array<i32>} : memref<200x64xf32, #tpu.memory_space<vmem>>, vector<1x16xf32>,
        %get3A_420 = vector.shape_cast %get3A_419 : vector<1x16xf32> to vector<16xf32>
        %add3A_421 = arith.addf %get3A_416, %get3A_420 : vector<16xf32>
        %swap3A_422 = arith.constant 3 : i32
        %swap3A_423 = arith.index_cast %swap3A_422 : i32 to index
        %swap3A_424 = arith.index_cast %add3A_376 : i32 to index
        %swap3A_425 = arith.constant 32 : index
        %swap3A_426 = tpu.vector_load %arg7[%swap3A_423, %swap3A_424, %swap3A_425] {strides = array<i32>} : memref<4x200x64xf32, #tpu.memory_space<vmem>>, vector<1x1x16xf32>,
        %swap3A_427 = vector.shape_cast %swap3A_426 : vector<1x1x16xf32> to vector<16xf32>
        %swap3A_428 = vector.shape_cast %add3A_421 : vector<16xf32> to vector<1x1x16xf32>
        tpu.vector_store %arg7[%swap3A_423, %swap3A_424, %swap3A_425], %swap3A_428 {strides = array<i32>} : memref<4x200x64xf32, #tpu.memory_space<vmem>>, vector<1x1x16xf32>,
        %get3A_429 = arith.constant 3 : i32
        %get3A_430 = arith.index_cast %get3A_429 : i32 to index
        %get3A_431 = arith.index_cast %add3A_376 : i32 to index
        %get3A_432 = arith.constant 48 : index
        %get3A_433 = tpu.vector_load %arg7[%get3A_430, %get3A_431, %get3A_432] {strides = array<i32>} : memref<4x200x64xf32, #tpu.memory_space<vmem>>, vector<1x1x16xf32>,
        %get3A_434 = vector.shape_cast %get3A_433 : vector<1x1x16xf32> to vector<16xf32>
        %get3A_435 = arith.index_cast %add3A_376 : i32 to index
        %get3A_436 = arith.constant 48 : index
        %get3A_437 = tpu.vector_load %arg8[%get3A_435, %get3A_436] {strides = array<i32>} : memref<200x64xf32, #tpu.memory_space<vmem>>, vector<1x16xf32>,
        %get3A_438 = vector.shape_cast %get3A_437 : vector<1x16xf32> to vector<16xf32>
        %add3A_439 = arith.addf %get3A_434, %get3A_438 : vector<16xf32>
        %swap3A_440 = arith.constant 3 : i32
        %swap3A_441 = arith.index_cast %swap3A_440 : i32 to index
        %swap3A_442 = arith.index_cast %add3A_376 : i32 to index
        %swap3A_443 = arith.constant 48 : index
        %swap3A_444 = tpu.vector_load %arg7[%swap3A_441, %swap3A_442, %swap3A_443] {strides = array<i32>} : memref<4x200x64xf32, #tpu.memory_space<vmem>>, vector<1x1x16xf32>,
        %swap3A_445 = vector.shape_cast %swap3A_444 : vector<1x1x16xf32> to vector<16xf32>
        %swap3A_446 = vector.shape_cast %add3A_439 : vector<16xf32> to vector<1x1x16xf32>
        tpu.vector_store %arg7[%swap3A_441, %swap3A_442, %swap3A_443], %swap3A_446 {strides = array<i32>} : memref<4x200x64xf32, #tpu.memory_space<vmem>>, vector<1x1x16xf32>,
        %mul3A_447 = arith.constant 4 : i32
        %mul3A_448 = arith.muli %scan3A_372, %mul3A_447 : i32
        %add3A_449 = arith.constant 1 : i32
        %add3A_450 = arith.addi %mul3A_448, %add3A_449 : i32
        %get3A_451 = arith.constant 3 : i32
        %get3A_452 = arith.index_cast %get3A_451 : i32 to index
        %get3A_453 = arith.index_cast %add3A_450 : i32 to index
        %get3A_454 = arith.constant 0 : index
        %get3A_455 = tpu.vector_load %arg7[%get3A_452, %get3A_453, %get3A_454] {strides = array<i32>} : memref<4x200x64xf32, #tpu.memory_space<vmem>>, vector<1x1x16xf32>,
        %get3A_456 = vector.shape_cast %get3A_455 : vector<1x1x16xf32> to vector<16xf32>
        %get3A_457 = arith.index_cast %add3A_450 : i32 to index
        %get3A_458 = arith.constant 0 : index
        %get3A_459 = tpu.vector_load %arg8[%get3A_457, %get3A_458] {strides = array<i32>} : memref<200x64xf32, #tpu.memory_space<vmem>>, vector<1x16xf32>,
        %get3A_460 = vector.shape_cast %get3A_459 : vector<1x16xf32> to vector<16xf32>
        %add3A_461 = arith.addf %get3A_456, %get3A_460 : vector<16xf32>
        %swap3A_462 = arith.constant 3 : i32
        %swap3A_463 = arith.index_cast %swap3A_462 : i32 to index
        %swap3A_464 = arith.index_cast %add3A_450 : i32 to index
        %swap3A_465 = arith.constant 0 : index
        %swap3A_466 = tpu.vector_load %arg7[%swap3A_463, %swap3A_464, %swap3A_465] {strides = array<i32>} : memref<4x200x64xf32, #tpu.memory_space<vmem>>, vector<1x1x16xf32>,
        %swap3A_467 = vector.shape_cast %swap3A_466 : vector<1x1x16xf32> to vector<16xf32>
        %swap3A_468 = vector.shape_cast %add3A_461 : vector<16xf32> to vector<1x1x16xf32>
        tpu.vector_store %arg7[%swap3A_463, %swap3A_464, %swap3A_465], %swap3A_468 {strides = array<i32>} : memref<4x200x64xf32, #tpu.memory_space<vmem>>, vector<1x1x16xf32>,
        %get3A_469 = arith.constant 3 : i32
        %get3A_470 = arith.index_cast %get3A_469 : i32 to index
        %get3A_471 = arith.index_cast %add3A_450 : i32 to index
        %get3A_472 = arith.constant 16 : index
        %get3A_473 = tpu.vector_load %arg7[%get3A_470, %get3A_471, %get3A_472] {strides = array<i32>} : memref<4x200x64xf32, #tpu.memory_space<vmem>>, vector<1x1x16xf32>,
        %get3A_474 = vector.shape_cast %get3A_473 : vector<1x1x16xf32> to vector<16xf32>
        %get3A_475 = arith.index_cast %add3A_450 : i32 to index
        %get3A_476 = arith.constant 16 : index
        %get3A_477 = tpu.vector_load %arg8[%get3A_475, %get3A_476] {strides = array<i32>} : memref<200x64xf32, #tpu.memory_space<vmem>>, vector<1x16xf32>,
        %get3A_478 = vector.shape_cast %get3A_477 : vector<1x16xf32> to vector<16xf32>
        %add3A_479 = arith.addf %get3A_474, %get3A_478 : vector<16xf32>
        %swap3A_480 = arith.constant 3 : i32
        %swap3A_481 = arith.index_cast %swap3A_480 : i32 to index
        %swap3A_482 = arith.index_cast %add3A_450 : i32 to index
        %swap3A_483 = arith.constant 16 : index
        %swap3A_484 = tpu.vector_load %arg7[%swap3A_481, %swap3A_482, %swap3A_483] {strides = array<i32>} : memref<4x200x64xf32, #tpu.memory_space<vmem>>, vector<1x1x16xf32>,
        %swap3A_485 = vector.shape_cast %swap3A_484 : vector<1x1x16xf32> to vector<16xf32>
        %swap3A_486 = vector.shape_cast %add3A_479 : vector<16xf32> to vector<1x1x16xf32>
        tpu.vector_store %arg7[%swap3A_481, %swap3A_482, %swap3A_483], %swap3A_486 {strides = array<i32>} : memref<4x200x64xf32, #tpu.memory_space<vmem>>, vector<1x1x16xf32>,
        %get3A_487 = arith.constant 3 : i32
        %get3A_488 = arith.index_cast %get3A_487 : i32 to index
        %get3A_489 = arith.index_cast %add3A_450 : i32 to index
        %get3A_490 = arith.constant 32 : index
        %get3A_491 = tpu.vector_load %arg7[%get3A_488, %get3A_489, %get3A_490] {strides = array<i32>} : memref<4x200x64xf32, #tpu.memory_space<vmem>>, vector<1x1x16xf32>,
        %get3A_492 = vector.shape_cast %get3A_491 : vector<1x1x16xf32> to vector<16xf32>
        %get3A_493 = arith.index_cast %add3A_450 : i32 to index
        %get3A_494 = arith.constant 32 : index
        %get3A_495 = tpu.vector_load %arg8[%get3A_493, %get3A_494] {strides = array<i32>} : memref<200x64xf32, #tpu.memory_space<vmem>>, vector<1x16xf32>,
        %get3A_496 = vector.shape_cast %get3A_495 : vector<1x16xf32> to vector<16xf32>
        %add3A_497 = arith.addf %get3A_492, %get3A_496 : vector<16xf32>
        %swap3A_498 = arith.constant 3 : i32
        %swap3A_499 = arith.index_cast %swap3A_498 : i32 to index
        %swap3A_500 = arith.index_cast %add3A_450 : i32 to index
        %swap3A_501 = arith.constant 32 : index
        %swap3A_502 = tpu.vector_load %arg7[%swap3A_499, %swap3A_500, %swap3A_501] {strides = array<i32>} : memref<4x200x64xf32, #tpu.memory_space<vmem>>, vector<1x1x16xf32>,
        %swap3A_503 = vector.shape_cast %swap3A_502 : vector<1x1x16xf32> to vector<16xf32>
        %swap3A_504 = vector.shape_cast %add3A_497 : vector<16xf32> to vector<1x1x16xf32>
        tpu.vector_store %arg7[%swap3A_499, %swap3A_500, %swap3A_501], %swap3A_504 {strides = array<i32>} : memref<4x200x64xf32, #tpu.memory_space<vmem>>, vector<1x1x16xf32>,
        %get3A_505 = arith.constant 3 : i32
        %get3A_506 = arith.index_cast %get3A_505 : i32 to index
        %get3A_507 = arith.index_cast %add3A_450 : i32 to index
        %get3A_508 = arith.constant 48 : index
        %get3A_509 = tpu.vector_load %arg7[%get3A_506, %get3A_507, %get3A_508] {strides = array<i32>} : memref<4x200x64xf32, #tpu.memory_space<vmem>>, vector<1x1x16xf32>,
        %get3A_510 = vector.shape_cast %get3A_509 : vector<1x1x16xf32> to vector<16xf32>
        %get3A_511 = arith.index_cast %add3A_450 : i32 to index
        %get3A_512 = arith.constant 48 : index
        %get3A_513 = tpu.vector_load %arg8[%get3A_511, %get3A_512] {strides = array<i32>} : memref<200x64xf32, #tpu.memory_space<vmem>>, vector<1x16xf32>,
        %get3A_514 = vector.shape_cast %get3A_513 : vector<1x16xf32> to vector<16xf32>
        %add3A_515 = arith.addf %get3A_510, %get3A_514 : vector<16xf32>
        %swap3A_516 = arith.constant 3 : i32
        %swap3A_517 = arith.index_cast %swap3A_516 : i32 to index
        %swap3A_518 = arith.index_cast %add3A_450 : i32 to index
        %swap3A_519 = arith.constant 48 : index
        %swap3A_520 = tpu.vector_load %arg7[%swap3A_517, %swap3A_518, %swap3A_519] {strides = array<i32>} : memref<4x200x64xf32, #tpu.memory_space<vmem>>, vector<1x1x16xf32>,
        %swap3A_521 = vector.shape_cast %swap3A_520 : vector<1x1x16xf32> to vector<16xf32>
        %swap3A_522 = vector.shape_cast %add3A_515 : vector<16xf32> to vector<1x1x16xf32>
        tpu.vector_store %arg7[%swap3A_517, %swap3A_518, %swap3A_519], %swap3A_522 {strides = array<i32>} : memref<4x200x64xf32, #tpu.memory_space<vmem>>, vector<1x1x16xf32>,
        %mul3A_523 = arith.constant 4 : i32
        %mul3A_524 = arith.muli %scan3A_372, %mul3A_523 : i32
        %add3A_525 = arith.constant 2 : i32
        %add3A_526 = arith.addi %mul3A_524, %add3A_525 : i32
        %get3A_527 = arith.constant 3 : i32
        %get3A_528 = arith.index_cast %get3A_527 : i32 to index
        %get3A_529 = arith.index_cast %add3A_526 : i32 to index
        %get3A_530 = arith.constant 0 : index
        %get3A_531 = tpu.vector_load %arg7[%get3A_528, %get3A_529, %get3A_530] {strides = array<i32>} : memref<4x200x64xf32, #tpu.memory_space<vmem>>, vector<1x1x16xf32>,
        %get3A_532 = vector.shape_cast %get3A_531 : vector<1x1x16xf32> to vector<16xf32>
        %get3A_533 = arith.index_cast %add3A_526 : i32 to index
        %get3A_534 = arith.constant 0 : index
        %get3A_535 = tpu.vector_load %arg8[%get3A_533, %get3A_534] {strides = array<i32>} : memref<200x64xf32, #tpu.memory_space<vmem>>, vector<1x16xf32>,
        %get3A_536 = vector.shape_cast %get3A_535 : vector<1x16xf32> to vector<16xf32>
        %add3A_537 = arith.addf %get3A_532, %get3A_536 : vector<16xf32>
        %swap3A_538 = arith.constant 3 : i32
        %swap3A_539 = arith.index_cast %swap3A_538 : i32 to index
        %swap3A_540 = arith.index_cast %add3A_526 : i32 to index
        %swap3A_541 = arith.constant 0 : index
        %swap3A_542 = tpu.vector_load %arg7[%swap3A_539, %swap3A_540, %swap3A_541] {strides = array<i32>} : memref<4x200x64xf32, #tpu.memory_space<vmem>>, vector<1x1x16xf32>,
        %swap3A_543 = vector.shape_cast %swap3A_542 : vector<1x1x16xf32> to vector<16xf32>
        %swap3A_544 = vector.shape_cast %add3A_537 : vector<16xf32> to vector<1x1x16xf32>
        tpu.vector_store %arg7[%swap3A_539, %swap3A_540, %swap3A_541], %swap3A_544 {strides = array<i32>} : memref<4x200x64xf32, #tpu.memory_space<vmem>>, vector<1x1x16xf32>,
        %get3A_545 = arith.constant 3 : i32
        %get3A_546 = arith.index_cast %get3A_545 : i32 to index
        %get3A_547 = arith.index_cast %add3A_526 : i32 to index
        %get3A_548 = arith.constant 16 : index
        %get3A_549 = tpu.vector_load %arg7[%get3A_546, %get3A_547, %get3A_548] {strides = array<i32>} : memref<4x200x64xf32, #tpu.memory_space<vmem>>, vector<1x1x16xf32>,
        %get3A_550 = vector.shape_cast %get3A_549 : vector<1x1x16xf32> to vector<16xf32>
        %get3A_551 = arith.index_cast %add3A_526 : i32 to index
        %get3A_552 = arith.constant 16 : index
        %get3A_553 = tpu.vector_load %arg8[%get3A_551, %get3A_552] {strides = array<i32>} : memref<200x64xf32, #tpu.memory_space<vmem>>, vector<1x16xf32>,
        %get3A_554 = vector.shape_cast %get3A_553 : vector<1x16xf32> to vector<16xf32>
        %add3A_555 = arith.addf %get3A_550, %get3A_554 : vector<16xf32>
        %swap3A_556 = arith.constant 3 : i32
        %swap3A_557 = arith.index_cast %swap3A_556 : i32 to index
        %swap3A_558 = arith.index_cast %add3A_526 : i32 to index
        %swap3A_559 = arith.constant 16 : index
        %swap3A_560 = tpu.vector_load %arg7[%swap3A_557, %swap3A_558, %swap3A_559] {strides = array<i32>} : memref<4x200x64xf32, #tpu.memory_space<vmem>>, vector<1x1x16xf32>,
        %swap3A_561 = vector.shape_cast %swap3A_560 : vector<1x1x16xf32> to vector<16xf32>
        %swap3A_562 = vector.shape_cast %add3A_555 : vector<16xf32> to vector<1x1x16xf32>
        tpu.vector_store %arg7[%swap3A_557, %swap3A_558, %swap3A_559], %swap3A_562 {strides = array<i32>} : memref<4x200x64xf32, #tpu.memory_space<vmem>>, vector<1x1x16xf32>,
        %get3A_563 = arith.constant 3 : i32
        %get3A_564 = arith.index_cast %get3A_563 : i32 to index
        %get3A_565 = arith.index_cast %add3A_526 : i32 to index
        %get3A_566 = arith.constant 32 : index
        %get3A_567 = tpu.vector_load %arg7[%get3A_564, %get3A_565, %get3A_566] {strides = array<i32>} : memref<4x200x64xf32, #tpu.memory_space<vmem>>, vector<1x1x16xf32>,
        %get3A_568 = vector.shape_cast %get3A_567 : vector<1x1x16xf32> to vector<16xf32>
        %get3A_569 = arith.index_cast %add3A_526 : i32 to index
        %get3A_570 = arith.constant 32 : index
        %get3A_571 = tpu.vector_load %arg8[%get3A_569, %get3A_570] {strides = array<i32>} : memref<200x64xf32, #tpu.memory_space<vmem>>, vector<1x16xf32>,
        %get3A_572 = vector.shape_cast %get3A_571 : vector<1x16xf32> to vector<16xf32>
        %add3A_573 = arith.addf %get3A_568, %get3A_572 : vector<16xf32>
        %swap3A_574 = arith.constant 3 : i32
        %swap3A_575 = arith.index_cast %swap3A_574 : i32 to index
        %swap3A_576 = arith.index_cast %add3A_526 : i32 to index
        %swap3A_577 = arith.constant 32 : index
        %swap3A_578 = tpu.vector_load %arg7[%swap3A_575, %swap3A_576, %swap3A_577] {strides = array<i32>} : memref<4x200x64xf32, #tpu.memory_space<vmem>>, vector<1x1x16xf32>,
        %swap3A_579 = vector.shape_cast %swap3A_578 : vector<1x1x16xf32> to vector<16xf32>
        %swap3A_580 = vector.shape_cast %add3A_573 : vector<16xf32> to vector<1x1x16xf32>
        tpu.vector_store %arg7[%swap3A_575, %swap3A_576, %swap3A_577], %swap3A_580 {strides = array<i32>} : memref<4x200x64xf32, #tpu.memory_space<vmem>>, vector<1x1x16xf32>,
        %get3A_581 = arith.constant 3 : i32
        %get3A_582 = arith.index_cast %get3A_581 : i32 to index
        %get3A_583 = arith.index_cast %add3A_526 : i32 to index
        %get3A_584 = arith.constant 48 : index
        %get3A_585 = tpu.vector_load %arg7[%get3A_582, %get3A_583, %get3A_584] {strides = array<i32>} : memref<4x200x64xf32, #tpu.memory_space<vmem>>, vector<1x1x16xf32>,
        %get3A_586 = vector.shape_cast %get3A_585 : vector<1x1x16xf32> to vector<16xf32>
        %get3A_587 = arith.index_cast %add3A_526 : i32 to index
        %get3A_588 = arith.constant 48 : index
        %get3A_589 = tpu.vector_load %arg8[%get3A_587, %get3A_588] {strides = array<i32>} : memref<200x64xf32, #tpu.memory_space<vmem>>, vector<1x16xf32>,
        %get3A_590 = vector.shape_cast %get3A_589 : vector<1x16xf32> to vector<16xf32>
        %add3A_591 = arith.addf %get3A_586, %get3A_590 : vector<16xf32>
        %swap3A_592 = arith.constant 3 : i32
        %swap3A_593 = arith.index_cast %swap3A_592 : i32 to index
        %swap3A_594 = arith.index_cast %add3A_526 : i32 to index
        %swap3A_595 = arith.constant 48 : index
        %swap3A_596 = tpu.vector_load %arg7[%swap3A_593, %swap3A_594, %swap3A_595] {strides = array<i32>} : memref<4x200x64xf32, #tpu.memory_space<vmem>>, vector<1x1x16xf32>,
        %swap3A_597 = vector.shape_cast %swap3A_596 : vector<1x1x16xf32> to vector<16xf32>
        %swap3A_598 = vector.shape_cast %add3A_591 : vector<16xf32> to vector<1x1x16xf32>
        tpu.vector_store %arg7[%swap3A_593, %swap3A_594, %swap3A_595], %swap3A_598 {strides = array<i32>} : memref<4x200x64xf32, #tpu.memory_space<vmem>>, vector<1x1x16xf32>,
        %mul3A_599 = arith.constant 4 : i32
        %mul3A_600 = arith.muli %scan3A_372, %mul3A_599 : i32
        %add3A_601 = arith.constant 3 : i32
        %add3A_602 = arith.addi %mul3A_600, %add3A_601 : i32
        %get3A_603 = arith.constant 3 : i32
        %get3A_604 = arith.index_cast %get3A_603 : i32 to index
        %get3A_605 = arith.index_cast %add3A_602 : i32 to index
        %get3A_606 = arith.constant 0 : index
        %get3A_607 = tpu.vector_load %arg7[%get3A_604, %get3A_605, %get3A_606] {strides = array<i32>} : memref<4x200x64xf32, #tpu.memory_space<vmem>>, vector<1x1x16xf32>,
        %get3A_608 = vector.shape_cast %get3A_607 : vector<1x1x16xf32> to vector<16xf32>
        %get3A_609 = arith.index_cast %add3A_602 : i32 to index
        %get3A_610 = arith.constant 0 : index
        %get3A_611 = tpu.vector_load %arg8[%get3A_609, %get3A_610] {strides = array<i32>} : memref<200x64xf32, #tpu.memory_space<vmem>>, vector<1x16xf32>,
        %get3A_612 = vector.shape_cast %get3A_611 : vector<1x16xf32> to vector<16xf32>
        %add3A_613 = arith.addf %get3A_608, %get3A_612 : vector<16xf32>
        %swap3A_614 = arith.constant 3 : i32
        %swap3A_615 = arith.index_cast %swap3A_614 : i32 to index
        %swap3A_616 = arith.index_cast %add3A_602 : i32 to index
        %swap3A_617 = arith.constant 0 : index
        %swap3A_618 = tpu.vector_load %arg7[%swap3A_615, %swap3A_616, %swap3A_617] {strides = array<i32>} : memref<4x200x64xf32, #tpu.memory_space<vmem>>, vector<1x1x16xf32>,
        %swap3A_619 = vector.shape_cast %swap3A_618 : vector<1x1x16xf32> to vector<16xf32>
        %swap3A_620 = vector.shape_cast %add3A_613 : vector<16xf32> to vector<1x1x16xf32>
        tpu.vector_store %arg7[%swap3A_615, %swap3A_616, %swap3A_617], %swap3A_620 {strides = array<i32>} : memref<4x200x64xf32, #tpu.memory_space<vmem>>, vector<1x1x16xf32>,
        %get3A_621 = arith.constant 3 : i32
        %get3A_622 = arith.index_cast %get3A_621 : i32 to index
        %get3A_623 = arith.index_cast %add3A_602 : i32 to index
        %get3A_624 = arith.constant 16 : index
        %get3A_625 = tpu.vector_load %arg7[%get3A_622, %get3A_623, %get3A_624] {strides = array<i32>} : memref<4x200x64xf32, #tpu.memory_space<vmem>>, vector<1x1x16xf32>,
        %get3A_626 = vector.shape_cast %get3A_625 : vector<1x1x16xf32> to vector<16xf32>
        %get3A_627 = arith.index_cast %add3A_602 : i32 to index
        %get3A_628 = arith.constant 16 : index
        %get3A_629 = tpu.vector_load %arg8[%get3A_627, %get3A_628] {strides = array<i32>} : memref<200x64xf32, #tpu.memory_space<vmem>>, vector<1x16xf32>,
        %get3A_630 = vector.shape_cast %get3A_629 : vector<1x16xf32> to vector<16xf32>
        %add3A_631 = arith.addf %get3A_626, %get3A_630 : vector<16xf32>
        %swap3A_632 = arith.constant 3 : i32
        %swap3A_633 = arith.index_cast %swap3A_632 : i32 to index
        %swap3A_634 = arith.index_cast %add3A_602 : i32 to index
        %swap3A_635 = arith.constant 16 : index
        %swap3A_636 = tpu.vector_load %arg7[%swap3A_633, %swap3A_634, %swap3A_635] {strides = array<i32>} : memref<4x200x64xf32, #tpu.memory_space<vmem>>, vector<1x1x16xf32>,
        %swap3A_637 = vector.shape_cast %swap3A_636 : vector<1x1x16xf32> to vector<16xf32>
        %swap3A_638 = vector.shape_cast %add3A_631 : vector<16xf32> to vector<1x1x16xf32>
        tpu.vector_store %arg7[%swap3A_633, %swap3A_634, %swap3A_635], %swap3A_638 {strides = array<i32>} : memref<4x200x64xf32, #tpu.memory_space<vmem>>, vector<1x1x16xf32>,
        %get3A_639 = arith.constant 3 : i32
        %get3A_640 = arith.index_cast %get3A_639 : i32 to index
        %get3A_641 = arith.index_cast %add3A_602 : i32 to index
        %get3A_642 = arith.constant 32 : index
        %get3A_643 = tpu.vector_load %arg7[%get3A_640, %get3A_641, %get3A_642] {strides = array<i32>} : memref<4x200x64xf32, #tpu.memory_space<vmem>>, vector<1x1x16xf32>,
        %get3A_644 = vector.shape_cast %get3A_643 : vector<1x1x16xf32> to vector<16xf32>
        %get3A_645 = arith.index_cast %add3A_602 : i32 to index
        %get3A_646 = arith.constant 32 : index
        %get3A_647 = tpu.vector_load %arg8[%get3A_645, %get3A_646] {strides = array<i32>} : memref<200x64xf32, #tpu.memory_space<vmem>>, vector<1x16xf32>,
        %get3A_648 = vector.shape_cast %get3A_647 : vector<1x16xf32> to vector<16xf32>
        %add3A_649 = arith.addf %get3A_644, %get3A_648 : vector<16xf32>
        %swap3A_650 = arith.constant 3 : i32
        %swap3A_651 = arith.index_cast %swap3A_650 : i32 to index
        %swap3A_652 = arith.index_cast %add3A_602 : i32 to index
        %swap3A_653 = arith.constant 32 : index
        %swap3A_654 = tpu.vector_load %arg7[%swap3A_651, %swap3A_652, %swap3A_653] {strides = array<i32>} : memref<4x200x64xf32, #tpu.memory_space<vmem>>, vector<1x1x16xf32>,
        %swap3A_655 = vector.shape_cast %swap3A_654 : vector<1x1x16xf32> to vector<16xf32>
        %swap3A_656 = vector.shape_cast %add3A_649 : vector<16xf32> to vector<1x1x16xf32>
        tpu.vector_store %arg7[%swap3A_651, %swap3A_652, %swap3A_653], %swap3A_656 {strides = array<i32>} : memref<4x200x64xf32, #tpu.memory_space<vmem>>, vector<1x1x16xf32>,
        %get3A_657 = arith.constant 3 : i32
        %get3A_658 = arith.index_cast %get3A_657 : i32 to index
        %get3A_659 = arith.index_cast %add3A_602 : i32 to index
        %get3A_660 = arith.constant 48 : index
        %get3A_661 = tpu.vector_load %arg7[%get3A_658, %get3A_659, %get3A_660] {strides = array<i32>} : memref<4x200x64xf32, #tpu.memory_space<vmem>>, vector<1x1x16xf32>,
        %get3A_662 = vector.shape_cast %get3A_661 : vector<1x1x16xf32> to vector<16xf32>
        %get3A_663 = arith.index_cast %add3A_602 : i32 to index
        %get3A_664 = arith.constant 48 : index
        %get3A_665 = tpu.vector_load %arg8[%get3A_663, %get3A_664] {strides = array<i32>} : memref<200x64xf32, #tpu.memory_space<vmem>>, vector<1x16xf32>,
        %get3A_666 = vector.shape_cast %get3A_665 : vector<1x16xf32> to vector<16xf32>
        %add3A_667 = arith.addf %get3A_662, %get3A_666 : vector<16xf32>
        %swap3A_668 = arith.constant 3 : i32
        %swap3A_669 = arith.index_cast %swap3A_668 : i32 to index
        %swap3A_670 = arith.index_cast %add3A_602 : i32 to index
        %swap3A_671 = arith.constant 48 : index
        %swap3A_672 = tpu.vector_load %arg7[%swap3A_669, %swap3A_670, %swap3A_671] {strides = array<i32>} : memref<4x200x64xf32, #tpu.memory_space<vmem>>, vector<1x1x16xf32>,
        %swap3A_673 = vector.shape_cast %swap3A_672 : vector<1x1x16xf32> to vector<16xf32>
        %swap3A_674 = vector.shape_cast %add3A_667 : vector<16xf32> to vector<1x1x16xf32>
        tpu.vector_store %arg7[%swap3A_669, %swap3A_670, %swap3A_671], %swap3A_674 {strides = array<i32>} : memref<4x200x64xf32, #tpu.memory_space<vmem>>, vector<1x1x16xf32>,
      }
      %scan3A_353 = arith.constant 50 : i32
      %add3A_354 = arith.addi %mul3A_2, %add3A_308 : i32
      %dma_start3A_355 = arith.constant 3 : i32
      %dma_start3A_356 = arith.constant 0 : i32
      %dma_start3A_357 = arith.constant 0 : i32
      %dma_start3A_358 = tpu.memref_slice %arg7[%dma_start3A_355, %dma_start3A_356, %dma_start3A_357] : memref<4x200x64xf32, #tpu.memory_space<vmem>> -> memref<1x200x64xf32, #tpu.memory_space<vmem>>
      %dma_start3A_359 = tpu.memref_squeeze %dma_start3A_358 : memref<1x200x64xf32, #tpu.memory_space<vmem>> -> memref<200x64xf32, #tpu.memory_space<vmem>>
      %dma_start3A_360 = arith.constant 0 : i32
      %dma_start3A_361 = arith.constant 0 : i32
      %dma_start3A_362 = tpu.memref_slice %arg5[%add3A_354, %dma_start3A_360, %dma_start3A_361] : memref<4096x200x128xf32, #tpu.memory_space<hbm>> -> memref<1x200x64xf32, #tpu.memory_space<hbm>>
      %dma_start3A_363 = tpu.memref_squeeze %dma_start3A_362 : memref<1x200x64xf32, #tpu.memory_space<hbm>> -> memref<200x64xf32, #tpu.memory_space<hbm>>
      %dma_start3A_364 = arith.constant 0 : i32
      %dma_start3A_365 = arith.constant 0 : i32
      %dma_start3A_366 = tpu.memref_slice %arg5[%add3A_354, %dma_start3A_364, %dma_start3A_365] : memref<4096x200x128xf32, #tpu.memory_space<hbm>> -> memref<1x200x64xf32, #tpu.memory_space<hbm>>
      %dma_start3A_367 = tpu.memref_squeeze %dma_start3A_366 : memref<1x200x64xf32, #tpu.memory_space<hbm>> -> memref<200x64xf32, #tpu.memory_space<hbm>>
      %dma_start3A_368 = arith.constant 0 : i32
      %dma_start3A_369 = arith.constant 0 : i32
      %dma_start3A_370 = tpu.memref_slice %arg7[%dma_start3A_355, %dma_start3A_368, %dma_start3A_369] : memref<4x200x64xf32, #tpu.memory_space<vmem>> -> memref<1x200x64xf32, #tpu.memory_space<vmem>>
      %dma_start3A_371 = tpu.memref_squeeze %dma_start3A_370 : memref<1x200x64xf32, #tpu.memory_space<vmem>> -> memref<200x64xf32, #tpu.memory_space<vmem>>
      tpu.enqueue_dma source(%dma_start3A_371 : memref<200x64xf32, #tpu.memory_space<vmem>>) target(%dma_start3A_367 : memref<200x64xf32, #tpu.memory_space<hbm>>) target_semaphore(%arg16 : memref<!tpu.dma_semaphore, #tpu.memory_space<semaphore_mem>>)
    }
    %scan3A_32 = arith.constant 32 : i32
    %add3A_33 = arith.constant 124 : i32
    %add3A_34 = arith.addi %mul3A_2, %add3A_33 : i32
    %dma_wait3A = arith.constant 0 : i32
    %dma_wait3A_35 = arith.constant 0 : i32
    %dma_wait3A_36 = arith.constant 0 : i32
    %dma_wait3A_37 = tpu.memref_slice %arg7[%dma_wait3A, %dma_wait3A_35, %dma_wait3A_36] : memref<4x200x64xf32, #tpu.memory_space<vmem>> -> memref<1x200x64xf32, #tpu.memory_space<vmem>>
    %dma_wait3A_38 = tpu.memref_squeeze %dma_wait3A_37 : memref<1x200x64xf32, #tpu.memory_space<vmem>> -> memref<200x64xf32, #tpu.memory_space<vmem>>
    %dma_wait3A_39 = arith.constant 0 : i32
    %dma_wait3A_40 = arith.constant 0 : i32
    %dma_wait3A_41 = tpu.memref_slice %arg5[%add3A_34, %dma_wait3A_39, %dma_wait3A_40] : memref<4096x200x128xf32, #tpu.memory_space<hbm>> -> memref<1x200x64xf32, #tpu.memory_space<hbm>>
    %dma_wait3A_42 = tpu.memref_squeeze %dma_wait3A_41 : memref<1x200x64xf32, #tpu.memory_space<hbm>> -> memref<200x64xf32, #tpu.memory_space<hbm>>
    %dma_wait3A_43 = arith.constant 0 : i32
    %dma_wait3A_44 = arith.constant 0 : i32
    %dma_wait3A_45 = tpu.memref_slice %arg5[%add3A_34, %dma_wait3A_43, %dma_wait3A_44] : memref<4096x200x128xf32, #tpu.memory_space<hbm>> -> memref<1x200x64xf32, #tpu.memory_space<hbm>>
    %dma_wait3A_46 = tpu.memref_squeeze %dma_wait3A_45 : memref<1x200x64xf32, #tpu.memory_space<hbm>> -> memref<200x64xf32, #tpu.memory_space<hbm>>
    %dma_wait3A_47 = arith.constant 0 : i32
    %dma_wait3A_48 = arith.constant 0 : i32
    %dma_wait3A_49 = tpu.memref_slice %arg7[%dma_wait3A, %dma_wait3A_47, %dma_wait3A_48] : memref<4x200x64xf32, #tpu.memory_space<vmem>> -> memref<1x200x64xf32, #tpu.memory_space<vmem>>
    %dma_wait3A_50 = tpu.memref_squeeze %dma_wait3A_49 : memref<1x200x64xf32, #tpu.memory_space<vmem>> -> memref<200x64xf32, #tpu.memory_space<vmem>>
    tpu.wait_dma2 semaphore(%arg13 : memref<!tpu.dma_semaphore, #tpu.memory_space<semaphore_mem>>) src(%dma_wait3A_50 : memref<200x64xf32, #tpu.memory_space<vmem>>) dst(%dma_wait3A_46 : memref<200x64xf32, #tpu.memory_space<hbm>>)
    %add3A_51 = arith.constant 125 : i32
    %add3A_52 = arith.addi %mul3A_2, %add3A_51 : i32
    %dma_wait3A_53 = arith.constant 1 : i32
    %dma_wait3A_54 = arith.constant 0 : i32
    %dma_wait3A_55 = arith.constant 0 : i32
    %dma_wait3A_56 = tpu.memref_slice %arg7[%dma_wait3A_53, %dma_wait3A_54, %dma_wait3A_55] : memref<4x200x64xf32, #tpu.memory_space<vmem>> -> memref<1x200x64xf32, #tpu.memory_space<vmem>>
    %dma_wait3A_57 = tpu.memref_squeeze %dma_wait3A_56 : memref<1x200x64xf32, #tpu.memory_space<vmem>> -> memref<200x64xf32, #tpu.memory_space<vmem>>
    %dma_wait3A_58 = arith.constant 0 : i32
    %dma_wait3A_59 = arith.constant 0 : i32
    %dma_wait3A_60 = tpu.memref_slice %arg5[%add3A_52, %dma_wait3A_58, %dma_wait3A_59] : memref<4096x200x128xf32, #tpu.memory_space<hbm>> -> memref<1x200x64xf32, #tpu.memory_space<hbm>>
    %dma_wait3A_61 = tpu.memref_squeeze %dma_wait3A_60 : memref<1x200x64xf32, #tpu.memory_space<hbm>> -> memref<200x64xf32, #tpu.memory_space<hbm>>
    %dma_wait3A_62 = arith.constant 0 : i32
    %dma_wait3A_63 = arith.constant 0 : i32
    %dma_wait3A_64 = tpu.memref_slice %arg5[%add3A_52, %dma_wait3A_62, %dma_wait3A_63] : memref<4096x200x128xf32, #tpu.memory_space<hbm>> -> memref<1x200x64xf32, #tpu.memory_space<hbm>>
    %dma_wait3A_65 = tpu.memref_squeeze %dma_wait3A_64 : memref<1x200x64xf32, #tpu.memory_space<hbm>> -> memref<200x64xf32, #tpu.memory_space<hbm>>
    %dma_wait3A_66 = arith.constant 0 : i32
    %dma_wait3A_67 = arith.constant 0 : i32
    %dma_wait3A_68 = tpu.memref_slice %arg7[%dma_wait3A_53, %dma_wait3A_66, %dma_wait3A_67] : memref<4x200x64xf32, #tpu.memory_space<vmem>> -> memref<1x200x64xf32, #tpu.memory_space<vmem>>
    %dma_wait3A_69 = tpu.memref_squeeze %dma_wait3A_68 : memref<1x200x64xf32, #tpu.memory_space<vmem>> -> memref<200x64xf32, #tpu.memory_space<vmem>>
    tpu.wait_dma2 semaphore(%arg14 : memref<!tpu.dma_semaphore, #tpu.memory_space<semaphore_mem>>) src(%dma_wait3A_69 : memref<200x64xf32, #tpu.memory_space<vmem>>) dst(%dma_wait3A_65 : memref<200x64xf32, #tpu.memory_space<hbm>>)
    %add3A_70 = arith.constant 126 : i32
    %add3A_71 = arith.addi %mul3A_2, %add3A_70 : i32
    %dma_wait3A_72 = arith.constant 2 : i32
    %dma_wait3A_73 = arith.constant 0 : i32
    %dma_wait3A_74 = arith.constant 0 : i32
    %dma_wait3A_75 = tpu.memref_slice %arg7[%dma_wait3A_72, %dma_wait3A_73, %dma_wait3A_74] : memref<4x200x64xf32, #tpu.memory_space<vmem>> -> memref<1x200x64xf32, #tpu.memory_space<vmem>>
    %dma_wait3A_76 = tpu.memref_squeeze %dma_wait3A_75 : memref<1x200x64xf32, #tpu.memory_space<vmem>> -> memref<200x64xf32, #tpu.memory_space<vmem>>
    %dma_wait3A_77 = arith.constant 0 : i32
    %dma_wait3A_78 = arith.constant 0 : i32
    %dma_wait3A_79 = tpu.memref_slice %arg5[%add3A_71, %dma_wait3A_77, %dma_wait3A_78] : memref<4096x200x128xf32, #tpu.memory_space<hbm>> -> memref<1x200x64xf32, #tpu.memory_space<hbm>>
    %dma_wait3A_80 = tpu.memref_squeeze %dma_wait3A_79 : memref<1x200x64xf32, #tpu.memory_space<hbm>> -> memref<200x64xf32, #tpu.memory_space<hbm>>
    %dma_wait3A_81 = arith.constant 0 : i32
    %dma_wait3A_82 = arith.constant 0 : i32
    %dma_wait3A_83 = tpu.memref_slice %arg5[%add3A_71, %dma_wait3A_81, %dma_wait3A_82] : memref<4096x200x128xf32, #tpu.memory_space<hbm>> -> memref<1x200x64xf32, #tpu.memory_space<hbm>>
    %dma_wait3A_84 = tpu.memref_squeeze %dma_wait3A_83 : memref<1x200x64xf32, #tpu.memory_space<hbm>> -> memref<200x64xf32, #tpu.memory_space<hbm>>
    %dma_wait3A_85 = arith.constant 0 : i32
    %dma_wait3A_86 = arith.constant 0 : i32
    %dma_wait3A_87 = tpu.memref_slice %arg7[%dma_wait3A_72, %dma_wait3A_85, %dma_wait3A_86] : memref<4x200x64xf32, #tpu.memory_space<vmem>> -> memref<1x200x64xf32, #tpu.memory_space<vmem>>
    %dma_wait3A_88 = tpu.memref_squeeze %dma_wait3A_87 : memref<1x200x64xf32, #tpu.memory_space<vmem>> -> memref<200x64xf32, #tpu.memory_space<vmem>>
    tpu.wait_dma2 semaphore(%arg15 : memref<!tpu.dma_semaphore, #tpu.memory_space<semaphore_mem>>) src(%dma_wait3A_88 : memref<200x64xf32, #tpu.memory_space<vmem>>) dst(%dma_wait3A_84 : memref<200x64xf32, #tpu.memory_space<hbm>>)
    %add3A_89 = arith.constant 127 : i32
    %add3A_90 = arith.addi %mul3A_2, %add3A_89 : i32
    %dma_wait3A_91 = arith.constant 3 : i32
    %dma_wait3A_92 = arith.constant 0 : i32
    %dma_wait3A_93 = arith.constant 0 : i32
    %dma_wait3A_94 = tpu.memref_slice %arg7[%dma_wait3A_91, %dma_wait3A_92, %dma_wait3A_93] : memref<4x200x64xf32, #tpu.memory_space<vmem>> -> memref<1x200x64xf32, #tpu.memory_space<vmem>>
    %dma_wait3A_95 = tpu.memref_squeeze %dma_wait3A_94 : memref<1x200x64xf32, #tpu.memory_space<vmem>> -> memref<200x64xf32, #tpu.memory_space<vmem>>
    %dma_wait3A_96 = arith.constant 0 : i32
    %dma_wait3A_97 = arith.constant 0 : i32
    %dma_wait3A_98 = tpu.memref_slice %arg5[%add3A_90, %dma_wait3A_96, %dma_wait3A_97] : memref<4096x200x128xf32, #tpu.memory_space<hbm>> -> memref<1x200x64xf32, #tpu.memory_space<hbm>>
    %dma_wait3A_99 = tpu.memref_squeeze %dma_wait3A_98 : memref<1x200x64xf32, #tpu.memory_space<hbm>> -> memref<200x64xf32, #tpu.memory_space<hbm>>
    %dma_wait3A_100 = arith.constant 0 : i32
    %dma_wait3A_101 = arith.constant 0 : i32
    %dma_wait3A_102 = tpu.memref_slice %arg5[%add3A_90, %dma_wait3A_100, %dma_wait3A_101] : memref<4096x200x128xf32, #tpu.memory_space<hbm>> -> memref<1x200x64xf32, #tpu.memory_space<hbm>>
    %dma_wait3A_103 = tpu.memref_squeeze %dma_wait3A_102 : memref<1x200x64xf32, #tpu.memory_space<hbm>> -> memref<200x64xf32, #tpu.memory_space<hbm>>
    %dma_wait3A_104 = arith.constant 0 : i32
    %dma_wait3A_105 = arith.constant 0 : i32
    %dma_wait3A_106 = tpu.memref_slice %arg7[%dma_wait3A_91, %dma_wait3A_104, %dma_wait3A_105] : memref<4x200x64xf32, #tpu.memory_space<vmem>> -> memref<1x200x64xf32, #tpu.memory_space<vmem>>
    %dma_wait3A_107 = tpu.memref_squeeze %dma_wait3A_106 : memref<1x200x64xf32, #tpu.memory_space<vmem>> -> memref<200x64xf32, #tpu.memory_space<vmem>>
    tpu.wait_dma2 semaphore(%arg16 : memref<!tpu.dma_semaphore, #tpu.memory_space<semaphore_mem>>) src(%dma_wait3A_107 : memref<200x64xf32, #tpu.memory_space<vmem>>) dst(%dma_wait3A_103 : memref<200x64xf32, #tpu.memory_space<hbm>>)
    return
  }
}

module attributes {stable_mosaic.version = 14 : i64} {
  func.func @_pe_tc_kernel(%arg0: memref<200x64xf32, #tpu.memory_space<vmem>>) attributes {dimension_semantics = [], scalar_prefetch = 0 : i64, scratch_operands = 0 : i64, tpu.core_type = #tpu.core_type<tc>} {
    %iota3A = tpu.iota {dimensions = array<i32: 0>} : vector<200x64xi32>
    %convert_element_type3A = arith.sitofp %iota3A : vector<200x64xi32> to vector<200x64xf32>
    %iota3A_0 = tpu.iota {dimensions = array<i32: 1>} : vector<200x64xi32>
    %jit3A = arith.constant 2 : i32
    %div3A = vector.broadcast %jit3A : i32 to vector<200x64xi32>
    %div3A_1 = arith.divsi %iota3A_0, %div3A : vector<200x64xi32>
    %sign3A = arith.constant 0 : i32
    %sign3A_2 = vector.broadcast %sign3A : i32 to vector<200x64xi32>
    %sign3A_3 = arith.cmpi sgt, %iota3A_0, %sign3A_2 : vector<200x64xi32>
    %sign3A_4 = arith.extui %sign3A_3 : vector<200x64xi1> to vector<200x64xi32>
    %sign3A_5 = arith.constant 0 : i32
    %sign3A_6 = vector.broadcast %sign3A_5 : i32 to vector<200x64xi32>
    %sign3A_7 = arith.cmpi slt, %iota3A_0, %sign3A_6 : vector<200x64xi32>
    %sign3A_8 = arith.extui %sign3A_7 : vector<200x64xi1> to vector<200x64xi32>
    %sign3A_9 = arith.subi %sign3A_4, %sign3A_8 : vector<200x64xi32>
    %sign3A_10 = arith.constant 0 : i32
    %sign3A_11 = arith.cmpi sgt, %jit3A, %sign3A_10 : i32
    %sign3A_12 = arith.extui %sign3A_11 : i1 to i32
    %sign3A_13 = arith.constant 0 : i32
    %sign3A_14 = arith.cmpi slt, %jit3A, %sign3A_13 : i32
    %sign3A_15 = arith.extui %sign3A_14 : i1 to i32
    %sign3A_16 = arith.subi %sign3A_12, %sign3A_15 : i32
    %ne3A = vector.broadcast %sign3A_16 : i32 to vector<200x64xi32>
    %ne3A_17 = arith.cmpi ne, %sign3A_9, %ne3A : vector<200x64xi32>
    %rem3A = vector.broadcast %jit3A : i32 to vector<200x64xi32>
    %rem3A_18 = arith.remsi %iota3A_0, %rem3A : vector<200x64xi32>
    %ne3A_19 = arith.constant 0 : i32
    %ne3A_20 = vector.broadcast %ne3A_19 : i32 to vector<200x64xi32>
    %ne3A_21 = arith.cmpi ne, %rem3A_18, %ne3A_20 : vector<200x64xi32>
    %and3A = arith.andi %ne3A_17, %ne3A_21 : vector<200x64xi1>
    %sub3A = arith.constant 1 : i32
    %sub3A_22 = vector.broadcast %sub3A : i32 to vector<200x64xi32>
    %sub3A_23 = arith.subi %div3A_1, %sub3A_22 : vector<200x64xi32>
    %select_n3A = arith.select %and3A, %sub3A_23, %div3A_1 : vector<200x64xi1>, vector<200x64xi32>
    %mul3A = arith.constant 2 : i32
    %mul3A_24 = vector.broadcast %mul3A : i32 to vector<200x64xi32>
    %mul3A_25 = arith.muli %select_n3A, %mul3A_24 : vector<200x64xi32>
    %convert_element_type3A_26 = arith.sitofp %mul3A_25 : vector<200x64xi32> to vector<200x64xf32>
    %mul3A_27 = arith.constant -0.14391157 : f32
    %mul3A_28 = vector.broadcast %mul3A_27 : f32 to vector<200x64xf32>
    %mul3A_29 = arith.mulf %convert_element_type3A_26, %mul3A_28 : vector<200x64xf32>
    %exp3A = math.exp %mul3A_29 : vector<200x64xf32>
    %mul3A_30 = arith.mulf %convert_element_type3A, %exp3A : vector<200x64xf32>
    %jit3A_31 = arith.constant 2 : i32
    %eq3A = arith.constant 0 : i32
    %eq3A_32 = arith.cmpi eq, %jit3A_31, %eq3A : i32
    %jit3A_33 = arith.constant 1 : i32
    %select_n3A_34 = arith.select %eq3A_32, %jit3A_33, %jit3A_31 : i32
    %rem3A_35 = vector.broadcast %select_n3A_34 : i32 to vector<200x64xi32>
    %rem3A_36 = arith.remsi %iota3A_0, %rem3A_35 : vector<200x64xi32>
    %ne3A_37 = arith.constant 0 : i32
    %ne3A_38 = vector.broadcast %ne3A_37 : i32 to vector<200x64xi32>
    %ne3A_39 = arith.cmpi ne, %rem3A_36, %ne3A_38 : vector<200x64xi32>
    %lt3A = arith.constant 0 : i32
    %lt3A_40 = vector.broadcast %lt3A : i32 to vector<200x64xi32>
    %lt3A_41 = arith.cmpi slt, %rem3A_36, %lt3A_40 : vector<200x64xi32>
    %lt3A_42 = arith.constant 0 : i32
    %lt3A_43 = arith.cmpi slt, %select_n3A_34, %lt3A_42 : i32
    %ne3A_44 = vector.broadcast %lt3A_43 : i1 to vector<200x64xi1>
    %ne3A_45 = vector.broadcast %ne3A_44 : vector<200x64xi1> to vector<200x64xi1>
    %ne3A_46 = arith.xori %lt3A_41, %ne3A_45 : vector<200x64xi1>
    %and3A_47 = arith.andi %ne3A_46, %ne3A_39 : vector<200x64xi1>
    %add3A = vector.broadcast %select_n3A_34 : i32 to vector<200x64xi32>
    %add3A_48 = arith.addi %rem3A_36, %add3A : vector<200x64xi32>
    %select_n3A_49 = arith.select %and3A_47, %add3A_48, %rem3A_36 : vector<200x64xi1>, vector<200x64xi32>
    %convert_element_type3A_50 = arith.sitofp %select_n3A_49 : vector<200x64xi32> to vector<200x64xf32>
    %sin3A = math.sin %mul3A_30 : vector<200x64xf32>
    %sub3A_51 = arith.constant 1.000000e+00 : f32
    %sub3A_52 = vector.broadcast %sub3A_51 : f32 to vector<200x64xf32>
    %sub3A_53 = arith.subf %sub3A_52, %convert_element_type3A_50 : vector<200x64xf32>
    %mul3A_54 = arith.mulf %sin3A, %sub3A_53 : vector<200x64xf32>
    %cos3A = math.cos %mul3A_30 : vector<200x64xf32>
    %mul3A_55 = arith.mulf %cos3A, %convert_element_type3A_50 : vector<200x64xf32>
    %add3A_56 = arith.addf %mul3A_54, %mul3A_55 : vector<200x64xf32>
    %swap3A = arith.constant 0 : index
    %swap3A_57 = arith.constant 0 : index
    %swap3A_58 = vector.load %arg0[%swap3A, %swap3A_57] : memref<200x64xf32, #tpu.memory_space<vmem>>, vector<200x64xf32>
    tpu.vector_store %arg0[%swap3A, %swap3A_57], %add3A_56 {strides = array<i32>} : memref<200x64xf32, #tpu.memory_space<vmem>>, vector<200x64xf32>,
    return
  }
}

</mosaic_0001>

<sc_bundles>
// kernel: kernel.4.cloned.1.call-start
scs
__scs_entry_jumppad:
0x0: {  	(pc) =	sbr.rel $0x88, $3  }
0x1: {  	(tag) =	ssettag $0x0;
	lr =	simm.s32 $0x1  }
0x2: {  	[smem:$0x3F9F] =	sst lr;
	_ =	strace $0xD0000000  }
0x3: {  	_ = 	snop  }
0x4: {  	_ = 	snop  }
0x5: {  	_ = 	snop  }
0x6: {  	_ = 	snop  }
0x7: {  	_ = 	snop  }
__scs_overlays_trampoline_lowered:
0x8: {  	[smem:$0x3FAE] =	sst s0  }
0x9: {  	[smem:$0x3FAF] =	sst s1  }
0xa: {  	[smem:$0x3FB0] =	sst s2  }
0xb: {  	[smem:$0x3FB1] =	sst s3  }
0xc: {  	[smem:$0x3FB2] =	sst s4  }
0xd: {  	[smem:$0x3FB3] =	sst s5  }
0xe: {  	[smem:$0x3FB4] =	sst s6  }
0xf: {  	[smem:$0x3FB5] =	sst s7  }
0x10: {  	[smem:$0x3FB6] =	sst s8  }
0x11: {  	[smem:$0x3FB7] =	sst s9;
	s0 =	simm.s32 @!p0 $0x0  }
0x12: {  	s1 =	sld [smem:$0x3F9D];
	s0 =	simm.s32 @p0 $0x1  }
0x13: {  	[smem:$0x3FB8] =	sst s0;
	s0 =	simm.s32 @!p1 $0x0  }
0x14: {  	s2 =	sld [smem:$0x3F9C];
	s0 =	simm.s32 @p1 $0x1  }
0x15: {  	[smem:$0x3FB9] =	sst s0;
	s0 =	simm.s32 @!p2 $0x0  }
0x16: {  	s3 =	sld [smem:$0x3FDB];
	s0 =	simm.s32 @p2 $0x1  }
0x17: {  	s4 =	simm.s32 $0x1BF5;
	[smem:$0x3FBB] =	sst s0  }
0x18: {  	s0 =	sld [smem:$0x3F9E];
	_ =	swait.ge [sflag:s4], $0x0  }
0x19: {  	s7 =	sld [smem:$0x3F9F]  }
0x1a: {  	s8 =	sadd.s32 $0xFFFFE003, lr  }
0x1b: {  	s9 =	sadd.s32 $0xFFFFFEF7, lr;
	s5 =	simm.s32 $0xFFFFFFFF;
	p2 =	slt.u32 s8, $0xFFFFF086  }
0x1c: {  	p1 =	slt.u32 s9, $0xF7A;
	s5 =	simm.s32 @!p2 $0x0  }
0x1d: {  	s5 =	simm.s32 @p1 $0x1;
	p0 =	seq.s32 s7, s2  }
0x1e: {  	s7 =	smul.u32 @!p0 $0xF7A, s2;
	p2 =	seq.s32 @!p0 s5, $0x0  }
0x1f: {  	s9 =	smul.u32 $0xF7A, s1;
	s8 =	simm.s32 @!p0 $0x1BF5;
	p2 =	por !p2, p0  }
0x20: {  	[sflag:s8] =	ssyncset.s32 @!p0 $0xFFFFF086;
	s6 =	sadd.s32 @!p0 s3, s7;
	s7 =	simm.s32 @!p0 $0x108  }
0x21: {  	s3 =	sadd.s32 s3, s9;
	s6 =	sadd.s32 @!p0 $0x88, s6;
	s7 =	simm.s32 @p2 $0x1082  }
0x22: {  	[simem:s7], [sflag:s8] =	dma.local @!p0 [hbm:s6], $0xF7A  }
0x23: {  	s9 =	sor.u32 $0xD0000000, s2;
	s6 =	simm.s32 $0x108;
	_ =	swait.ge @!p0 [sflag:s8], $0x0  }
0x24: {  	s3 =	sadd.s32 $0x88, s3;
	s6 =	simm.s32 @!p1 $0x1082;
	[sflag:s4] =	ssyncset.s32 $0xFFFFF086  }
0x25: {  	[simem:s6], [sflag:s4] =	dma.local [hbm:s3], $0xF7A  }
0x26: {  	[smem:$0x3F9F] =	sst s1;
	(tag) =	ssettag s2;
	_ =	strace s9  }
0x27: {  	s1 =	sld [smem:$0x3FAF]  }
0x28: {  	s2 =	sld [smem:$0x3FB0]  }
0x29: {  	s4 =	sld [smem:$0x3FB2]  }
0x2a: {  	p0 =	seq.s32 s5, $0x0;
	s5 =	sld [smem:$0x3FB3]  }
0x2b: {  	s6 =	sld [smem:$0x3FB4]  }
0x2c: {  	s7 =	sld [smem:$0x3FB5]  }
0x2d: {  	s3 =	simm.s32 $0x108;
	s8 =	sld [smem:$0x3FB6]  }
0x2e: {  	s3 =	simm.s32 @!p0 $0x1082;
	s9 =	sld [smem:$0x3FB7]  }
0x2f: {  	lr =	sadd.s32 s0, s3;
	s0 =	sld [smem:$0x3FAE]  }
0x30: {  	s3 =	sld [smem:$0x3FB1]  }
0x31: {  	[smem:$0x3FBA] =	sst s10  }
0x32: {  	s10 =	sld [smem:$0x3FB8];
	_ =	sdelay $0x3  }
0x33: {  	p0 =	seq.s32 s10, $0x1;
	s10 =	sld [smem:$0x3FBA];
	_ =	sdelay $0x3  }
0x34: {  	[smem:$0x3FBA] =	sst s10  }
0x35: {  	s10 =	sld [smem:$0x3FB9];
	_ =	sdelay $0x3  }
0x36: {  	p1 =	seq.s32 s10, $0x1;
	s10 =	sld [smem:$0x3FBA];
	_ =	sdelay $0x3  }
0x37: {  	[smem:$0x3FBA] =	sst s10  }
0x38: {  	s10 =	sld [smem:$0x3FBB]  }
0x39: {  	_ = 	snop;
	(pc) =	sbr.ind lr, $3  }
0x3a: {  	_ = 	snop  }
0x3b: {  	_ = 	snop  }
0x3c: {  	p2 =	seq.s32 s10, $0x1;
	s10 =	sld [smem:$0x3FBA]  }
0x3d: {  	_ =	shalt  }
0x3e: {  	_ =	shalt  }
0x3f: {  	_ =	shalt  }
0x40: {  	_ =	shalt  }
0x41: {  	_ =	shalt  }
0x42: {  	_ =	shalt  }
0x43: {  	_ =	shalt  }
0x44: {  	_ =	shalt  }
0x45: {  	_ =	shalt  }
0x46: {  	_ =	shalt  }
0x47: {  	_ =	shalt  }
0x48: {  	_ =	shalt  }
0x49: {  	_ =	shalt  }
0x4a: {  	_ =	shalt  }
0x4b: {  	_ =	shalt  }
0x4c: {  	_ =	shalt  }
0x4d: {  	_ =	shalt  }
0x4e: {  	_ =	shalt  }
0x4f: {  	_ =	shalt  }
0x50: {  	_ =	shalt  }
0x51: {  	_ =	shalt  }
0x52: {  	_ =	shalt  }
0x53: {  	_ =	shalt  }
0x54: {  	_ =	shalt  }
0x55: {  	_ =	shalt  }
0x56: {  	_ =	shalt  }
0x57: {  	_ =	shalt  }
0x58: {  	_ =	shalt  }
0x59: {  	_ =	shalt  }
0x5a: {  	_ =	shalt  }
0x5b: {  	_ =	shalt  }
0x5c: {  	_ =	shalt  }
0x5d: {  	_ =	shalt  }
0x5e: {  	_ =	shalt  }
0x5f: {  	_ =	shalt  }
0x60: {  	_ =	shalt  }
0x61: {  	_ =	shalt  }
0x62: {  	_ =	shalt  }
0x63: {  	_ =	shalt  }
0x64: {  	_ =	shalt  }
0x65: {  	_ =	shalt  }
0x66: {  	_ =	shalt  }
0x67: {  	_ =	shalt  }
0x68: {  	_ =	shalt  }
0x69: {  	_ =	shalt  }
0x6a: {  	_ =	shalt  }
0x6b: {  	_ =	shalt  }
0x6c: {  	_ =	shalt  }
0x6d: {  	_ =	shalt  }
0x6e: {  	_ =	shalt  }
0x6f: {  	_ =	shalt  }
0x70: {  	_ =	shalt  }
0x71: {  	_ =	shalt  }
0x72: {  	_ =	shalt  }
0x73: {  	_ =	shalt  }
0x74: {  	_ =	shalt  }
0x75: {  	_ =	shalt  }
0x76: {  	_ =	shalt  }
0x77: {  	_ =	shalt  }
0x78: {  	_ =	shalt  }
0x79: {  	_ =	shalt  }
0x7a: {  	_ =	shalt  }
0x7b: {  	_ =	shalt  }
0x7c: {  	_ =	shalt  }
0x7d: {  	_ =	shalt  }
0x7e: {  	_ =	shalt  }
0x7f: {  	_ =	shalt  }
0x80: {  	_ =	shalt  }
0x81: {  	_ =	shalt  }
0x82: {  	_ =	shalt  }
0x83: {  	_ =	shalt  }
0x84: {  	_ =	shalt  }
0x85: {  	_ =	shalt  }
0x86: {  	_ =	shalt  }
0x87: {  	_ =	shalt  }
.Lfunc_end0:
.L_simem_size_0:
called_computation.1_lowered:
.L_overlay_start_0:
0x88: {  	s2 =	sld [smem:$0x3FD9]  }
0x89: {  	s3 =	sld [smem:$0x3FFE];
	_ =	sdelay $0x1  }
0x8a: {  	s1 =	srdreg.scid  }
0x8b: {  	s0 =	sand.u32 $0x1, s1  }
0x8c: {  	s17 =	sshll.u32 s0, $0xA;
	s2 =	sadd.s32 s3, s2  }
0x8d: {  	s2 =	sadd.s32 s2, s17  }
0x8e: {  	[smem:$0x3FC6] =	sst s2  }
0x8f: {  	_ = 	snop  }
0x90: {  	s2 =	sld [smem:$0x3FD0];
	(tm) =	ssettm $0x1  }
0x91: {  	s18 =	sld [smem:$0x3FFB];
	_ =	sdelay $0x3  }
0x92: {  	_ =	strace s18  }
0x93: {  	s3 =	sld [smem:$0x3FFC];
	_ =	sdelay $0x3  }
0x94: {  	_ =	strace s3  }
0x95: {  	s3 =	sld [smem:$0x3FFD];
	_ =	sdelay $0x3  }
0x96: {  	_ =	strace s3  }
0x97: {  	_ =	strace $0x8FFFFFFF  }
0x98: {  	s19 =	sld [smem:$0x3FDB];
	_ =	sdelay $0x1  }
0x99: {  	s4 =	simm.s32 $_scs_section_size  }
0x9a: {  	s5 =	simm.s32 $_size__tile_overlayer_lowered;
	s6 =	simm.s32 $_tile_overlayer_lowered  }
0x9b: {  	s22 =	simm.s32 $0x1BFF;
	s21 =	sshll.u32 s6, $0x1;
	s3 =	sadd.s32 s4, s19  }
0x9c: {  	s7 =	simm.s32 $0x0;
	s20 =	sshll.u32 s5, $0x1;
	s5 =	sadd.s32 s21, s3  }
0x9d: {  	[timem:s7], [sflag:s22] =	dma.local [hbm:s5], s20  }
0x9e: {  	_ =	swait.ge [sflag:s22], s20  }
0x9f: {  	s4 =	ssub.s32 $0x0, s20;
	[sflag:s22] =	ssyncset.done $0x0  }
0xa0: {  	[sflag:s22] =	ssyncadd.s32 s4;
	_ =	sdelay $0x1  }
0xa1: {  	s23 =	simm.s32 $0x1B8B  }
0xa2: {  	_ =	swait.ge [sflag:s23], $0x1  }
0xa3: {  	[sflag:s23] =	ssyncset.done $0x0  }
0xa4: {  	s25 =	simm.s32 $0x1B8E;
	s24 =	sld [smem:$0x3FFE];
	[sflag:s23] =	ssyncadd.s32 $0xFFFFFFFF  }
0xa5: {  	s26 =	simm.s32 $execute0_lowered;
	[smem:$0x3FD2] =	sst s25  }
0xa6: {  	s5 =	sshll.u32 s26, $0x1;
	_ =	strace $0x80000046;
	[dreg:$0x1] =	wrdreg $0xFFFFFFFF  }
0xa7: {  	s28 =	simm.s32 $_size_execute0_lowered;
	s3 =	sadd.s32 s3, s5;
	[dreg:$0x0] =	wrdreg $0x0  }
0xa8: {  	s5 =	sshll.u32 s28, $0x1;
	[dreg:$0x2] =	wrdreg s3  }
0xa9: {  	[dreg:$0x3] =	wrdreg s5  }
0xaa: {  	[dreg:$0x4] =	wrdreg $0xC0  }
0xab: {  	_ =	task [dreg:s7], $0x5FFFF  }
0xac: {  	[dreg:$0x1] =	wrdreg $0xFFFFFFFF  }
0xad: {  	[dreg:$0x0] =	wrdreg $0x60  }
0xae: {  	[dreg:$0x2] =	wrdreg s2  }
0xaf: {  	[dreg:$0x3] =	wrdreg s24  }
0xb0: {  	[dreg:$0x4] =	wrdreg $0x9  }
0xb1: {  	_ =	task.clear_ibuf [dreg:s7], $0x5FFFF;
	_ =	strace $0x90000046  }
0xb2: {  	s29 =	simm.s32 $0x9;
	_ =	strace $0x80000048  }
0xb3: {  	_ =	swait.ge [sflag:s29], $0x1  }
0xb4: {  	[sflag:s29] =	ssyncadd.s32 $0xFFFFFFFF  }
0xb5: {  	_ =	strace $0x90000048  }
0xb6: {  	_ =	sfence  }
0xb7: {  	s30 =	sld [smem:$0x0];
	_ =	sdelay $0x2  }
0xb8: {  	s31 =	sshll.u32 s1, $0xD;
	s1 =	sshrl.u32 s1, $0x2  }
0xb9: {  	s3 =	sand.u32 $0x4000, s31;
	s1 =	sadd.s32 s1, s30  }
0xba: {  	s0 =	sor.u32 s3, s0;
	s1 =	sshll.u32 s1, $0x11  }
0xbb: {  	s0 =	sor.u32 s1, s0  }
0xbc: {  	s0 =	sadd.s32 $0x8F2B, s0  }
0xbd: {  	[sflag:s0] =	ssyncadd.remote.s32 $0x1  }
0xbe: {  	_ =	sfence.sel $0xFFFF  }
0xbf: {  	[dreg:$0x0] =	wrdreg $0xFFFFFFFF;
	(pc) =	sbr.abs _section_cstart, $3  }
0xc0: {  	[dreg:$0x1] =	wrdreg $0xFFFFFFFF  }
0xc1: {  	_ =	task.clear_ibuf [dreg:s7], $0x2FFFF;
	_ =	strace $0x9FFFFFFF  }
0xc2: {  	(tm) =	ssettm $0x7FFFFFFF  }
0xc3: {  	_ =	shalt  }
tec
execute0_lowered:
.L_overlay_start_1:
0x0: {  	(tag) =	ssettag $0x1  }
0x1: {  	s0 =	rddreg [dreg:$0x0]  }
0x2: {  	s1 =	rddreg [dreg:$0x1]  }
0x3: {  	s2 =	srdreg.scid;
	s3 =	stileid.u32  }
0x4: {  	s10 =	simm.s32 $0x9;
	s11 =	simm.s32 $0x64;
	s12 =	simm.s32 $0x6800  }
0x5: {  	s15 =	simm.s32 $0x9A00;
	s16 =	simm.s32 $0xB300;
	s17 =	simm.s32 $0x1  }
0x6: {  	s18 =	simm.s32 $0x40;
	s19 =	simm.s32 $0x80;
	s20 =	simm.s32 $0xCC00  }
0x7: {  	s21 =	simm.s32 $0xE500;
	s22 =	simm.s32 $0x2;
	s23 =	simm.s32 $0xFE00  }
0x8: {  	s28 =	simm.s32 $0x5;
	s29 =	simm.s32 $0x6;
	s30 =	simm.s32 $0x7  }
0x9: {  	s31 =	simm.s32 $0x8;
	s4 =	sand.u32 $0x1, s2;
	s2 =	simm.s32 $0x0  }
0xa: {  	s3 =	sshll.u32 s3, $0x8;
	s24 =	sadd.s32 $0x1A00, s1;
	s6 =	sadd.s32 $0x2200, s1  }
0xb: {  	s5 =	sshll.u32 s4, $0x7;
	[smem:$0x7FF] =	sst s2;
	s4 =	ssub.s32 $0x2, s4  }
0xc: {  	s3 =	sor.u32 s5, s3;
	_ =	strace $0x80000047;
	s8 =	sshrl.u32 s4, $0x1  }
0xd: {  	[dreg:$0x3] =	wrdreg s24;
	s7 =	smul.u32 $0x1A, s3;
	s25 =	ssub.s32 s4, s8  }
0xe: {  	s5 =	sadd.s32 $0xF43E00, s1;
	s24 =	simm.s32 $0x11700;
	s26 =	smax.u32 s25, $0x1  }
0xf: {  	s25 =	simm.s32 $0x3;
	s0 =	sadd.s32 s0, s7;
	[dreg:$0x5] =	wrdreg s26  }
0x10: {  	s26 =	simm.s32 $0x4;
	[dreg:$0x4] =	wrdreg s0;
	s0 =	simm.s32 $0x0  }
.LBB2_1:
0x11: {  	s1 =	rddreg [dreg:$0x3];
	s4 =	simm.s32 $0x13000  }
0x12: {  	[tilespmem:s4], [sflag:$0x9] =	stream.linear.gather [hbm4b:s1+s2], $0x3200, $0x38;
	[tilespmem:$0x16200] =	vst v63  }
0x13: {  	_ =	swait.ge [sflag:s10], $0x3200  }
0x14: {  	[sflag:s10] =	ssyncset.done $0x0  }
0x15: {  	s9 =	rddreg [dreg:$0x4];
	[sflag:s10] =	ssyncadd.s32 $0xFFFFCE00  }
0x16: {  	[tilespmem:s2], [sflag:$0x9] =	stream.linear.gather [hbm4b:s9+s2], $0x6800, $0x38;
	[tilespmem:$0x16200] =	vst v63  }
0x17: {  	_ =	swait.ge [sflag:s10], $0x6800  }
0x18: {  	[sflag:s10] =	ssyncset.done $0x0  }
0x19: {  	[sflag:s10] =	ssyncadd.s32 $0xFFFF9800  }
0x1a: {  	[tilespmem:s12], [sflag:$0x1] =	stream.indirect.gather [hbm4b:s5+s11], $0x40, s2, s11, $0xb8;
	[tilespmem:$0x16200] =	vst v63  }
0x1b: {  	s13 =	simm.s32 $0x68;
	s14 =	simm.s32 $0x8100;
	s1 =	simm.s32 $0x0  }
0x1c: {  	[tilespmem:s14], [sflag:$0x1] =	stream.indirect.gather [hbm4b:s5+s11], $0x40, s13, s11, $0xb8;
	[tilespmem:$0x16200] =	vst v63  }
.LBB2_2:
0x1d: {  	s9 =	sshll.u32 s1, $0x2;
	p0 =	seq.s32 s1, $0x0  }
0x1e: {  	s13 =	sor.u32 $0x1, s9;
	s4 =	simm.s32 @!p0 $0x6  }
0x1f: {  	_ =	swait.ge @!p0 [sflag:s4], $0x3200;
	s7 =	smul.u32 $0x340, s13  }
0x20: {  	[sflag:s4] =	ssyncset.done @!p0 $0x0  }
0x21: {  	[sflag:s4] =	ssyncadd.s32 @!p0 $0xFFFFCE00;
	s14 =	sshra.s32 s7, $0x2  }
0x22: {  	[tilespmem:s15], [sflag:$0x2] =	stream.indirect.gather [hbm4b:s5+s11], $0x40, s14, s11, $0xb8;
	[tilespmem:$0x16200] =	vst v63  }
0x23: {  	s4 =	sadd.s32 $0x68, s14  }
0x24: {  	[tilespmem:s16], [sflag:$0x2] =	stream.indirect.gather [hbm4b:s5+s11], $0x40, s4, s11, $0xb8;
	[tilespmem:$0x16200] =	vst v63  }
0x25: {  	_ =	swait.ge [sflag:s17], $0x1900  }
0x26: {  	[sflag:s17] =	ssyncset.done $0x0  }
0x27: {  	[sflag:s17] =	ssyncadd.s32 $0xFFFFE700  }
0x28: {  	_ =	swait.ge [sflag:s17], $0x1900  }
0x29: {  	[sflag:s17] =	ssyncset.done $0x0  }
0x2a: {  	s14 =	simm.s32 $0x0;
	[sflag:s17] =	ssyncadd.s32 $0xFFFFE700  }
0x2b: {  	v6 =	vld [tilespmem:s14+$0x13000]  }
0x2c: {  	v7 =	vld [tilespmem:s14+$0x13010]  }
0x2d: {  	v8 =	vld [tilespmem:s14+$0x13020]  }
0x2e: {  	v9 =	vld [tilespmem:s14+$0x13030]  }
0x2f: {  	v10 =	vld [tilespmem:s14+$0x13040]  }
0x30: {  	v11 =	vld [tilespmem:s14+$0x13050]  }
0x31: {  	v12 =	vld [tilespmem:s14+$0x13060]  }
0x32: {  	v13 =	vld [tilespmem:s14+$0x13070]  }
0x33: {  	v14 =	vld [tilespmem:s14+$0x13080]  }
0x34: {  	v15 =	vld [tilespmem:s14+$0x13090]  }
0x35: {  	v5 =	vld [tilespmem:s14+$0x130A0]  }
0x36: {  	v4 =	vld [tilespmem:s14+$0x130B0]  }
0x37: {  	v3 =	vld [tilespmem:s14+$0x130C0]  }
0x38: {  	v2 =	vld [tilespmem:s14+$0x130D0]  }
0x39: {  	v1 =	vld [tilespmem:s14+$0x130E0]  }
0x3a: {  	v0 =	vld [tilespmem:s14+$0x130F0]  }
0x3b: {  	v16 =	vld [tilespmem:s14+$0x6800]  }
0x3c: {  	v17 =	vld [tilespmem:s14+$0x6810]  }
0x3d: {  	v18 =	vld [tilespmem:s14+$0x6820]  }
0x3e: {  	v19 =	vld [tilespmem:s14+$0x6830]  }
0x3f: {  	v20 =	vld [tilespmem:s14+$0x6840]  }
0x40: {  	v60 =	vld [tilespmem:s14+$0x6850];
	v6 =	vadd.f32 v6, v16  }
0x41: {  	v21 =	vld [tilespmem:s14+$0x6860];
	v7 =	vadd.f32 v7, v17  }
0x42: {  	v61 =	vld [tilespmem:s14+$0x6870];
	[tilespmem:s14+$0x6800] =	vst v6;
	v6 =	vadd.f32 v8, v18  }
0x43: {  	v62 =	vld [tilespmem:s14+$0x6880];
	[tilespmem:s14+$0x6810] =	vst v7;
	v7 =	vadd.f32 v9, v19  }
0x44: {  	v63 =	vld [tilespmem:s14+$0x6890];
	[tilespmem:s14+$0x6820] =	vst v6;
	v6 =	vadd.f32 v10, v20  }
0x45: {  	v8 =	vadd.f32 v11, v60;
	[tilespmem:s14+$0x6830] =	vst v7;
	v7 =	vld [tilespmem:s14+$0x68A0]  }
0x46: {  	v9 =	vadd.f32 v12, v21;
	[tilespmem:s14+$0x6840] =	vst v6;
	v6 =	vld [tilespmem:s14+$0x68B0]  }
0x47: {  	[tilespmem:s14+$0x6850] =	vst v8;
	v8 =	vld [tilespmem:s14+$0x68C0];
	v10 =	vadd.f32 v13, v61  }
0x48: {  	v12 =	vadd.f32 v14, v62;
	[tilespmem:s14+$0x6860] =	vst v9;
	v9 =	vld [tilespmem:s14+$0x68D0]  }
0x49: {  	s4 =	simm.s32 $0x400;
	v11 =	vadd.f32 v15, v63;
	[tilespmem:s14+$0x6870] =	vst v10;
	v10 =	vld [tilespmem:s14+$0x68E0]  }
.LBB2_3:
0x4a: {  	s7 =	sshra.s32 s4, $0x2;
	p1 =	sne.s32 s4, $0xC400;
	[tilespmem:s14+$0x6880] =	vst v12;
	v5 =	vadd.f32 v5, v7;
	v7 =	vld [tilespmem:s14+$0x68F0]  }
0x4b: {  	v12 =	vld [tilespmem:s7+$0x13000];
	[tilespmem:s14+$0x6890] =	vst v11;
	v4 =	vadd.f32 v4, v6  }
0x4c: {  	v6 =	vld [tilespmem:s7+$0x13010];
	[tilespmem:s14+$0x68A0] =	vst v5;
	v3 =	vadd.f32 v3, v8  }
0x4d: {  	v8 =	vld [tilespmem:s7+$0x13020];
	[tilespmem:s14+$0x68B0] =	vst v4;
	v2 =	vadd.f32 v2, v9  }
0x4e: {  	v9 =	vld [tilespmem:s7+$0x13030];
	[tilespmem:s14+$0x68C0] =	vst v3;
	v1 =	vadd.f32 v1, v10  }
0x4f: {  	v10 =	vld [tilespmem:s7+$0x13040];
	[tilespmem:s14+$0x68D0] =	vst v2;
	v0 =	vadd.f32 v0, v7  }
0x50: {  	v7 =	vld [tilespmem:s7+$0x13050];
	[tilespmem:s14+$0x68E0] =	vst v1  }
0x51: {  	v11 =	vld [tilespmem:s7+$0x13060];
	[tilespmem:s14+$0x68F0] =	vst v0;
	s14 =	smov.u32 s7  }
0x52: {  	v13 =	vld [tilespmem:s14+$0x13070]  }
0x53: {  	v14 =	vld [tilespmem:s14+$0x13080]  }
0x54: {  	v15 =	vld [tilespmem:s14+$0x13090]  }
0x55: {  	v5 =	vld [tilespmem:s14+$0x130A0]  }
0x56: {  	v4 =	vld [tilespmem:s14+$0x130B0]  }
0x57: {  	v3 =	vld [tilespmem:s14+$0x130C0]  }
0x58: {  	v2 =	vld [tilespmem:s14+$0x130D0]  }
0x59: {  	v1 =	vld [tilespmem:s14+$0x130E0]  }
0x5a: {  	v0 =	vld [tilespmem:s14+$0x130F0]  }
0x5b: {  	v16 =	vld [tilespmem:s14+$0x6800]  }
0x5c: {  	v17 =	vld [tilespmem:s14+$0x6810]  }
0x5d: {  	v18 =	vld [tilespmem:s14+$0x6820]  }
0x5e: {  	v19 =	vld [tilespmem:s14+$0x6830]  }
0x5f: {  	v20 =	vld [tilespmem:s14+$0x6840]  }
0x60: {  	v12 =	vadd.f32 v12, v16;
	v16 =	vld [tilespmem:s14+$0x6850]  }
0x61: {  	v6 =	vadd.f32 v6, v17;
	v17 =	vld [tilespmem:s14+$0x6860]  }
0x62: {  	[tilespmem:s14+$0x6800] =	vst v12;
	v8 =	vadd.f32 v8, v18;
	v12 =	vld [tilespmem:s14+$0x6870]  }
0x63: {  	[tilespmem:s14+$0x6810] =	vst v6;
	v6 =	vadd.f32 v9, v19;
	v9 =	vld [tilespmem:s14+$0x6880]  }
0x64: {  	[tilespmem:s14+$0x6820] =	vst v8;
	v8 =	vadd.f32 v10, v20;
	v10 =	vld [tilespmem:s14+$0x6890]  }
.Ltmp0:
0x65: {  	[tilespmem:s14+$0x6830] =	vst v6;
	v16 =	vadd.f32 v7, v16;
	v7 =	vld [tilespmem:s14+$0x68A0];
	(pc) =	sbr.rel @p1 .LBB2_3-.Ltmp0, $4  }
0x66: {  	[tilespmem:s14+$0x6840] =	vst v8;
	v11 =	vadd.f32 v11, v17;
	v6 =	vld [tilespmem:s14+$0x68B0]  }
0x67: {  	[tilespmem:s14+$0x6850] =	vst v16;
	v13 =	vadd.f32 v13, v12;
	v8 =	vld [tilespmem:s14+$0x68C0]  }
0x68: {  	[tilespmem:s14+$0x6860] =	vst v11;
	v12 =	vadd.f32 v14, v9;
	v9 =	vld [tilespmem:s14+$0x68D0]  }
0x69: {  	s4 =	sadd.s32 $0x400, s4;
	[tilespmem:s14+$0x6870] =	vst v13;
	v11 =	vadd.f32 v15, v10;
	v10 =	vld [tilespmem:s14+$0x68E0]  }
0x6a: {  	[tilespmem:s14+$0x6880] =	vst v12;
	v5 =	vadd.f32 v5, v7;
	v7 =	vld [tilespmem:s14+$0x68F0]  }
0x6b: {  	[tilespmem:s14+$0x6890] =	vst v11;
	v4 =	vadd.f32 v4, v6  }
0x6c: {  	[tilespmem:s14+$0x68A0] =	vst v5;
	v3 =	vadd.f32 v3, v8  }
0x6d: {  	[tilespmem:s14+$0x68B0] =	vst v4;
	v2 =	vadd.f32 v2, v9  }
0x6e: {  	s4 =	sadd.s32 s3, s9;
	[tilespmem:s14+$0x68C0] =	vst v3;
	v1 =	vadd.f32 v1, v10  }
0x6f: {  	s4 =	smul.u32 $0xC80, s4;
	[tilespmem:s14+$0x68D0] =	vst v2;
	v0 =	vadd.f32 v0, v7  }
0x70: {  	s7 =	sadd.s32 $0xFFFFFFFC, s9;
	[tilespmem:s14+$0x68E0] =	vst v1  }
0x71: {  	p1 =	sgt.u32 s7, $0x7B;
	s4 =	sadd.s32 s6, s4;
	[tilespmem:s14+$0x68F0] =	vst v0  }
0x72: {  	[hbm4b:s4+s18] =	stream.strided.scatter [tilespmem:s12], [sflag:$0x5], $0x3200, s19, s18, $0x38;
	[tilespmem:$0x16200] =	vst v63  }
0x73: {  	s14 =	sor.u32 $0x2, s9;
	s4 =	simm.s32 @!p1 $0x7  }
0x74: {  	s7 =	smul.u32 $0x340, s14;
	_ =	swait.ge @!p1 [sflag:s4], $0x3200  }
0x75: {  	[sflag:s4] =	ssyncset.done @!p1 $0x0  }
0x76: {  	s8 =	sshra.s32 s7, $0x2;
	[sflag:s4] =	ssyncadd.s32 @!p1 $0xFFFFCE00  }
0x77: {  	[tilespmem:s20], [sflag:$0x3] =	stream.indirect.gather [hbm4b:s5+s11], $0x40, s8, s11, $0xb8;
	[tilespmem:$0x16200] =	vst v63  }
0x78: {  	s4 =	sadd.s32 $0x68, s8  }
0x79: {  	[tilespmem:s21], [sflag:$0x3] =	stream.indirect.gather [hbm4b:s5+s11], $0x40, s4, s11, $0xb8;
	[tilespmem:$0x16200] =	vst v63  }
0x7a: {  	_ =	swait.ge [sflag:s22], $0x1900  }
0x7b: {  	[sflag:s22] =	ssyncset.done $0x0  }
0x7c: {  	[sflag:s22] =	ssyncadd.s32 $0xFFFFE700  }
0x7d: {  	_ =	swait.ge [sflag:s22], $0x1900  }
0x7e: {  	[sflag:s22] =	ssyncset.done $0x0  }
0x7f: {  	s4 =	simm.s32 $0x0;
	[sflag:s22] =	ssyncadd.s32 $0xFFFFE700  }
0x80: {  	v6 =	vld [tilespmem:s4+$0x13000]  }
0x81: {  	v7 =	vld [tilespmem:s4+$0x13010]  }
0x82: {  	v8 =	vld [tilespmem:s4+$0x13020]  }
0x83: {  	v9 =	vld [tilespmem:s4+$0x13030]  }
0x84: {  	v10 =	vld [tilespmem:s4+$0x13040]  }
0x85: {  	v11 =	vld [tilespmem:s4+$0x13050]  }
0x86: {  	v12 =	vld [tilespmem:s4+$0x13060]  }
0x87: {  	v13 =	vld [tilespmem:s4+$0x13070]  }
0x88: {  	v14 =	vld [tilespmem:s4+$0x13080]  }
0x89: {  	v15 =	vld [tilespmem:s4+$0x13090]  }
0x8a: {  	v5 =	vld [tilespmem:s4+$0x130A0]  }
0x8b: {  	v4 =	vld [tilespmem:s4+$0x130B0]  }
0x8c: {  	v3 =	vld [tilespmem:s4+$0x130C0]  }
0x8d: {  	v2 =	vld [tilespmem:s4+$0x130D0]  }
0x8e: {  	v1 =	vld [tilespmem:s4+$0x130E0]  }
0x8f: {  	v0 =	vld [tilespmem:s4+$0x130F0]  }
0x90: {  	v16 =	vld [tilespmem:s4+$0x9A00]  }
0x91: {  	v17 =	vld [tilespmem:s4+$0x9A10]  }
0x92: {  	v18 =	vld [tilespmem:s4+$0x9A20]  }
0x93: {  	v19 =	vld [tilespmem:s4+$0x9A30]  }
0x94: {  	v20 =	vld [tilespmem:s4+$0x9A40]  }
0x95: {  	v60 =	vld [tilespmem:s4+$0x9A50];
	v6 =	vadd.f32 v6, v16  }
0x96: {  	v21 =	vld [tilespmem:s4+$0x9A60];
	v7 =	vadd.f32 v7, v17  }
0x97: {  	v61 =	vld [tilespmem:s4+$0x9A70];
	[tilespmem:s4+$0x9A00] =	vst v6;
	v6 =	vadd.f32 v8, v18  }
0x98: {  	v62 =	vld [tilespmem:s4+$0x9A80];
	[tilespmem:s4+$0x9A10] =	vst v7;
	v7 =	vadd.f32 v9, v19  }
0x99: {  	v63 =	vld [tilespmem:s4+$0x9A90];
	[tilespmem:s4+$0x9A20] =	vst v6;
	v6 =	vadd.f32 v10, v20  }
0x9a: {  	v8 =	vadd.f32 v11, v60;
	[tilespmem:s4+$0x9A30] =	vst v7;
	v7 =	vld [tilespmem:s4+$0x9AA0]  }
0x9b: {  	v9 =	vadd.f32 v12, v21;
	[tilespmem:s4+$0x9A40] =	vst v6;
	v6 =	vld [tilespmem:s4+$0x9AB0]  }
0x9c: {  	[tilespmem:s4+$0x9A50] =	vst v8;
	v8 =	vld [tilespmem:s4+$0x9AC0];
	v10 =	vadd.f32 v13, v61  }
0x9d: {  	v12 =	vadd.f32 v14, v62;
	[tilespmem:s4+$0x9A60] =	vst v9;
	v9 =	vld [tilespmem:s4+$0x9AD0]  }
0x9e: {  	s7 =	simm.s32 $0x400;
	v11 =	vadd.f32 v15, v63;
	[tilespmem:s4+$0x9A70] =	vst v10;
	v10 =	vld [tilespmem:s4+$0x9AE0]  }
.LBB2_5:
0x9f: {  	s8 =	sshra.s32 s7, $0x2;
	p1 =	sne.s32 s7, $0xC400;
	[tilespmem:s4+$0x9A80] =	vst v12;
	v5 =	vadd.f32 v5, v7;
	v7 =	vld [tilespmem:s4+$0x9AF0]  }
0xa0: {  	v12 =	vld [tilespmem:s8+$0x13000];
	[tilespmem:s4+$0x9A90] =	vst v11;
	v4 =	vadd.f32 v4, v6  }
0xa1: {  	v6 =	vld [tilespmem:s8+$0x13010];
	[tilespmem:s4+$0x9AA0] =	vst v5;
	v3 =	vadd.f32 v3, v8  }
0xa2: {  	v8 =	vld [tilespmem:s8+$0x13020];
	[tilespmem:s4+$0x9AB0] =	vst v4;
	v2 =	vadd.f32 v2, v9  }
0xa3: {  	v9 =	vld [tilespmem:s8+$0x13030];
	[tilespmem:s4+$0x9AC0] =	vst v3;
	v1 =	vadd.f32 v1, v10  }
0xa4: {  	v10 =	vld [tilespmem:s8+$0x13040];
	[tilespmem:s4+$0x9AD0] =	vst v2;
	v0 =	vadd.f32 v0, v7  }
0xa5: {  	v7 =	vld [tilespmem:s8+$0x13050];
	[tilespmem:s4+$0x9AE0] =	vst v1  }
0xa6: {  	v11 =	vld [tilespmem:s8+$0x13060];
	[tilespmem:s4+$0x9AF0] =	vst v0;
	s4 =	smov.u32 s8  }
0xa7: {  	v13 =	vld [tilespmem:s4+$0x13070]  }
0xa8: {  	v14 =	vld [tilespmem:s4+$0x13080]  }
0xa9: {  	v15 =	vld [tilespmem:s4+$0x13090]  }
0xaa: {  	v5 =	vld [tilespmem:s4+$0x130A0]  }
0xab: {  	v4 =	vld [tilespmem:s4+$0x130B0]  }
0xac: {  	v3 =	vld [tilespmem:s4+$0x130C0]  }
0xad: {  	v2 =	vld [tilespmem:s4+$0x130D0]  }
0xae: {  	v1 =	vld [tilespmem:s4+$0x130E0]  }
0xaf: {  	v0 =	vld [tilespmem:s4+$0x130F0]  }
0xb0: {  	v16 =	vld [tilespmem:s4+$0x9A00]  }
0xb1: {  	v17 =	vld [tilespmem:s4+$0x9A10]  }
0xb2: {  	v18 =	vld [tilespmem:s4+$0x9A20]  }
0xb3: {  	v19 =	vld [tilespmem:s4+$0x9A30]  }
0xb4: {  	v20 =	vld [tilespmem:s4+$0x9A40]  }
0xb5: {  	v12 =	vadd.f32 v12, v16;
	v16 =	vld [tilespmem:s4+$0x9A50]  }
0xb6: {  	v6 =	vadd.f32 v6, v17;
	v17 =	vld [tilespmem:s4+$0x9A60]  }
0xb7: {  	[tilespmem:s4+$0x9A00] =	vst v12;
	v8 =	vadd.f32 v8, v18;
	v12 =	vld [tilespmem:s4+$0x9A70]  }
0xb8: {  	[tilespmem:s4+$0x9A10] =	vst v6;
	v6 =	vadd.f32 v9, v19;
	v9 =	vld [tilespmem:s4+$0x9A80]  }
0xb9: {  	[tilespmem:s4+$0x9A20] =	vst v8;
	v8 =	vadd.f32 v10, v20;
	v10 =	vld [tilespmem:s4+$0x9A90]  }
.Ltmp1:
0xba: {  	[tilespmem:s4+$0x9A30] =	vst v6;
	v16 =	vadd.f32 v7, v16;
	v7 =	vld [tilespmem:s4+$0x9AA0];
	(pc) =	sbr.rel @p1 .LBB2_5-.Ltmp1, $4  }
0xbb: {  	[tilespmem:s4+$0x9A40] =	vst v8;
	v11 =	vadd.f32 v11, v17;
	v6 =	vld [tilespmem:s4+$0x9AB0]  }
0xbc: {  	[tilespmem:s4+$0x9A50] =	vst v16;
	v13 =	vadd.f32 v13, v12;
	v8 =	vld [tilespmem:s4+$0x9AC0]  }
0xbd: {  	[tilespmem:s4+$0x9A60] =	vst v11;
	v12 =	vadd.f32 v14, v9;
	v9 =	vld [tilespmem:s4+$0x9AD0]  }
0xbe: {  	s7 =	sadd.s32 $0x400, s7;
	[tilespmem:s4+$0x9A70] =	vst v13;
	v11 =	vadd.f32 v15, v10;
	v10 =	vld [tilespmem:s4+$0x9AE0]  }
0xbf: {  	[tilespmem:s4+$0x9A80] =	vst v12;
	v5 =	vadd.f32 v5, v7;
	v7 =	vld [tilespmem:s4+$0x9AF0]  }
0xc0: {  	[tilespmem:s4+$0x9A90] =	vst v11;
	v4 =	vadd.f32 v4, v6  }
0xc1: {  	[tilespmem:s4+$0x9AA0] =	vst v5;
	v3 =	vadd.f32 v3, v8  }
0xc2: {  	[tilespmem:s4+$0x9AB0] =	vst v4;
	v2 =	vadd.f32 v2, v9  }
0xc3: {  	s7 =	sadd.s32 s3, s13;
	[tilespmem:s4+$0x9AC0] =	vst v3;
	v1 =	vadd.f32 v1, v10  }
0xc4: {  	s7 =	smul.u32 $0xC80, s7;
	[tilespmem:s4+$0x9AD0] =	vst v2;
	v0 =	vadd.f32 v0, v7  }
0xc5: {  	[tilespmem:s4+$0x9AE0] =	vst v1  }
0xc6: {  	s9 =	sor.u32 $0x3, s9;
	s7 =	sadd.s32 s6, s7;
	[tilespmem:s4+$0x9AF0] =	vst v0;
	s4 =	simm.s32 @!p0 $0x8  }
0xc7: {  	[hbm4b:s7+s18] =	stream.strided.scatter [tilespmem:s15], [sflag:$0x6], $0x3200, s19, s18, $0x38;
	[tilespmem:$0x16200] =	vst v63  }
0xc8: {  	s8 =	smul.u32 $0x340, s9;
	_ =	swait.ge @!p0 [sflag:s4], $0x3200  }
0xc9: {  	[sflag:s4] =	ssyncset.done @!p0 $0x0  }
0xca: {  	s13 =	sshra.s32 s8, $0x2;
	[sflag:s4] =	ssyncadd.s32 @!p0 $0xFFFFCE00  }
0xcb: {  	[tilespmem:s23], [sflag:$0x4] =	stream.indirect.gather [hbm4b:s5+s11], $0x40, s13, s11, $0xb8;
	[tilespmem:$0x16200] =	vst v63  }
0xcc: {  	s4 =	sadd.s32 $0x68, s13  }
0xcd: {  	[tilespmem:s24], [sflag:$0x4] =	stream.indirect.gather [hbm4b:s5+s11], $0x40, s4, s11, $0xb8;
	[tilespmem:$0x16200] =	vst v63  }
0xce: {  	_ =	swait.ge [sflag:s25], $0x1900  }
0xcf: {  	[sflag:s25] =	ssyncset.done $0x0  }
0xd0: {  	[sflag:s25] =	ssyncadd.s32 $0xFFFFE700  }
0xd1: {  	_ =	swait.ge [sflag:s25], $0x1900  }
0xd2: {  	[sflag:s25] =	ssyncset.done $0x0  }
0xd3: {  	s4 =	simm.s32 $0x0;
	[sflag:s25] =	ssyncadd.s32 $0xFFFFE700  }
0xd4: {  	v6 =	vld [tilespmem:s4+$0x13000]  }
0xd5: {  	v7 =	vld [tilespmem:s4+$0x13010]  }
0xd6: {  	v8 =	vld [tilespmem:s4+$0x13020]  }
0xd7: {  	v9 =	vld [tilespmem:s4+$0x13030]  }
0xd8: {  	v10 =	vld [tilespmem:s4+$0x13040]  }
0xd9: {  	v11 =	vld [tilespmem:s4+$0x13050]  }
0xda: {  	v12 =	vld [tilespmem:s4+$0x13060]  }
0xdb: {  	v13 =	vld [tilespmem:s4+$0x13070]  }
0xdc: {  	v14 =	vld [tilespmem:s4+$0x13080]  }
0xdd: {  	v15 =	vld [tilespmem:s4+$0x13090]  }
0xde: {  	v5 =	vld [tilespmem:s4+$0x130A0]  }
0xdf: {  	v4 =	vld [tilespmem:s4+$0x130B0]  }
0xe0: {  	v3 =	vld [tilespmem:s4+$0x130C0]  }
0xe1: {  	v2 =	vld [tilespmem:s4+$0x130D0]  }
0xe2: {  	v1 =	vld [tilespmem:s4+$0x130E0]  }
0xe3: {  	v0 =	vld [tilespmem:s4+$0x130F0]  }
0xe4: {  	v16 =	vld [tilespmem:s4+$0xCC00]  }
0xe5: {  	v17 =	vld [tilespmem:s4+$0xCC10]  }
0xe6: {  	v18 =	vld [tilespmem:s4+$0xCC20]  }
0xe7: {  	v19 =	vld [tilespmem:s4+$0xCC30]  }
0xe8: {  	v20 =	vld [tilespmem:s4+$0xCC40]  }
0xe9: {  	v60 =	vld [tilespmem:s4+$0xCC50];
	v6 =	vadd.f32 v6, v16  }
0xea: {  	v21 =	vld [tilespmem:s4+$0xCC60];
	v7 =	vadd.f32 v7, v17  }
0xeb: {  	v61 =	vld [tilespmem:s4+$0xCC70];
	[tilespmem:s4+$0xCC00] =	vst v6;
	v6 =	vadd.f32 v8, v18  }
0xec: {  	v62 =	vld [tilespmem:s4+$0xCC80];
	[tilespmem:s4+$0xCC10] =	vst v7;
	v7 =	vadd.f32 v9, v19  }
0xed: {  	v63 =	vld [tilespmem:s4+$0xCC90];
	[tilespmem:s4+$0xCC20] =	vst v6;
	v6 =	vadd.f32 v10, v20  }
0xee: {  	v8 =	vadd.f32 v11, v60;
	[tilespmem:s4+$0xCC30] =	vst v7;
	v7 =	vld [tilespmem:s4+$0xCCA0]  }
0xef: {  	v9 =	vadd.f32 v12, v21;
	[tilespmem:s4+$0xCC40] =	vst v6;
	v6 =	vld [tilespmem:s4+$0xCCB0]  }
0xf0: {  	[tilespmem:s4+$0xCC50] =	vst v8;
	v8 =	vld [tilespmem:s4+$0xCCC0];
	v10 =	vadd.f32 v13, v61  }
0xf1: {  	v12 =	vadd.f32 v14, v62;
	[tilespmem:s4+$0xCC60] =	vst v9;
	v9 =	vld [tilespmem:s4+$0xCCD0]  }
0xf2: {  	s7 =	simm.s32 $0x400;
	v11 =	vadd.f32 v15, v63;
	[tilespmem:s4+$0xCC70] =	vst v10;
	v10 =	vld [tilespmem:s4+$0xCCE0]  }
.LBB2_7:
0xf3: {  	s8 =	sshra.s32 s7, $0x2;
	p0 =	sne.s32 s7, $0xC400;
	[tilespmem:s4+$0xCC80] =	vst v12;
	v5 =	vadd.f32 v5, v7;
	v7 =	vld [tilespmem:s4+$0xCCF0]  }
0xf4: {  	v12 =	vld [tilespmem:s8+$0x13000];
	[tilespmem:s4+$0xCC90] =	vst v11;
	v4 =	vadd.f32 v4, v6  }
0xf5: {  	v6 =	vld [tilespmem:s8+$0x13010];
	[tilespmem:s4+$0xCCA0] =	vst v5;
	v3 =	vadd.f32 v3, v8  }
0xf6: {  	v8 =	vld [tilespmem:s8+$0x13020];
	[tilespmem:s4+$0xCCB0] =	vst v4;
	v2 =	vadd.f32 v2, v9  }
0xf7: {  	v9 =	vld [tilespmem:s8+$0x13030];
	[tilespmem:s4+$0xCCC0] =	vst v3;
	v1 =	vadd.f32 v1, v10  }
0xf8: {  	v10 =	vld [tilespmem:s8+$0x13040];
	[tilespmem:s4+$0xCCD0] =	vst v2;
	v0 =	vadd.f32 v0, v7  }
0xf9: {  	v7 =	vld [tilespmem:s8+$0x13050];
	[tilespmem:s4+$0xCCE0] =	vst v1  }
0xfa: {  	v11 =	vld [tilespmem:s8+$0x13060];
	[tilespmem:s4+$0xCCF0] =	vst v0;
	s4 =	smov.u32 s8  }
0xfb: {  	v13 =	vld [tilespmem:s4+$0x13070]  }
0xfc: {  	v14 =	vld [tilespmem:s4+$0x13080]  }
0xfd: {  	v15 =	vld [tilespmem:s4+$0x13090]  }
0xfe: {  	v5 =	vld [tilespmem:s4+$0x130A0]  }
0xff: {  	v4 =	vld [tilespmem:s4+$0x130B0]  }
0x100: {  	v3 =	vld [tilespmem:s4+$0x130C0]  }
0x101: {  	v2 =	vld [tilespmem:s4+$0x130D0]  }
0x102: {  	v1 =	vld [tilespmem:s4+$0x130E0]  }
0x103: {  	v0 =	vld [tilespmem:s4+$0x130F0]  }
0x104: {  	v16 =	vld [tilespmem:s4+$0xCC00]  }
0x105: {  	v17 =	vld [tilespmem:s4+$0xCC10]  }
0x106: {  	v18 =	vld [tilespmem:s4+$0xCC20]  }
0x107: {  	v19 =	vld [tilespmem:s4+$0xCC30]  }
0x108: {  	v20 =	vld [tilespmem:s4+$0xCC40]  }
0x109: {  	v12 =	vadd.f32 v12, v16;
	v16 =	vld [tilespmem:s4+$0xCC50]  }
0x10a: {  	v6 =	vadd.f32 v6, v17;
	v17 =	vld [tilespmem:s4+$0xCC60]  }
0x10b: {  	[tilespmem:s4+$0xCC00] =	vst v12;
	v8 =	vadd.f32 v8, v18;
	v12 =	vld [tilespmem:s4+$0xCC70]  }
0x10c: {  	[tilespmem:s4+$0xCC10] =	vst v6;
	v6 =	vadd.f32 v9, v19;
	v9 =	vld [tilespmem:s4+$0xCC80]  }
0x10d: {  	[tilespmem:s4+$0xCC20] =	vst v8;
	v8 =	vadd.f32 v10, v20;
	v10 =	vld [tilespmem:s4+$0xCC90]  }
.Ltmp2:
0x10e: {  	[tilespmem:s4+$0xCC30] =	vst v6;
	v16 =	vadd.f32 v7, v16;
	v7 =	vld [tilespmem:s4+$0xCCA0];
	(pc) =	sbr.rel @p0 .LBB2_7-.Ltmp2, $4  }
0x10f: {  	[tilespmem:s4+$0xCC40] =	vst v8;
	v11 =	vadd.f32 v11, v17;
	v6 =	vld [tilespmem:s4+$0xCCB0]  }
0x110: {  	[tilespmem:s4+$0xCC50] =	vst v16;
	v13 =	vadd.f32 v13, v12;
	v8 =	vld [tilespmem:s4+$0xCCC0]  }
0x111: {  	[tilespmem:s4+$0xCC60] =	vst v11;
	v12 =	vadd.f32 v14, v9;
	v9 =	vld [tilespmem:s4+$0xCCD0]  }
0x112: {  	s7 =	sadd.s32 $0x400, s7;
	[tilespmem:s4+$0xCC70] =	vst v13;
	v11 =	vadd.f32 v15, v10;
	v10 =	vld [tilespmem:s4+$0xCCE0]  }
0x113: {  	[tilespmem:s4+$0xCC80] =	vst v12;
	v5 =	vadd.f32 v5, v7;
	v7 =	vld [tilespmem:s4+$0xCCF0]  }
0x114: {  	[tilespmem:s4+$0xCC90] =	vst v11;
	v4 =	vadd.f32 v4, v6  }
0x115: {  	[tilespmem:s4+$0xCCA0] =	vst v5;
	v3 =	vadd.f32 v3, v8  }
0x116: {  	[tilespmem:s4+$0xCCB0] =	vst v4;
	v2 =	vadd.f32 v2, v9  }
0x117: {  	s7 =	sadd.s32 s3, s14;
	[tilespmem:s4+$0xCCC0] =	vst v3;
	v1 =	vadd.f32 v1, v10  }
0x118: {  	s7 =	smul.u32 $0xC80, s7;
	[tilespmem:s4+$0xCCD0] =	vst v2;
	v0 =	vadd.f32 v0, v7  }
0x119: {  	p0 =	seq.s32 s1, $0x1F;
	[tilespmem:s4+$0xCCE0] =	vst v1  }
0x11a: {  	s14 =	sadd.s32 s6, s7;
	[tilespmem:s4+$0xCCF0] =	vst v0;
	s4 =	simm.s32 @!p0 $0x5  }
0x11b: {  	[hbm4b:s14+s18] =	stream.strided.scatter [tilespmem:s20], [sflag:$0x7], $0x3200, s19, s18, $0x38;
	[tilespmem:$0x16200] =	vst v63  }
0x11c: {  	s7 =	smul.u32 @!p0 $0xD00, s1;
	_ =	swait.ge @!p0 [sflag:s4], $0x3200  }
0x11d: {  	[sflag:s4] =	ssyncset.done @!p0 $0x0  }
0x11e: {  	[sflag:s4] =	ssyncadd.s32 @!p0 $0xFFFFCE00;
	s4 =	sshra.s32 @!p0 s7, $0x2  }
0x11f: {  	s8 =	simm.s32 @!p0 $0x64;
	s13 =	simm.s32 @!p0 $0x6800;
	s7 =	sadd.s32 @!p0 $0x340, s4  }
0x120: {  	[tilespmem:s13], [sflag:$0x1] =	stream.indirect.gather @!p0 [hbm4b:s5+s8], $0x40, s7, s8, $0xb8;
	[tilespmem:$0x16200] =	vst v63  }
0x121: {  	s4 =	sadd.s32 @!p0 $0x3A8, s4;
	s7 =	simm.s32 @!p0 $0x8100  }
0x122: {  	[tilespmem:s7], [sflag:$0x1] =	stream.indirect.gather @!p0 [hbm4b:s5+s8], $0x40, s4, s8, $0xb8;
	[tilespmem:$0x16200] =	vst v63  }
0x123: {  	_ =	swait.ge [sflag:s26], $0x1900  }
0x124: {  	[sflag:s26] =	ssyncset.done $0x0  }
0x125: {  	[sflag:s26] =	ssyncadd.s32 $0xFFFFE700  }
0x126: {  	_ =	swait.ge [sflag:s26], $0x1900  }
0x127: {  	[sflag:s26] =	ssyncset.done $0x0  }
0x128: {  	s4 =	simm.s32 $0x0;
	[sflag:s26] =	ssyncadd.s32 $0xFFFFE700  }
0x129: {  	v6 =	vld [tilespmem:s4+$0x13000]  }
0x12a: {  	v7 =	vld [tilespmem:s4+$0x13010]  }
0x12b: {  	v8 =	vld [tilespmem:s4+$0x13020]  }
0x12c: {  	v9 =	vld [tilespmem:s4+$0x13030]  }
0x12d: {  	v10 =	vld [tilespmem:s4+$0x13040]  }
0x12e: {  	v11 =	vld [tilespmem:s4+$0x13050]  }
0x12f: {  	v12 =	vld [tilespmem:s4+$0x13060]  }
0x130: {  	v13 =	vld [tilespmem:s4+$0x13070]  }
0x131: {  	v14 =	vld [tilespmem:s4+$0x13080]  }
0x132: {  	v15 =	vld [tilespmem:s4+$0x13090]  }
0x133: {  	v5 =	vld [tilespmem:s4+$0x130A0]  }
0x134: {  	v4 =	vld [tilespmem:s4+$0x130B0]  }
0x135: {  	v3 =	vld [tilespmem:s4+$0x130C0]  }
0x136: {  	v2 =	vld [tilespmem:s4+$0x130D0]  }
0x137: {  	v1 =	vld [tilespmem:s4+$0x130E0]  }
0x138: {  	v0 =	vld [tilespmem:s4+$0x130F0]  }
0x139: {  	v16 =	vld [tilespmem:s4+$0xFE00]  }
0x13a: {  	v17 =	vld [tilespmem:s4+$0xFE10]  }
0x13b: {  	v18 =	vld [tilespmem:s4+$0xFE20]  }
0x13c: {  	v19 =	vld [tilespmem:s4+$0xFE30]  }
0x13d: {  	v20 =	vld [tilespmem:s4+$0xFE40]  }
0x13e: {  	v60 =	vld [tilespmem:s4+$0xFE50];
	v6 =	vadd.f32 v6, v16  }
0x13f: {  	v21 =	vld [tilespmem:s4+$0xFE60];
	v7 =	vadd.f32 v7, v17  }
0x140: {  	v61 =	vld [tilespmem:s4+$0xFE70];
	[tilespmem:s4+$0xFE00] =	vst v6;
	v6 =	vadd.f32 v8, v18  }
0x141: {  	v62 =	vld [tilespmem:s4+$0xFE80];
	[tilespmem:s4+$0xFE10] =	vst v7;
	v7 =	vadd.f32 v9, v19  }
0x142: {  	v63 =	vld [tilespmem:s4+$0xFE90];
	[tilespmem:s4+$0xFE20] =	vst v6;
	v6 =	vadd.f32 v10, v20  }
0x143: {  	v8 =	vadd.f32 v11, v60;
	[tilespmem:s4+$0xFE30] =	vst v7;
	v7 =	vld [tilespmem:s4+$0xFEA0]  }
0x144: {  	v9 =	vadd.f32 v12, v21;
	[tilespmem:s4+$0xFE40] =	vst v6;
	v6 =	vld [tilespmem:s4+$0xFEB0]  }
0x145: {  	[tilespmem:s4+$0xFE50] =	vst v8;
	v8 =	vld [tilespmem:s4+$0xFEC0];
	v10 =	vadd.f32 v13, v61  }
0x146: {  	v12 =	vadd.f32 v14, v62;
	[tilespmem:s4+$0xFE60] =	vst v9;
	v9 =	vld [tilespmem:s4+$0xFED0]  }
0x147: {  	s7 =	simm.s32 $0x400;
	v11 =	vadd.f32 v15, v63;
	[tilespmem:s4+$0xFE70] =	vst v10;
	v10 =	vld [tilespmem:s4+$0xFEE0]  }
.LBB2_9:
0x148: {  	s8 =	sshra.s32 s7, $0x2;
	p0 =	sne.s32 s7, $0xC400;
	[tilespmem:s4+$0xFE80] =	vst v12;
	v5 =	vadd.f32 v5, v7;
	v7 =	vld [tilespmem:s4+$0xFEF0]  }
0x149: {  	v12 =	vld [tilespmem:s8+$0x13000];
	[tilespmem:s4+$0xFE90] =	vst v11;
	v4 =	vadd.f32 v4, v6  }
0x14a: {  	v6 =	vld [tilespmem:s8+$0x13010];
	[tilespmem:s4+$0xFEA0] =	vst v5;
	v3 =	vadd.f32 v3, v8  }
0x14b: {  	v8 =	vld [tilespmem:s8+$0x13020];
	[tilespmem:s4+$0xFEB0] =	vst v4;
	v2 =	vadd.f32 v2, v9  }
0x14c: {  	v9 =	vld [tilespmem:s8+$0x13030];
	[tilespmem:s4+$0xFEC0] =	vst v3;
	v1 =	vadd.f32 v1, v10  }
0x14d: {  	v10 =	vld [tilespmem:s8+$0x13040];
	[tilespmem:s4+$0xFED0] =	vst v2;
	v0 =	vadd.f32 v0, v7  }
0x14e: {  	v7 =	vld [tilespmem:s8+$0x13050];
	[tilespmem:s4+$0xFEE0] =	vst v1  }
0x14f: {  	v11 =	vld [tilespmem:s8+$0x13060];
	[tilespmem:s4+$0xFEF0] =	vst v0;
	s4 =	smov.u32 s8  }
0x150: {  	v13 =	vld [tilespmem:s4+$0x13070]  }
0x151: {  	v14 =	vld [tilespmem:s4+$0x13080]  }
0x152: {  	v15 =	vld [tilespmem:s4+$0x13090]  }
0x153: {  	v5 =	vld [tilespmem:s4+$0x130A0]  }
0x154: {  	v4 =	vld [tilespmem:s4+$0x130B0]  }
0x155: {  	v3 =	vld [tilespmem:s4+$0x130C0]  }
0x156: {  	v2 =	vld [tilespmem:s4+$0x130D0]  }
0x157: {  	v1 =	vld [tilespmem:s4+$0x130E0]  }
0x158: {  	v0 =	vld [tilespmem:s4+$0x130F0]  }
0x159: {  	v16 =	vld [tilespmem:s4+$0xFE00]  }
0x15a: {  	v17 =	vld [tilespmem:s4+$0xFE10]  }
0x15b: {  	v18 =	vld [tilespmem:s4+$0xFE20]  }
0x15c: {  	v19 =	vld [tilespmem:s4+$0xFE30]  }
0x15d: {  	v20 =	vld [tilespmem:s4+$0xFE40]  }
0x15e: {  	v12 =	vadd.f32 v12, v16;
	v16 =	vld [tilespmem:s4+$0xFE50]  }
0x15f: {  	v6 =	vadd.f32 v6, v17;
	v17 =	vld [tilespmem:s4+$0xFE60]  }
0x160: {  	[tilespmem:s4+$0xFE00] =	vst v12;
	v8 =	vadd.f32 v8, v18;
	v12 =	vld [tilespmem:s4+$0xFE70]  }
0x161: {  	[tilespmem:s4+$0xFE10] =	vst v6;
	v6 =	vadd.f32 v9, v19;
	v9 =	vld [tilespmem:s4+$0xFE80]  }
0x162: {  	[tilespmem:s4+$0xFE20] =	vst v8;
	v8 =	vadd.f32 v10, v20;
	v10 =	vld [tilespmem:s4+$0xFE90]  }
.Ltmp3:
0x163: {  	[tilespmem:s4+$0xFE30] =	vst v6;
	v16 =	vadd.f32 v7, v16;
	v7 =	vld [tilespmem:s4+$0xFEA0];
	(pc) =	sbr.rel @p0 .LBB2_9-.Ltmp3, $4  }
0x164: {  	[tilespmem:s4+$0xFE40] =	vst v8;
	v11 =	vadd.f32 v11, v17;
	v6 =	vld [tilespmem:s4+$0xFEB0]  }
0x165: {  	[tilespmem:s4+$0xFE50] =	vst v16;
	v13 =	vadd.f32 v13, v12;
	v8 =	vld [tilespmem:s4+$0xFEC0]  }
0x166: {  	[tilespmem:s4+$0xFE60] =	vst v11;
	v12 =	vadd.f32 v14, v9;
	v9 =	vld [tilespmem:s4+$0xFED0]  }
0x167: {  	s7 =	sadd.s32 $0x400, s7;
	[tilespmem:s4+$0xFE70] =	vst v13;
	v11 =	vadd.f32 v15, v10;
	v10 =	vld [tilespmem:s4+$0xFEE0]  }
0x168: {  	[tilespmem:s4+$0xFE80] =	vst v12;
	v5 =	vadd.f32 v5, v7;
	v63 =	vld [tilespmem:s4+$0xFEF0]  }
0x169: {  	[tilespmem:s4+$0xFE90] =	vst v11;
	v4 =	vadd.f32 v4, v6  }
0x16a: {  	s1 =	sadd.s32 $0x1, s1;
	[tilespmem:s4+$0xFEA0] =	vst v5;
	v3 =	vadd.f32 v3, v8  }
0x16b: {  	p0 =	sne.s32 s1, $0x20;
	[tilespmem:s4+$0xFEB0] =	vst v4;
	v2 =	vadd.f32 v2, v9  }
.Ltmp4:
0x16c: {  	s7 =	sadd.s32 s3, s9;
	[tilespmem:s4+$0xFEC0] =	vst v3;
	v1 =	vadd.f32 v1, v10;
	(pc) =	sbr.rel @p0 .LBB2_2-.Ltmp4, $4  }
0x16d: {  	s7 =	smul.u32 $0xC80, s7;
	[tilespmem:s4+$0xFED0] =	vst v2;
	v0 =	vadd.f32 v0, v63  }
0x16e: {  	[tilespmem:s4+$0xFEE0] =	vst v1  }
0x16f: {  	s14 =	sadd.s32 s6, s7;
	[tilespmem:s4+$0xFEF0] =	vst v0  }
0x170: {  	[hbm4b:s14+s18] =	stream.strided.scatter [tilespmem:s23], [sflag:$0x8], $0x3200, s19, s18, $0x38;
	[tilespmem:$0x16200] =	vst v63  }
0x171: {  	_ =	swait.ge [sflag:s28], $0x3200  }
0x172: {  	[sflag:s28] =	ssyncset.done $0x0  }
0x173: {  	[sflag:s28] =	ssyncadd.s32 $0xFFFFCE00  }
0x174: {  	_ =	swait.ge [sflag:s29], $0x3200  }
0x175: {  	[sflag:s29] =	ssyncset.done $0x0  }
0x176: {  	[sflag:s29] =	ssyncadd.s32 $0xFFFFCE00  }
0x177: {  	_ =	swait.ge [sflag:s30], $0x3200  }
0x178: {  	[sflag:s30] =	ssyncset.done $0x0  }
0x179: {  	[sflag:s30] =	ssyncadd.s32 $0xFFFFCE00  }
0x17a: {  	_ =	swait.ge [sflag:s31], $0x3200  }
0x17b: {  	s0 =	sadd.s32 $0x1, s0;
	s1 =	rddreg [dreg:$0x5]  }
0x17c: {  	p0 =	sne.s32 s0, s1  }
.Ltmp5:
0x17d: {  	_ = 	snop;
	(pc) =	sbr.rel @p0 .LBB2_1-.Ltmp5, $3  }
0x17e: {  	_ =	sdelay $0x1  }
0x17f: {  	[sflag:s31] =	ssyncset.done $0x0  }
0x180: {  	[sflag:s31] =	ssyncadd.s32 $0xFFFFCE00  }
0x181: {  	_ =	sfence.sel $0x180000  }
0x182: {  	[bflag:$0x0] =	sbarrier.arrive $0xFFFF  }
0x183: {  	_ =	strace $0x90000047  }
0x184: {  	s0 =	stileid.u32;
	[bflag:$0x2] =	sbarrier.arrive $0xFFFF  }
0x185: {  	p0 =	sne.s32 s0, $0x0;
	s0 =	rddreg [dreg:$0x2]  }
0x186: {  	s0 =	sadd.s32 @!p0 $0x100000, s0  }
0x187: {  	[sflag:s0] =	ssyncadd.tile.s32 @!p0 $0x1;
	_ =	shalt  }
.Lfunc_end2:
_tile_overlayer_lowered:
.L_overlay_start_2:
0x188: {  	(tag) =	ssettag $0x2  }
0x189: {  	s0 =	rddreg [dreg:$0x0];
	s2 =	stileid.u32  }
0x18a: {  	s1 =	rddreg [dreg:$0x1];
	p0 =	sne.s32 s2, $0x0  }
0x18b: {  	s3 =	rddreg [dreg:$0x2];
	[bflag:$0x3] =	sbarrier.arrive $0xFFFF;
	s2 =	simm.s32 @!p0 $0x1C09  }
0x18c: {  	[timem:s3], [sflag:s2] =	dma.local @!p0 [hbm:s0], s1  }
0x18d: {  	s0 =	simm.s32 @!p0 $0x9  }
0x18e: {  	_ =	swait.ge @!p0 [sflag:s0], s1  }
0x18f: {  	s1 =	ssub.s32 @!p0 $0x0, s1;
	[sflag:s0] =	ssyncset.done @!p0 $0x0  }
0x190: {  	[sflag:s0] =	ssyncadd.s32 @!p0 s1  }
0x191: {  	[bflag:$0x3] =	sbarrier.arrive $0xFFFF  }
0x192: {  	_ =	shalt  }

// kernel: sparse-core-data-format-call.cloned.1.call-start
scs
called_computation_lowered:
.L_overlay_start_0:
0x0: {  	s2 =	sld [smem:$0x3FD9]  }
0x1: {  	s3 =	sld [smem:$0x3FFE];
	_ =	sdelay $0x1  }
0x2: {  	s1 =	srdreg.scid  }
0x3: {  	s0 =	sand.u32 $0x1, s1  }
0x4: {  	s18 =	sshll.u32 s0, $0xA;
	s2 =	sadd.s32 s3, s2  }
0x5: {  	s2 =	sadd.s32 s2, s18  }
0x6: {  	[smem:$0x3FC6] =	sst s2  }
0x7: {  	_ = 	snop  }
0x8: {  	s2 =	sld [smem:$0x3FD0];
	(tm) =	ssettm $0x1  }
0x9: {  	s19 =	sld [smem:$0x3FFB];
	_ =	sdelay $0x3  }
0xa: {  	_ =	strace s19  }
0xb: {  	s3 =	sld [smem:$0x3FFC];
	_ =	sdelay $0x3  }
0xc: {  	_ =	strace s3  }
0xd: {  	s3 =	sld [smem:$0x3FFD];
	_ =	sdelay $0x3  }
0xe: {  	_ =	strace s3  }
0xf: {  	_ =	strace $0x8FFFFFFF  }
0x10: {  	s20 =	sld [smem:$0x3FDB];
	_ =	sdelay $0x1  }
0x11: {  	s4 =	simm.s32 $_scs_section_size  }
0x12: {  	s5 =	simm.s32 $_size__tile_overlayer_lowered;
	s6 =	simm.s32 $_tile_overlayer_lowered  }
0x13: {  	s23 =	simm.s32 $0x1BFF;
	s22 =	sshll.u32 s6, $0x1;
	s3 =	sadd.s32 s4, s20  }
0x14: {  	s7 =	simm.s32 $0x0;
	s21 =	sshll.u32 s5, $0x1;
	s5 =	sadd.s32 s22, s3  }
0x15: {  	[timem:s7], [sflag:s23] =	dma.local [hbm:s5], s21  }
0x16: {  	_ =	swait.ge [sflag:s23], s21  }
0x17: {  	s4 =	ssub.s32 $0x0, s21;
	[sflag:s23] =	ssyncset.done $0x0  }
0x18: {  	[sflag:s23] =	ssyncadd.s32 s4;
	_ =	sdelay $0x1  }
0x19: {  	s24 =	simm.s32 $0x1B8B  }
0x1a: {  	_ =	swait.ge [sflag:s24], $0x1  }
0x1b: {  	[sflag:s24] =	ssyncset.done $0x0  }
0x1c: {  	s26 =	simm.s32 $0x1B8E;
	s25 =	sld [smem:$0x3FFE];
	[sflag:s24] =	ssyncadd.s32 $0xFFFFFFFF  }
0x1d: {  	s27 =	simm.s32 $execute0_lowered;
	[smem:$0x3FD2] =	sst s26  }
0x1e: {  	s5 =	sshll.u32 s27, $0x1;
	_ =	strace $0x80000049;
	[dreg:$0x1] =	wrdreg $0xFFFFFFFF  }
0x1f: {  	s28 =	simm.s32 $_size_execute0_lowered;
	s3 =	sadd.s32 s3, s5;
	[dreg:$0x0] =	wrdreg $0x0  }
0x20: {  	s5 =	sshll.u32 s28, $0x1;
	[dreg:$0x2] =	wrdreg s3  }
0x21: {  	[dreg:$0x3] =	wrdreg s5  }
0x22: {  	[dreg:$0x4] =	wrdreg $0xC0  }
0x23: {  	_ =	task [dreg:s7], $0x5FFFF  }
0x24: {  	[dreg:$0x1] =	wrdreg $0xFFFFFFFF  }
0x25: {  	[dreg:$0x0] =	wrdreg $0x60  }
0x26: {  	[dreg:$0x2] =	wrdreg s25  }
0x27: {  	[dreg:$0x3] =	wrdreg s2  }
0x28: {  	[dreg:$0x4] =	wrdreg $0x9  }
0x29: {  	_ =	task.clear_ibuf [dreg:s7], $0x5FFFF;
	_ =	strace $0x90000049  }
0x2a: {  	s29 =	simm.s32 $0x9;
	_ =	strace $0x8000004B  }
0x2b: {  	_ =	swait.ge [sflag:s29], $0x1  }
0x2c: {  	[sflag:s29] =	ssyncadd.s32 $0xFFFFFFFF  }
0x2d: {  	_ =	strace $0x9000004B  }
0x2e: {  	_ =	sfence  }
0x2f: {  	s30 =	sld [smem:$0x0];
	_ =	sdelay $0x2  }
0x30: {  	s31 =	sshll.u32 s1, $0xD;
	s1 =	sshrl.u32 s1, $0x2  }
0x31: {  	s3 =	sand.u32 $0x4000, s31;
	s1 =	sadd.s32 s1, s30  }
0x32: {  	s0 =	sor.u32 s3, s0;
	s1 =	sshll.u32 s1, $0x11  }
0x33: {  	s0 =	sor.u32 s1, s0  }
0x34: {  	s0 =	sadd.s32 $0x8F2B, s0  }
0x35: {  	[sflag:s0] =	ssyncadd.remote.s32 $0x1  }
0x36: {  	_ =	sfence.sel $0xFFFF  }
0x37: {  	[dreg:$0x0] =	wrdreg $0xFFFFFFFF;
	(pc) =	sbr.abs _section_cstart, $3  }
0x38: {  	[dreg:$0x1] =	wrdreg $0xFFFFFFFF  }
0x39: {  	_ =	task.clear_ibuf [dreg:s7], $0x2FFFF;
	_ =	strace $0x9FFFFFFF  }
0x3a: {  	(tm) =	ssettm $0x7FFFFFFF  }
0x3b: {  	_ =	shalt  }
tec
execute0_lowered:
.L_overlay_start_1:
0x0: {  	(tag) =	ssettag $0x1  }
0x1: {  	s0 =	srdreg.scid  }
0x2: {  	s1 =	sshll.u32 s0, $0x4  }
0x3: {  	s0 =	stileid.u32;
	s1 =	sand.u32 $0x10, s1  }
0x4: {  	s1 =	sor.u32 s0, s1  }
0x5: {  	s6 =	rddreg [dreg:$0x0];
	s4 =	simm.s32 $0x1;
	s2 =	sshll.u32 s1, $0x7  }
0x6: {  	s7 =	simm.s32 $0x2;
	s12 =	simm.s32 $0x0;
	s1 =	ssub.s32 $0x1000, s2  }
0x7: {  	s8 =	simm.s32 $0x8000;
	s13 =	simm.s32 $0x0;
	s3 =	sand.u32 $0xF80, s1  }
0x8: {  	s9 =	simm.s32 $0x0;
	s5 =	sshrl.u32 s1, $0xC;
	p0 =	sne.s32 s3, $0x0  }
.Ltmp0:
0x9: {  	s1 =	rddreg [dreg:$0x2];
	s4 =	simm.s32 @!p0 $0x0;
	(pc) =	sbr.rel .LBB1_1-.Ltmp0, $4  }
0xa: {  	s11 =	simm.s32 $0x0;
	s3 =	rddreg [dreg:$0x1];
	s5 =	sadd.s32 s4, s5  }
0xb: {  	_ =	strace $0x8000004A;
	s4 =	simm.s32 $0x1;
	s5 =	smul.u32 $0xC8, s5  }
0xc: {  	s6 =	sadd.s32 $0x2200, s6;
	s10 =	smov.u32 s2;
	[sflag:s4] =	ssyncpa.u1 $0x0  }
0xd: {  	p0 =	por $0x0, $0x0;
	[sflag:s7] =	ssyncpa.u1 $0x0;
	s7 =	sor.u32 $0x1, s5  }
.LBB1_4:
0xe: {  	s16 =	sshll.u32 s13, $0x3;
	s17 =	sand.u32 $0x78, s13  }
0xf: {  	s30 =	sand.u32 $0x7E00, s13;
	s12 =	sshll.u32 s12, $0xF;
	s16 =	sand.u32 $0xC00, s16  }
0x10: {  	[tilespmem:s15+$0x810 ss:$0x81] =	vst.msk $0xffff, v2;
	s31 =	sand.u32 $0x7, s13;
	s16 =	sor.u32 s17, s16;
	s17 =	sadd.s32 s3, s30  }
0x11: {  	[tilespmem:s15+$0x1020 ss:$0x81] =	vst.msk $0xffff, v0;
	s13 =	sshll.u32 s31, $0x12;
	s12 =	sadd.s32 s12, s17;
	s16 =	sshrl.u32 s16, $0x3  }
0x12: {  	[tilespmem:s15+$0x0 ss:$0x81] =	vst.msk $0xffff, v1;
	s13 =	sor.u32 $0x400, s13;
	s12 =	sadd.s32 s16, s12  }
0x13: {  	[hbm4b:s12+s13] =	stream.strided.scatter [tilespmem:s14], [sflag:$0x2], $0x2000, s8, s13, $0x20;
	[tilespmem:$0x8080] =	vst v63  }
.LBB1_5:
0x14: {  	s14 =	sadd.s32 $0x1, s9  }
0x15: {  	s12 =	sadd.s32 $0x1000, s10;
	s16 =	smov.u32 s10;
	p2 =	sgt.s32 s14, $0xC7  }
0x16: {  	s16 =	smov.u32 @p2 s12  }
0x17: {  	s14 =	simm.s32 @p2 $0x0;
	p2 =	sgt.s32 s16, $0xFFF  }
0x18: {  	s16 =	smov.u32 @p2 s2;
	p2 =	sne.s32 s11, s7  }
.Ltmp1:
0x19: {  	p1 =	slt.u32 s11, $0x2;
	(pc) =	sbr.rel @!p2 .LBB1_6-.Ltmp1, $4  }
0x1a: {  	s15 =	simm.s32 @!p1 $0x2  }
0x1b: {  	s13 =	smov.u32 s10;
	p0 =	por !p0, !p0;
	_ =	swait.ge @!p1 [sflag:s15], $0x2000  }
0x1c: {  	s12 =	smov.u32 s9;
	[sflag:s15] =	ssyncset.done @!p1 $0x0;
	s9 =	smov.u32 s14  }
0x1d: {  	s11 =	sadd.s32 $0x1, s11;
	[sflag:s15] =	ssyncadd.s32 @!p1 $0xFFFFE000;
	s10 =	smov.u32 s16  }
.LBB1_1:
0x1e: {  	p1 =	sge.u32 s11, s5  }
0x1f: {  	s14 =	sand.u32 @!p1 $0x1FFFFFF, s9  }
0x20: {  	s15 =	smulhi.u32 @!p1 $0x147AE15, s14;
	_ =	sdelay $0x1  }
0x21: {  	s15 =	smul.u32 @!p1 $0xC8, s15  }
0x22: {  	s16 =	sxor.u32 @!p1 $0xFFFFFFFF, s11;
	s17 =	smul.u32 @!p1 $0xC80, s10  }
0x23: {  	s31 =	sadd.s32 $0xFFFFFFFF, s11;
	s16 =	sshll.u32 @!p1 s16, $0xD;
	s14 =	ssub.s32 @!p1 s14, s15  }
0x24: {  	s15 =	sand.u32 @!p1 $0x2000, s16;
	s16 =	sadd.s32 @!p1 s6, s17;
	s14 =	sshll.u32 @!p1 s14, $0x4  }
0x25: {  	s17 =	simm.s32 @!p1 $0x6400;
	s14 =	sadd.s32 @!p1 s14, s16;
	s16 =	simm.s32 @!p1 $0x40  }
0x26: {  	[tilespmem:s15], [sflag:$0x1] =	stream.strided.gather @!p1 [hbm4b:s14+s16], $0x2000, s17, s16, $0x38;
	[tilespmem:$0x8080] =	vst v63  }
0x27: {  	p1 =	sge.u32 s31, s5  }
.Ltmp2:
0x28: {  	_ = 	snop;
	(pc) =	sbr.rel @p1 .LBB1_5-.Ltmp2, $1  }
0x29: {  	_ =	sdelay $0x3  }
0x2a: {  	s14 =	simm.s32 $0x1  }
0x2b: {  	_ =	swait.ge [sflag:s4], $0x2000;
	s14 =	simm.s32 @!p0 $0x0  }
0x2c: {  	[sflag:s4] =	ssyncset.done $0x0;
	s15 =	sshll.u32 s14, $0xD  }
0x2d: {  	[sflag:s4] =	ssyncadd.s32 $0xFFFFE000;
	s18 =	sor.u32 $0x20, s15  }
0x2e: {  	s14 =	smul.u32 $0x8100, s14;
	v3 =	vld [tilespmem:s18+$0x10]  }
0x2f: {  	s30 =	sand.u32 $0x1, s11;
	v2 =	vld [tilespmem:s18+$0xFFFFFFF0]  }
0x30: {  	s15 =	smul.u32 $0x8100, s30;
	s14 =	sshrl.u32 s14, $0x2;
	v0 =	vld [tilespmem:s18+$0x0]  }
0x31: {  	v1 =	vld [tilespmem:s18+$0xFFFFFFE0];
	s16 =	sor.u32 $0x4000, s14  }
0x32: {  	s31 =	sshrl.u32 s15, $0x2;
	s15 =	sadd.s32 $0x0, s16  }
0x33: {  	s17 =	simm.s32 $0x4;
	s18 =	sadd.s32 $0x40, s18;
	s14 =	sor.u32 $0x4000, s31;
	[tilespmem:s15+$0x1830 ss:$0x81] =	vst.msk $0xffff, v3  }
.LBB1_3:
0x34: {  	v3 =	vld [tilespmem:s18+$0x10];
	p1 =	sne.s32 s17, $0x1FC;
	[tilespmem:s15+$0x810 ss:$0x81] =	vst.msk $0xffff, v2;
	s19 =	smov.u32 s17;
	s17 =	sadd.s32 $0x4, s17  }
.Ltmp3:
0x35: {  	v2 =	vld [tilespmem:s18+$0xFFFFFFF0];
	[tilespmem:s15+$0x1020 ss:$0x81] =	vst.msk $0xffff, v0;
	(pc) =	sbr.rel @p1 .LBB1_3-.Ltmp3, $4  }
0x36: {  	v0 =	vld [tilespmem:s18+$0x0];
	[tilespmem:s15+$0x0 ss:$0x81] =	vst.msk $0xffff, v1  }
0x37: {  	s15 =	sshra.s32 s19, $0x2;
	v1 =	vld [tilespmem:s18+$0xFFFFFFE0]  }
0x38: {  	s15 =	sadd.s32 s15, s16  }
0x39: {  	s18 =	sadd.s32 $0x40, s18;
	[tilespmem:s15+$0x1830 ss:$0x81] =	vst.msk $0xffff, v3  }
.Ltmp4:
0x3a: {  	_ = 	snop;
	(pc) =	sbr.rel .LBB1_4-.Ltmp4, $1  }
0x3b: {  	_ =	sdelay $0x3  }
.LBB1_6:
0x3c: {  	_ =	sfence.sel $0x180000  }
0x3d: {  	s2 =	simm.s32 $0x1;
	[bflag:$0x0] =	sbarrier.arrive $0xFFFF  }
0x3e: {  	s31 =	simm.s32 $0x2;
	[sflag:s2] =	ssyncpa.u1 $0x1  }
0x3f: {  	[sflag:s31] =	ssyncpa.u1 $0x1  }
0x40: {  	p0 =	sne.s32 s0, $0x0;
	_ =	strace $0x9000004A  }
0x41: {  	s0 =	sadd.s32 @!p0 $0x100000, s1;
	[bflag:$0x2] =	sbarrier.arrive $0xFFFF  }
0x42: {  	[sflag:s0] =	ssyncadd.tile.s32 @!p0 $0x1;
	_ =	shalt  }
.Lfunc_end1:
_tile_overlayer_lowered:
.L_overlay_start_2:
0x43: {  	(tag) =	ssettag $0x2  }
0x44: {  	s0 =	rddreg [dreg:$0x0];
	s2 =	stileid.u32  }
0x45: {  	s1 =	rddreg [dreg:$0x1];
	p0 =	sne.s32 s2, $0x0  }
0x46: {  	s3 =	rddreg [dreg:$0x2];
	[bflag:$0x3] =	sbarrier.arrive $0xFFFF;
	s2 =	simm.s32 @!p0 $0x1C01  }
0x47: {  	[timem:s3], [sflag:s2] =	dma.local @!p0 [hbm:s0], s1  }
0x48: {  	s0 =	simm.s32 @!p0 $0x1  }
0x49: {  	_ =	swait.ge @!p0 [sflag:s0], s1  }
0x4a: {  	s1 =	ssub.s32 @!p0 $0x0, s1;
	[sflag:s0] =	ssyncset.done @!p0 $0x0  }
0x4b: {  	[sflag:s0] =	ssyncadd.s32 @!p0 s1  }
0x4c: {  	[bflag:$0x3] =	sbarrier.arrive $0xFFFF  }
0x4d: {  	_ =	shalt  }

</sc_bundles>
